<compile_context>
chip_gen: v7x
topology: tpu7x:2x2x1
jax: 0.10.2.dev20260603
libtpu: 0.0.44.dev20260713+nightly
codegen_flags: <defaults>
</compile_context>

<pallas_src>
import jax
import jax.numpy as jnp
from jax import lax
from jax.experimental import pallas as pl
from jax.experimental.pallas import tpu as pltpu
from jax.experimental.pallas import tpu_sc as plsc

N = 10000
E = 320000
NC = 2
NS = 16
NW = NC * NS
NP = 10240
RPT = NP // NS
CH = 128
EPW = NP
EPAD = NW * EPW
NCHUNK = EPW // CH
NBLK1 = 8
IB1 = NCHUNK // NBLK1
NBLK2 = 5
IB2 = NCHUNK // NBLK2


def _sc_aggregate(table, src4, dst4, zrows, with_deg, zdeg=None, ones=None,
                  nblk=NBLK1, ib=IB1):
    D = table.shape[1]
    mesh = plsc.VectorSubcoreMesh(
        core_axis_name="c", subcore_axis_name="s", num_cores=NC, num_subcores=NS
    )
    out_type = [jax.ShapeDtypeStruct((NC * NP, D), jnp.float32)]
    if with_deg:
        out_type.append(jax.ShapeDtypeStruct((NC * NP,), jnp.float32))
    scratch = {
        "acc_sh": pltpu.VMEM_SHARED((NP, D), jnp.float32),
        "src_v": pltpu.VMEM((ib, CH), jnp.int32),
        "dst_v": pltpu.VMEM((ib, CH), jnp.int32),
        "dsem": pltpu.SemaphoreType.DMA,
    }
    RB = 2 if D > 64 else 4
    for r in range(RB):
        scratch[f"rows_v{r}"] = pltpu.VMEM((CH, D), jnp.float32)
        scratch[f"gsem{r}"] = pltpu.SemaphoreType.DMA
        scratch[f"ssem{r}"] = pltpu.SemaphoreType.DMA
    if with_deg:
        scratch["deg_sh"] = pltpu.VMEM_SHARED((NP, 16), jnp.float32)
        scratch["ones_v"] = pltpu.VMEM((CH, 16), jnp.float32)
        scratch["dbounce_v"] = pltpu.VMEM((32, 16), jnp.float32)
        scratch["degf_v"] = pltpu.VMEM((RPT,), jnp.float32)

    def body(*refs, acc_sh, src_v, dst_v, dsem, deg_sh=None, ones_v=None,
             dbounce_v=None, degf_v=None, **ring):
        if with_deg:
            (table_h, src_h, dst_h, zrows_h, zdeg_h, ones_h,
             acc_out, deg_out) = refs
        else:
            (table_h, src_h, dst_h, zrows_h, acc_out) = refs
        c = lax.axis_index("c")
        s = lax.axis_index("s")
        wid = c * NS + s

        pltpu.sync_copy(zrows_h, acc_sh.at[pl.ds(s * RPT, RPT)])
        if with_deg:
            pltpu.sync_copy(zdeg_h, deg_sh.at[pl.ds(s * RPT, RPT)])
            pltpu.sync_copy(ones_h, ones_v)
        plsc.subcore_barrier()

        rows = [ring[f"rows_v{r}"] for r in range(RB)]
        gsems = [ring[f"gsem{r}"] for r in range(RB)]
        ssems = [ring[f"ssem{r}"] for r in range(RB)]

        def blk_step(b, carry):
            pltpu.sync_copy(src_h.at[wid, b], src_v)
            pltpu.sync_copy(dst_h.at[wid, b], dst_v)
            gd = [None] * ib
            sd = [None] * ib
            gd[0] = pltpu.async_copy(table_h.at[src_v.at[0]], rows[0], gsems[0])
            deg_d = []
            for j in range(ib):
                if j + 1 < ib:
                    if j + 1 >= RB:
                        sd[j + 1 - RB].wait()
                    gd[j + 1] = pltpu.async_copy(
                        table_h.at[src_v.at[j + 1]], rows[(j + 1) % RB],
                        gsems[(j + 1) % RB])
                gd[j].wait()
                sd[j] = pltpu.async_copy(rows[j % RB],
                                         acc_sh.at[dst_v.at[j]],
                                         ssems[j % RB], add=True)
                if with_deg:
                    deg_d.append(pltpu.async_copy(
                        ones_v, deg_sh.at[dst_v.at[j]], dsem, add=True))
            for t in range(max(0, ib - RB), ib):
                sd[t].wait()
            for dd in deg_d:
                dd.wait()
            return carry

        lax.fori_loop(0, nblk, blk_step, 0)
        plsc.subcore_barrier()

        pltpu.sync_copy(acc_sh.at[pl.ds(s * RPT, RPT)],
                        acc_out.at[pl.ds(c * NP + s * RPT, RPT)])
        if with_deg:
            iota16 = lax.iota(jnp.int32, 16)

            def tr_step(p, carry):
                pltpu.sync_copy(deg_sh.at[pl.ds(s * RPT + p * 32, 32)],
                                dbounce_v)
                for t in range(2):
                    vec = jnp.zeros((16,), jnp.float32)
                    for k in range(16):
                        vec = jnp.where(iota16 == k,
                                        dbounce_v[16 * t + k, :], vec)
                    degf_v[pl.ds(p * 32 + t * 16, 16)] = vec
                return carry

            lax.fori_loop(0, RPT // 32, tr_step, 0)
            pltpu.sync_copy(degf_v, deg_out.at[pl.ds(c * NP + s * RPT, RPT)])

    run = pl.kernel(body, out_type=out_type, mesh=mesh, scratch_types=scratch,
                    compiler_params=pltpu.CompilerParams(
                        use_tc_tiling_on_sc=False))
    if with_deg:
        return run(table, src4, dst4, zrows, zdeg, ones)
    return run(table, src4, dst4, zrows)


BN = 1024
NGRID = NP // BN


def _tc1_body(acc0, acc1, deg0, deg1, x, w1l, b1l, w1r, w2l, h1_out, y2_out):
    acc = acc0[0] + acc1[0]
    deg = jnp.maximum(deg0[...] + deg1[...], 1.0)
    mean = acc / deg[:, None]
    h1 = lax.dot_general(mean, w1l[...], (((1,), (1,)), ((), ())),
                         preferred_element_type=jnp.float32)
    h1 = h1 + b1l[...] + lax.dot_general(x[...], w1r[...],
                                         (((1,), (1,)), ((), ())),
                                         preferred_element_type=jnp.float32)
    h1 = jnp.maximum(h1, 0.0)
    h1_out[...] = h1
    y2_out[...] = lax.dot_general(h1, w2l[...], (((1,), (1,)), ((), ())),
                                  preferred_element_type=jnp.float32)


def _tc_layer1(accp, degf, x, w1l, b1l, w1r, w2l):
    return pl.pallas_call(
        _tc1_body,
        grid=(NGRID,),
        in_specs=[
            pl.BlockSpec((1, BN, 128), lambda i: (0, i, 0)),
            pl.BlockSpec((1, BN, 128), lambda i: (1, i, 0)),
            pl.BlockSpec((BN,), lambda i: (i,)),
            pl.BlockSpec((BN,), lambda i: (NGRID + i,)),
            pl.BlockSpec((BN, 128), lambda i: (i, 0)),
            pl.BlockSpec((128, 128), lambda i: (0, 0)),
            pl.BlockSpec((1, 128), lambda i: (0, 0)),
            pl.BlockSpec((128, 128), lambda i: (0, 0)),
            pl.BlockSpec((32, 128), lambda i: (0, 0)),
        ],
        out_specs=[
            pl.BlockSpec((BN, 128), lambda i: (i, 0)),
            pl.BlockSpec((BN, 32), lambda i: (i, 0)),
        ],
        out_shape=[
            jax.ShapeDtypeStruct((N, 128), jnp.float32),
            jax.ShapeDtypeStruct((NP, 32), jnp.float32),
        ],
    )(accp, accp, degf, degf, x, w1l, b1l, w1r, w2l)


def _tc2_body(acc0, acc1, deg0, deg1, h1, w2r, b2l, wfc, bfc, out, psum):
    i = pl.program_id(0)
    acc = acc0[0] + acc1[0]
    deg = jnp.maximum(deg0[...] + deg1[...], 1.0)
    h2 = acc / deg[:, None] + b2l[...] + lax.dot_general(
        h1[...], w2r[...], (((1,), (1,)), ((), ())),
        preferred_element_type=jnp.float32)
    h2 = jnp.maximum(h2, 0.0)
    rows = i * BN + lax.broadcasted_iota(jnp.int32, (BN, 1), 0)
    h2 = jnp.where(rows < N, h2, 0.0)
    blk = jnp.sum(h2, axis=0, keepdims=True)

    @pl.when(i == 0)
    def _():
        psum[...] = blk

    @pl.when(i > 0)
    def _():
        psum[...] = psum[...] + blk

    @pl.when(i == NGRID - 1)
    def _():
        g = psum[...] / float(N)
        logits = lax.dot_general(g, wfc[...], (((1,), (1,)), ((), ())),
                                 preferred_element_type=jnp.float32) + bfc[...]
        m = jnp.max(logits)
        e = jnp.exp(logits - m)
        out[...] = e / jnp.sum(e)


def _tc_layer2(accp, degf, h1, w2r, b2l, wfc, bfc):
    return pl.pallas_call(
        _tc2_body,
        grid=(NGRID,),
        in_specs=[
            pl.BlockSpec((1, BN, 32), lambda i: (0, i, 0)),
            pl.BlockSpec((1, BN, 32), lambda i: (1, i, 0)),
            pl.BlockSpec((BN,), lambda i: (i,)),
            pl.BlockSpec((BN,), lambda i: (NGRID + i,)),
            pl.BlockSpec((BN, 128), lambda i: (i, 0)),
            pl.BlockSpec((32, 128), lambda i: (0, 0)),
            pl.BlockSpec((1, 32), lambda i: (0, 0)),
            pl.BlockSpec((16, 32), lambda i: (0, 0)),
            pl.BlockSpec((1, 16), lambda i: (0, 0)),
        ],
        out_specs=pl.BlockSpec((1, 16), lambda i: (0, 0)),
        out_shape=jax.ShapeDtypeStruct((1, 16), jnp.float32),
        scratch_shapes=[pltpu.VMEM((1, 32), jnp.float32)],
    )(accp, accp, degf, degf, h1, w2r, b2l, wfc, bfc)


def kernel(x, edge_index, w1_l, b1_l, w1_r, w2_l, b2_l, w2_r, w_fc, b_fc):
    pad_iota = jnp.arange(EPAD - E, dtype=jnp.int32)
    srcp = jnp.concatenate([edge_index[0], pad_iota % N])
    dstp = jnp.concatenate([edge_index[1], N + pad_iota % (NP - N)])
    src1 = srcp.reshape(NW, NBLK1, IB1, CH)
    dst1 = dstp.reshape(NW, NBLK1, IB1, CH)
    src2 = srcp.reshape(NW, NBLK2, IB2, CH)
    dst2 = dstp.reshape(NW, NBLK2, IB2, CH)
    xp = jnp.pad(x, ((0, NP - N), (0, 0)))
    z128 = jnp.zeros((RPT, 128), jnp.float32)
    z32 = jnp.zeros((RPT, 32), jnp.float32)
    z16 = jnp.zeros((RPT, 16), jnp.float32)
    ones = jnp.ones((CH, 16), jnp.float32)

    acc1p, degf = _sc_aggregate(xp, src1, dst1, z128, True, z16, ones,
                                nblk=NBLK1, ib=IB1)
    acc1p = acc1p.reshape(NC, NP, 128)

    h1, y2 = _tc_layer1(acc1p, degf, x, w1_l, b1_l.reshape(1, 128), w1_r, w2_l)

    (acc2p,) = _sc_aggregate(y2, src2, dst2, z32, False, nblk=NBLK2, ib=IB2)
    acc2p = acc2p.reshape(NC, NP, 32)

    return _tc_layer2(acc2p, degf, h1, w2_r, b2_l.reshape(1, 32),
                      w_fc, b_fc.reshape(1, 16))

# --- scband reference (transcript-rebuilt; emitter-appended) ---
"""Pipeline reference for scband-gnn-66486093742155 (READ-ONLY COPY).

The authoritative reference and input builder live on the scoring server;
editing this copy changes nothing except your own understanding.
"""

import jax, jax.numpy as jnp
import numpy as np

N = 10000
E = 320000
D_IN = 128
D_HID = 128
D_MID = 32
D_OUT = 16


def setup_inputs(seed: int = 0) -> dict:
    key = jax.random.key(seed)
    ks = jax.random.split(key, 10)
    x = jax.random.normal(ks[0], (N, D_IN), dtype=jnp.float32)
    edge_index = jax.random.randint(ks[1], (2, E), 0, N, dtype=jnp.int32)
    # SAGEConv params: lin_l (neighbor aggregation, with bias), lin_r (root, no bias)
    w1_l = jax.random.normal(ks[2], (D_HID, D_IN), dtype=jnp.float32) * 0.05
    b1_l = jnp.zeros((D_HID,), dtype=jnp.float32)
    w1_r = jax.random.normal(ks[3], (D_HID, D_IN), dtype=jnp.float32) * 0.05
    w2_l = jax.random.normal(ks[4], (D_MID, D_HID), dtype=jnp.float32) * 0.05
    b2_l = jnp.zeros((D_MID,), dtype=jnp.float32)
    w2_r = jax.random.normal(ks[5], (D_MID, D_HID), dtype=jnp.float32) * 0.05
    w_fc = jax.random.normal(ks[6], (D_OUT, D_MID), dtype=jnp.float32) * 0.05
    b_fc = jnp.zeros((D_OUT,), dtype=jnp.float32)
    return {"x": x, "edge_index": edge_index, "w1_l": w1_l, "b1_l": b1_l, "w1_r": w1_r,
            "w2_l": w2_l, "b2_l": b2_l, "w2_r": w2_r, "w_fc": w_fc, "b_fc": b_fc}


def sage_conv(x, edge_index, w_l, b_l, w_r):
    # PyG SAGEConv (aggr='mean'): out = lin_l(mean_{j in N(i)} x_j) + lin_r(x_i)
    src = edge_index[0]
    dst = edge_index[1]
    msgs = jnp.take(x, src, axis=0)                      # gather source features
    agg = jax.ops.segment_sum(msgs, dst, num_segments=x.shape[0])   # scatter-add to dst
    deg = jax.ops.segment_sum(jnp.ones((edge_index.shape[1],), x.dtype), dst,
                              num_segments=x.shape[0])
    mean = agg / jnp.clip(deg, 1.0)[:, None]
    return mean @ w_l.T + b_l + x @ w_r.T


def reference(x, edge_index, w1_l, b1_l, w1_r, w2_l, b2_l, w2_r, w_fc, b_fc):
    h = jax.nn.relu(sage_conv(x, edge_index, w1_l, b1_l, w1_r))
    h = jax.nn.relu(sage_conv(h, edge_index, w2_l, b2_l, w2_r))
    g = jnp.mean(h, axis=0, keepdims=True)               # global_mean_pool(x, None) -> [1, 32]
    logits = g @ w_fc.T + b_fc
    return jax.nn.softmax(logits, axis=-1)

if __name__ == "__main__":
    import jax
    _d = setup_inputs()
    print(jax.jit(kernel)(*tuple(_d.values())))

</pallas_src>

<mosaic_0001>
#map = affine_map<(d0, d1) -> (0, 0)>
#map1 = affine_map<(d0, d1) -> (0, 0, 0, 0)>
#map2 = affine_map<(d0, d1) -> (0)>
module attributes {stable_mosaic.version = 14 : i64} {
  func.func @body(%arg0: i32, %arg1: i32, %arg2: memref<10240x128xf32, #tpu.memory_space<hbm>>, %arg3: memref<32x8x10x128xi32, #tpu.memory_space<hbm>>, %arg4: memref<32x8x10x128xi32, #tpu.memory_space<hbm>>, %arg5: memref<640x128xf32, #tpu.memory_space<hbm>>, %arg6: memref<640x16xf32, #tpu.memory_space<hbm>>, %arg7: memref<128x16xf32, #tpu.memory_space<hbm>>, %arg8: memref<20480x128xf32, #tpu.memory_space<hbm>>, %arg9: memref<20480xf32, #tpu.memory_space<hbm>>, %arg10: memref<10240x128xf32, #tpu.memory_space<vmem_shared>>, %arg11: memref<32x16xf32, #tpu.memory_space<vmem>>, %arg12: memref<10240x16xf32, #tpu.memory_space<vmem_shared>>, %arg13: memref<640xf32, #tpu.memory_space<vmem>>, %arg14: memref<!tpu.dma_semaphore, #tpu.memory_space<semaphore_mem>>, %arg15: memref<10x128xi32, #tpu.memory_space<vmem>>, %arg16: memref<!tpu.dma_semaphore, #tpu.memory_space<semaphore_mem>>, %arg17: memref<!tpu.dma_semaphore, #tpu.memory_space<semaphore_mem>>, %arg18: memref<128x16xf32, #tpu.memory_space<vmem>>, %arg19: memref<128x128xf32, #tpu.memory_space<vmem>>, %arg20: memref<128x128xf32, #tpu.memory_space<vmem>>, %arg21: memref<10x128xi32, #tpu.memory_space<vmem>>, %arg22: memref<!tpu.dma_semaphore, #tpu.memory_space<semaphore_mem>>, %arg23: memref<!tpu.dma_semaphore, #tpu.memory_space<semaphore_mem>>) attributes {dimension_semantics = [#tpu.dimension_semantics<core_parallel>, #tpu.dimension_semantics<subcore_parallel>], iteration_bounds = array<i64: 2, 16>, scalar_prefetch = 0 : i64, scratch_operands = 14 : i64, tpu.core_type = #tpu.core_type<sc_vector_subcore>, window_params = [{transform_indices = #map}, {transform_indices = #map1}, {transform_indices = #map1}, {transform_indices = #map}, {transform_indices = #map}, {transform_indices = #map}, {transform_indices = #map}, {transform_indices = #map2}]} {
    %mul3A = arith.constant 16 : i32
    %mul3A_0 = arith.muli %arg0, %mul3A : i32
    %add3A = arith.addi %mul3A_0, %arg1 : i32
    %mul3A_1 = arith.constant 640 : i32
    %mul3A_2 = arith.muli %arg1, %mul3A_1 : i32
    "tpu.region"() ({
      %run_scoped3A = tpu.sem_alloc : memref<!tpu.dma_semaphore, #tpu.memory_space<semaphore_mem>>
      %dma_start3A = arith.constant 0 : i32
      %dma_start3A_29 = tpu.memref_slice %arg10[%mul3A_2, %dma_start3A] : memref<10240x128xf32, #tpu.memory_space<vmem_shared>> -> memref<640x128xf32, #tpu.memory_space<vmem_shared>>
      tpu.enqueue_dma source(%arg5 : memref<640x128xf32, #tpu.memory_space<hbm>>) target(%dma_start3A_29 : memref<640x128xf32, #tpu.memory_space<vmem_shared>>) target_semaphore(%run_scoped3A : memref<!tpu.dma_semaphore, #tpu.memory_space<semaphore_mem>>)
      %dma_wait3A = arith.constant 0 : i32
      %dma_wait3A_30 = tpu.memref_slice %arg10[%mul3A_2, %dma_wait3A] : memref<10240x128xf32, #tpu.memory_space<vmem_shared>> -> memref<640x128xf32, #tpu.memory_space<vmem_shared>>
      tpu.wait_dma2 semaphore(%run_scoped3A : memref<!tpu.dma_semaphore, #tpu.memory_space<semaphore_mem>>) src(%arg5 : memref<640x128xf32, #tpu.memory_space<hbm>>) dst(%dma_wait3A_30 : memref<640x128xf32, #tpu.memory_space<vmem_shared>>)
      tpu.yield
    }) : () -> ()
    %mul3A_3 = arith.constant 640 : i32
    %mul3A_4 = arith.muli %arg1, %mul3A_3 : i32
    "tpu.region"() ({
      %run_scoped3A = tpu.sem_alloc : memref<!tpu.dma_semaphore, #tpu.memory_space<semaphore_mem>>
      %dma_start3A = arith.constant 0 : i32
      %dma_start3A_29 = tpu.memref_slice %arg12[%mul3A_4, %dma_start3A] : memref<10240x16xf32, #tpu.memory_space<vmem_shared>> -> memref<640x16xf32, #tpu.memory_space<vmem_shared>>
      tpu.enqueue_dma source(%arg6 : memref<640x16xf32, #tpu.memory_space<hbm>>) target(%dma_start3A_29 : memref<640x16xf32, #tpu.memory_space<vmem_shared>>) target_semaphore(%run_scoped3A : memref<!tpu.dma_semaphore, #tpu.memory_space<semaphore_mem>>)
      %dma_wait3A = arith.constant 0 : i32
      %dma_wait3A_30 = tpu.memref_slice %arg12[%mul3A_4, %dma_wait3A] : memref<10240x16xf32, #tpu.memory_space<vmem_shared>> -> memref<640x16xf32, #tpu.memory_space<vmem_shared>>
      tpu.wait_dma2 semaphore(%run_scoped3A : memref<!tpu.dma_semaphore, #tpu.memory_space<semaphore_mem>>) src(%arg6 : memref<640x16xf32, #tpu.memory_space<hbm>>) dst(%dma_wait3A_30 : memref<640x16xf32, #tpu.memory_space<vmem_shared>>)
      tpu.yield
    }) : () -> ()
    "tpu.region"() ({
      %run_scoped3A = tpu.sem_alloc : memref<!tpu.dma_semaphore, #tpu.memory_space<semaphore_mem>>
      tpu.enqueue_dma source(%arg7 : memref<128x16xf32, #tpu.memory_space<hbm>>) target(%arg18 : memref<128x16xf32, #tpu.memory_space<vmem>>) target_semaphore(%run_scoped3A : memref<!tpu.dma_semaphore, #tpu.memory_space<semaphore_mem>>)
      tpu.wait_dma2 semaphore(%run_scoped3A : memref<!tpu.dma_semaphore, #tpu.memory_space<semaphore_mem>>) src(%arg7 : memref<128x16xf32, #tpu.memory_space<hbm>>) dst(%arg18 : memref<128x16xf32, #tpu.memory_space<vmem>>)
      tpu.yield
    }) : () -> ()
    %barrier3A = arith.constant 0 : index
    tpu.barrier barrier_id(%barrier3A)
    %scan3A = arith.constant 0 : i32
    %scan3A_5 = arith.constant 0 : i32
    %scan3A_6 = arith.constant 8 : i32
    %scan3A_7 = arith.addi %scan3A_5, %scan3A_6 : i32
    %scan3A_8 = arith.constant 1 : i32
    scf.for %scan3A_29 = %scan3A_5 to %scan3A_7 step %scan3A_8  : i32 {
      "tpu.region"() ({
        %run_scoped3A = tpu.sem_alloc : memref<!tpu.dma_semaphore, #tpu.memory_space<semaphore_mem>>
        %dma_start3A_448 = arith.constant 0 : i32
        %dma_start3A_449 = arith.constant 0 : i32
        %dma_start3A_450 = tpu.memref_slice %arg3[%add3A, %scan3A_29, %dma_start3A_448, %dma_start3A_449] : memref<32x8x10x128xi32, #tpu.memory_space<hbm>> -> memref<1x1x10x128xi32, #tpu.memory_space<hbm>>
        %dma_start3A_451 = tpu.memref_squeeze %dma_start3A_450 : memref<1x1x10x128xi32, #tpu.memory_space<hbm>> -> memref<10x128xi32, #tpu.memory_space<hbm>>
        %dma_start3A_452 = arith.constant 0 : i32
        %dma_start3A_453 = arith.constant 0 : i32
        %dma_start3A_454 = tpu.memref_slice %arg3[%add3A, %scan3A_29, %dma_start3A_452, %dma_start3A_453] : memref<32x8x10x128xi32, #tpu.memory_space<hbm>> -> memref<1x1x10x128xi32, #tpu.memory_space<hbm>>
        %dma_start3A_455 = tpu.memref_squeeze %dma_start3A_454 : memref<1x1x10x128xi32, #tpu.memory_space<hbm>> -> memref<10x128xi32, #tpu.memory_space<hbm>>
        tpu.enqueue_dma source(%dma_start3A_455 : memref<10x128xi32, #tpu.memory_space<hbm>>) target(%arg21 : memref<10x128xi32, #tpu.memory_space<vmem>>) target_semaphore(%run_scoped3A : memref<!tpu.dma_semaphore, #tpu.memory_space<semaphore_mem>>)
        %dma_wait3A_456 = arith.constant 0 : i32
        %dma_wait3A_457 = arith.constant 0 : i32
        %dma_wait3A_458 = tpu.memref_slice %arg3[%add3A, %scan3A_29, %dma_wait3A_456, %dma_wait3A_457] : memref<32x8x10x128xi32, #tpu.memory_space<hbm>> -> memref<1x1x10x128xi32, #tpu.memory_space<hbm>>
        %dma_wait3A_459 = tpu.memref_squeeze %dma_wait3A_458 : memref<1x1x10x128xi32, #tpu.memory_space<hbm>> -> memref<10x128xi32, #tpu.memory_space<hbm>>
        %dma_wait3A_460 = arith.constant 0 : i32
        %dma_wait3A_461 = arith.constant 0 : i32
        %dma_wait3A_462 = tpu.memref_slice %arg3[%add3A, %scan3A_29, %dma_wait3A_460, %dma_wait3A_461] : memref<32x8x10x128xi32, #tpu.memory_space<hbm>> -> memref<1x1x10x128xi32, #tpu.memory_space<hbm>>
        %dma_wait3A_463 = tpu.memref_squeeze %dma_wait3A_462 : memref<1x1x10x128xi32, #tpu.memory_space<hbm>> -> memref<10x128xi32, #tpu.memory_space<hbm>>
        tpu.wait_dma2 semaphore(%run_scoped3A : memref<!tpu.dma_semaphore, #tpu.memory_space<semaphore_mem>>) src(%dma_wait3A_463 : memref<10x128xi32, #tpu.memory_space<hbm>>) dst(%arg21 : memref<10x128xi32, #tpu.memory_space<vmem>>)
        tpu.yield
      }) : () -> ()
      "tpu.region"() ({
        %run_scoped3A = tpu.sem_alloc : memref<!tpu.dma_semaphore, #tpu.memory_space<semaphore_mem>>
        %dma_start3A_448 = arith.constant 0 : i32
        %dma_start3A_449 = arith.constant 0 : i32
        %dma_start3A_450 = tpu.memref_slice %arg4[%add3A, %scan3A_29, %dma_start3A_448, %dma_start3A_449] : memref<32x8x10x128xi32, #tpu.memory_space<hbm>> -> memref<1x1x10x128xi32, #tpu.memory_space<hbm>>
        %dma_start3A_451 = tpu.memref_squeeze %dma_start3A_450 : memref<1x1x10x128xi32, #tpu.memory_space<hbm>> -> memref<10x128xi32, #tpu.memory_space<hbm>>
        %dma_start3A_452 = arith.constant 0 : i32
        %dma_start3A_453 = arith.constant 0 : i32
        %dma_start3A_454 = tpu.memref_slice %arg4[%add3A, %scan3A_29, %dma_start3A_452, %dma_start3A_453] : memref<32x8x10x128xi32, #tpu.memory_space<hbm>> -> memref<1x1x10x128xi32, #tpu.memory_space<hbm>>
        %dma_start3A_455 = tpu.memref_squeeze %dma_start3A_454 : memref<1x1x10x128xi32, #tpu.memory_space<hbm>> -> memref<10x128xi32, #tpu.memory_space<hbm>>
        tpu.enqueue_dma source(%dma_start3A_455 : memref<10x128xi32, #tpu.memory_space<hbm>>) target(%arg15 : memref<10x128xi32, #tpu.memory_space<vmem>>) target_semaphore(%run_scoped3A : memref<!tpu.dma_semaphore, #tpu.memory_space<semaphore_mem>>)
        %dma_wait3A_456 = arith.constant 0 : i32
        %dma_wait3A_457 = arith.constant 0 : i32
        %dma_wait3A_458 = tpu.memref_slice %arg4[%add3A, %scan3A_29, %dma_wait3A_456, %dma_wait3A_457] : memref<32x8x10x128xi32, #tpu.memory_space<hbm>> -> memref<1x1x10x128xi32, #tpu.memory_space<hbm>>
        %dma_wait3A_459 = tpu.memref_squeeze %dma_wait3A_458 : memref<1x1x10x128xi32, #tpu.memory_space<hbm>> -> memref<10x128xi32, #tpu.memory_space<hbm>>
        %dma_wait3A_460 = arith.constant 0 : i32
        %dma_wait3A_461 = arith.constant 0 : i32
        %dma_wait3A_462 = tpu.memref_slice %arg4[%add3A, %scan3A_29, %dma_wait3A_460, %dma_wait3A_461] : memref<32x8x10x128xi32, #tpu.memory_space<hbm>> -> memref<1x1x10x128xi32, #tpu.memory_space<hbm>>
        %dma_wait3A_463 = tpu.memref_squeeze %dma_wait3A_462 : memref<1x1x10x128xi32, #tpu.memory_space<hbm>> -> memref<10x128xi32, #tpu.memory_space<hbm>>
        tpu.wait_dma2 semaphore(%run_scoped3A : memref<!tpu.dma_semaphore, #tpu.memory_space<semaphore_mem>>) src(%dma_wait3A_463 : memref<10x128xi32, #tpu.memory_space<hbm>>) dst(%arg15 : memref<10x128xi32, #tpu.memory_space<vmem>>)
        tpu.yield
      }) : () -> ()
      %dma_start3A = arith.constant 0 : i32
      %dma_start3A_30 = arith.constant 0 : i32
      %dma_start3A_31 = tpu.memref_slice %arg21[%dma_start3A, %dma_start3A_30] : memref<10x128xi32, #tpu.memory_space<vmem>> -> memref<1x128xi32, #tpu.memory_space<vmem>>
      %dma_start3A_32 = tpu.memref_squeeze %dma_start3A_31 : memref<1x128xi32, #tpu.memory_space<vmem>> -> memref<128xi32, #tpu.memory_space<vmem>>
      %dma_start3A_33 = arith.constant 0 : i32
      %dma_start3A_34 = arith.constant 0 : i32
      %dma_start3A_35 = tpu.memref_slice %arg2[%dma_start3A_33, %dma_start3A_34] : memref<10240x128xf32, #tpu.memory_space<hbm>> -> memref<10240x128xf32, #tpu.memory_space<hbm>>
      tpu.enqueue_indirect_dma source(%dma_start3A_35 : memref<10240x128xf32, #tpu.memory_space<hbm>>) target(%arg19 : memref<128x128xf32, #tpu.memory_space<vmem>>) offsets(%dma_start3A_32 : memref<128xi32, #tpu.memory_space<vmem>>) semaphore(%arg16 : memref<!tpu.dma_semaphore, #tpu.memory_space<semaphore_mem>>)
      %dma_start3A_36 = arith.constant 1 : i32
      %dma_start3A_37 = arith.constant 0 : i32
      %dma_start3A_38 = tpu.memref_slice %arg21[%dma_start3A_36, %dma_start3A_37] : memref<10x128xi32, #tpu.memory_space<vmem>> -> memref<1x128xi32, #tpu.memory_space<vmem>>
      %dma_start3A_39 = tpu.memref_squeeze %dma_start3A_38 : memref<1x128xi32, #tpu.memory_space<vmem>> -> memref<128xi32, #tpu.memory_space<vmem>>
      %dma_start3A_40 = arith.constant 0 : i32
      %dma_start3A_41 = arith.constant 0 : i32
      %dma_start3A_42 = tpu.memref_slice %arg2[%dma_start3A_40, %dma_start3A_41] : memref<10240x128xf32, #tpu.memory_space<hbm>> -> memref<10240x128xf32, #tpu.memory_space<hbm>>
      tpu.enqueue_indirect_dma source(%dma_start3A_42 : memref<10240x128xf32, #tpu.memory_space<hbm>>) target(%arg20 : memref<128x128xf32, #tpu.memory_space<vmem>>) offsets(%dma_start3A_39 : memref<128xi32, #tpu.memory_space<vmem>>) semaphore(%arg17 : memref<!tpu.dma_semaphore, #tpu.memory_space<semaphore_mem>>)
      %dma_wait3A = arith.constant 0 : i32
      %dma_wait3A_43 = arith.constant 0 : i32
      %dma_wait3A_44 = tpu.memref_slice %arg21[%dma_wait3A, %dma_wait3A_43] : memref<10x128xi32, #tpu.memory_space<vmem>> -> memref<1x128xi32, #tpu.memory_space<vmem>>
      %dma_wait3A_45 = tpu.memref_squeeze %dma_wait3A_44 : memref<1x128xi32, #tpu.memory_space<vmem>> -> memref<128xi32, #tpu.memory_space<vmem>>
      %dma_wait3A_46 = arith.constant 0 : i32
      %dma_wait3A_47 = arith.constant 0 : i32
      %dma_wait3A_48 = tpu.memref_slice %arg2[%dma_wait3A_46, %dma_wait3A_47] : memref<10240x128xf32, #tpu.memory_space<hbm>> -> memref<10240x128xf32, #tpu.memory_space<hbm>>
      tpu.wait_indirect_dma semaphore(%arg16 : memref<!tpu.dma_semaphore, #tpu.memory_space<semaphore_mem>>) src(%dma_wait3A_48 : memref<10240x128xf32, #tpu.memory_space<hbm>>) dst(%arg19 : memref<128x128xf32, #tpu.memory_space<vmem>>)
      %dma_start3A_49 = arith.constant 0 : i32
      %dma_start3A_50 = arith.constant 0 : i32
      %dma_start3A_51 = tpu.memref_slice %arg15[%dma_start3A_49, %dma_start3A_50] : memref<10x128xi32, #tpu.memory_space<vmem>> -> memref<1x128xi32, #tpu.memory_space<vmem>>
      %dma_start3A_52 = tpu.memref_squeeze %dma_start3A_51 : memref<1x128xi32, #tpu.memory_space<vmem>> -> memref<128xi32, #tpu.memory_space<vmem>>
      %dma_start3A_53 = arith.constant 0 : i32
      %dma_start3A_54 = arith.constant 0 : i32
      %dma_start3A_55 = tpu.memref_slice %arg10[%dma_start3A_53, %dma_start3A_54] : memref<10240x128xf32, #tpu.memory_space<vmem_shared>> -> memref<10240x128xf32, #tpu.memory_space<vmem_shared>>
      tpu.enqueue_indirect_dma source(%arg19 : memref<128x128xf32, #tpu.memory_space<vmem>>) target(%dma_start3A_55 : memref<10240x128xf32, #tpu.memory_space<vmem_shared>>) offsets(%dma_start3A_52 : memref<128xi32, #tpu.memory_space<vmem>>) semaphore(%arg22 : memref<!tpu.dma_semaphore, #tpu.memory_space<semaphore_mem>>) {add = true}
      %dma_start3A_56 = arith.constant 0 : i32
      %dma_start3A_57 = arith.constant 0 : i32
      %dma_start3A_58 = tpu.memref_slice %arg15[%dma_start3A_56, %dma_start3A_57] : memref<10x128xi32, #tpu.memory_space<vmem>> -> memref<1x128xi32, #tpu.memory_space<vmem>>
      %dma_start3A_59 = tpu.memref_squeeze %dma_start3A_58 : memref<1x128xi32, #tpu.memory_space<vmem>> -> memref<128xi32, #tpu.memory_space<vmem>>
      %dma_start3A_60 = arith.constant 0 : i32
      %dma_start3A_61 = arith.constant 0 : i32
      %dma_start3A_62 = tpu.memref_slice %arg12[%dma_start3A_60, %dma_start3A_61] : memref<10240x16xf32, #tpu.memory_space<vmem_shared>> -> memref<10240x16xf32, #tpu.memory_space<vmem_shared>>
      tpu.enqueue_indirect_dma source(%arg18 : memref<128x16xf32, #tpu.memory_space<vmem>>) target(%dma_start3A_62 : memref<10240x16xf32, #tpu.memory_space<vmem_shared>>) offsets(%dma_start3A_59 : memref<128xi32, #tpu.memory_space<vmem>>) semaphore(%arg14 : memref<!tpu.dma_semaphore, #tpu.memory_space<semaphore_mem>>) {add = true}
      %dma_wait3A_63 = arith.constant 0 : i32
      %dma_wait3A_64 = arith.constant 0 : i32
      %dma_wait3A_65 = tpu.memref_slice %arg15[%dma_wait3A_63, %dma_wait3A_64] : memref<10x128xi32, #tpu.memory_space<vmem>> -> memref<1x128xi32, #tpu.memory_space<vmem>>
      %dma_wait3A_66 = tpu.memref_squeeze %dma_wait3A_65 : memref<1x128xi32, #tpu.memory_space<vmem>> -> memref<128xi32, #tpu.memory_space<vmem>>
      %dma_wait3A_67 = arith.constant 0 : i32
      %dma_wait3A_68 = arith.constant 0 : i32
      %dma_wait3A_69 = tpu.memref_slice %arg10[%dma_wait3A_67, %dma_wait3A_68] : memref<10240x128xf32, #tpu.memory_space<vmem_shared>> -> memref<10240x128xf32, #tpu.memory_space<vmem_shared>>
      tpu.wait_indirect_dma semaphore(%arg22 : memref<!tpu.dma_semaphore, #tpu.memory_space<semaphore_mem>>) src(%arg19 : memref<128x128xf32, #tpu.memory_space<vmem>>) dst(%dma_wait3A_69 : memref<10240x128xf32, #tpu.memory_space<vmem_shared>>)
      %dma_start3A_70 = arith.constant 2 : i32
      %dma_start3A_71 = arith.constant 0 : i32
      %dma_start3A_72 = tpu.memref_slice %arg21[%dma_start3A_70, %dma_start3A_71] : memref<10x128xi32, #tpu.memory_space<vmem>> -> memref<1x128xi32, #tpu.memory_space<vmem>>
      %dma_start3A_73 = tpu.memref_squeeze %dma_start3A_72 : memref<1x128xi32, #tpu.memory_space<vmem>> -> memref<128xi32, #tpu.memory_space<vmem>>
      %dma_start3A_74 = arith.constant 0 : i32
      %dma_start3A_75 = arith.constant 0 : i32
      %dma_start3A_76 = tpu.memref_slice %arg2[%dma_start3A_74, %dma_start3A_75] : memref<10240x128xf32, #tpu.memory_space<hbm>> -> memref<10240x128xf32, #tpu.memory_space<hbm>>
      tpu.enqueue_indirect_dma source(%dma_start3A_76 : memref<10240x128xf32, #tpu.memory_space<hbm>>) target(%arg19 : memref<128x128xf32, #tpu.memory_space<vmem>>) offsets(%dma_start3A_73 : memref<128xi32, #tpu.memory_space<vmem>>) semaphore(%arg16 : memref<!tpu.dma_semaphore, #tpu.memory_space<semaphore_mem>>)
      %dma_wait3A_77 = arith.constant 1 : i32
      %dma_wait3A_78 = arith.constant 0 : i32
      %dma_wait3A_79 = tpu.memref_slice %arg21[%dma_wait3A_77, %dma_wait3A_78] : memref<10x128xi32, #tpu.memory_space<vmem>> -> memref<1x128xi32, #tpu.memory_space<vmem>>
      %dma_wait3A_80 = tpu.memref_squeeze %dma_wait3A_79 : memref<1x128xi32, #tpu.memory_space<vmem>> -> memref<128xi32, #tpu.memory_space<vmem>>
      %dma_wait3A_81 = arith.constant 0 : i32
      %dma_wait3A_82 = arith.constant 0 : i32
      %dma_wait3A_83 = tpu.memref_slice %arg2[%dma_wait3A_81, %dma_wait3A_82] : memref<10240x128xf32, #tpu.memory_space<hbm>> -> memref<10240x128xf32, #tpu.memory_space<hbm>>
      tpu.wait_indirect_dma semaphore(%arg17 : memref<!tpu.dma_semaphore, #tpu.memory_space<semaphore_mem>>) src(%dma_wait3A_83 : memref<10240x128xf32, #tpu.memory_space<hbm>>) dst(%arg20 : memref<128x128xf32, #tpu.memory_space<vmem>>)
      %dma_start3A_84 = arith.constant 1 : i32
      %dma_start3A_85 = arith.constant 0 : i32
      %dma_start3A_86 = tpu.memref_slice %arg15[%dma_start3A_84, %dma_start3A_85] : memref<10x128xi32, #tpu.memory_space<vmem>> -> memref<1x128xi32, #tpu.memory_space<vmem>>
      %dma_start3A_87 = tpu.memref_squeeze %dma_start3A_86 : memref<1x128xi32, #tpu.memory_space<vmem>> -> memref<128xi32, #tpu.memory_space<vmem>>
      %dma_start3A_88 = arith.constant 0 : i32
      %dma_start3A_89 = arith.constant 0 : i32
      %dma_start3A_90 = tpu.memref_slice %arg10[%dma_start3A_88, %dma_start3A_89] : memref<10240x128xf32, #tpu.memory_space<vmem_shared>> -> memref<10240x128xf32, #tpu.memory_space<vmem_shared>>
      tpu.enqueue_indirect_dma source(%arg20 : memref<128x128xf32, #tpu.memory_space<vmem>>) target(%dma_start3A_90 : memref<10240x128xf32, #tpu.memory_space<vmem_shared>>) offsets(%dma_start3A_87 : memref<128xi32, #tpu.memory_space<vmem>>) semaphore(%arg23 : memref<!tpu.dma_semaphore, #tpu.memory_space<semaphore_mem>>) {add = true}
      %dma_start3A_91 = arith.constant 1 : i32
      %dma_start3A_92 = arith.constant 0 : i32
      %dma_start3A_93 = tpu.memref_slice %arg15[%dma_start3A_91, %dma_start3A_92] : memref<10x128xi32, #tpu.memory_space<vmem>> -> memref<1x128xi32, #tpu.memory_space<vmem>>
      %dma_start3A_94 = tpu.memref_squeeze %dma_start3A_93 : memref<1x128xi32, #tpu.memory_space<vmem>> -> memref<128xi32, #tpu.memory_space<vmem>>
      %dma_start3A_95 = arith.constant 0 : i32
      %dma_start3A_96 = arith.constant 0 : i32
      %dma_start3A_97 = tpu.memref_slice %arg12[%dma_start3A_95, %dma_start3A_96] : memref<10240x16xf32, #tpu.memory_space<vmem_shared>> -> memref<10240x16xf32, #tpu.memory_space<vmem_shared>>
      tpu.enqueue_indirect_dma source(%arg18 : memref<128x16xf32, #tpu.memory_space<vmem>>) target(%dma_start3A_97 : memref<10240x16xf32, #tpu.memory_space<vmem_shared>>) offsets(%dma_start3A_94 : memref<128xi32, #tpu.memory_space<vmem>>) semaphore(%arg14 : memref<!tpu.dma_semaphore, #tpu.memory_space<semaphore_mem>>) {add = true}
      %dma_wait3A_98 = arith.constant 1 : i32
      %dma_wait3A_99 = arith.constant 0 : i32
      %dma_wait3A_100 = tpu.memref_slice %arg15[%dma_wait3A_98, %dma_wait3A_99] : memref<10x128xi32, #tpu.memory_space<vmem>> -> memref<1x128xi32, #tpu.memory_space<vmem>>
      %dma_wait3A_101 = tpu.memref_squeeze %dma_wait3A_100 : memref<1x128xi32, #tpu.memory_space<vmem>> -> memref<128xi32, #tpu.memory_space<vmem>>
      %dma_wait3A_102 = arith.constant 0 : i32
      %dma_wait3A_103 = arith.constant 0 : i32
      %dma_wait3A_104 = tpu.memref_slice %arg10[%dma_wait3A_102, %dma_wait3A_103] : memref<10240x128xf32, #tpu.memory_space<vmem_shared>> -> memref<10240x128xf32, #tpu.memory_space<vmem_shared>>
      tpu.wait_indirect_dma semaphore(%arg23 : memref<!tpu.dma_semaphore, #tpu.memory_space<semaphore_mem>>) src(%arg20 : memref<128x128xf32, #tpu.memory_space<vmem>>) dst(%dma_wait3A_104 : memref<10240x128xf32, #tpu.memory_space<vmem_shared>>)
      %dma_start3A_105 = arith.constant 3 : i32
      %dma_start3A_106 = arith.constant 0 : i32
      %dma_start3A_107 = tpu.memref_slice %arg21[%dma_start3A_105, %dma_start3A_106] : memref<10x128xi32, #tpu.memory_space<vmem>> -> memref<1x128xi32, #tpu.memory_space<vmem>>
      %dma_start3A_108 = tpu.memref_squeeze %dma_start3A_107 : memref<1x128xi32, #tpu.memory_space<vmem>> -> memref<128xi32, #tpu.memory_space<vmem>>
      %dma_start3A_109 = arith.constant 0 : i32
      %dma_start3A_110 = arith.constant 0 : i32
      %dma_start3A_111 = tpu.memref_slice %arg2[%dma_start3A_109, %dma_start3A_110] : memref<10240x128xf32, #tpu.memory_space<hbm>> -> memref<10240x128xf32, #tpu.memory_space<hbm>>
      tpu.enqueue_indirect_dma source(%dma_start3A_111 : memref<10240x128xf32, #tpu.memory_space<hbm>>) target(%arg20 : memref<128x128xf32, #tpu.memory_space<vmem>>) offsets(%dma_start3A_108 : memref<128xi32, #tpu.memory_space<vmem>>) semaphore(%arg17 : memref<!tpu.dma_semaphore, #tpu.memory_space<semaphore_mem>>)
      %dma_wait3A_112 = arith.constant 2 : i32
      %dma_wait3A_113 = arith.constant 0 : i32
      %dma_wait3A_114 = tpu.memref_slice %arg21[%dma_wait3A_112, %dma_wait3A_113] : memref<10x128xi32, #tpu.memory_space<vmem>> -> memref<1x128xi32, #tpu.memory_space<vmem>>
      %dma_wait3A_115 = tpu.memref_squeeze %dma_wait3A_114 : memref<1x128xi32, #tpu.memory_space<vmem>> -> memref<128xi32, #tpu.memory_space<vmem>>
      %dma_wait3A_116 = arith.constant 0 : i32
      %dma_wait3A_117 = arith.constant 0 : i32
      %dma_wait3A_118 = tpu.memref_slice %arg2[%dma_wait3A_116, %dma_wait3A_117] : memref<10240x128xf32, #tpu.memory_space<hbm>> -> memref<10240x128xf32, #tpu.memory_space<hbm>>
      tpu.wait_indirect_dma semaphore(%arg16 : memref<!tpu.dma_semaphore, #tpu.memory_space<semaphore_mem>>) src(%dma_wait3A_118 : memref<10240x128xf32, #tpu.memory_space<hbm>>) dst(%arg19 : memref<128x128xf32, #tpu.memory_space<vmem>>)
      %dma_start3A_119 = arith.constant 2 : i32
      %dma_start3A_120 = arith.constant 0 : i32
      %dma_start3A_121 = tpu.memref_slice %arg15[%dma_start3A_119, %dma_start3A_120] : memref<10x128xi32, #tpu.memory_space<vmem>> -> memref<1x128xi32, #tpu.memory_space<vmem>>
      %dma_start3A_122 = tpu.memref_squeeze %dma_start3A_121 : memref<1x128xi32, #tpu.memory_space<vmem>> -> memref<128xi32, #tpu.memory_space<vmem>>
      %dma_start3A_123 = arith.constant 0 : i32
      %dma_start3A_124 = arith.constant 0 : i32
      %dma_start3A_125 = tpu.memref_slice %arg10[%dma_start3A_123, %dma_start3A_124] : memref<10240x128xf32, #tpu.memory_space<vmem_shared>> -> memref<10240x128xf32, #tpu.memory_space<vmem_shared>>
      tpu.enqueue_indirect_dma source(%arg19 : memref<128x128xf32, #tpu.memory_space<vmem>>) target(%dma_start3A_125 : memref<10240x128xf32, #tpu.memory_space<vmem_shared>>) offsets(%dma_start3A_122 : memref<128xi32, #tpu.memory_space<vmem>>) semaphore(%arg22 : memref<!tpu.dma_semaphore, #tpu.memory_space<semaphore_mem>>) {add = true}
      %dma_start3A_126 = arith.constant 2 : i32
      %dma_start3A_127 = arith.constant 0 : i32
      %dma_start3A_128 = tpu.memref_slice %arg15[%dma_start3A_126, %dma_start3A_127] : memref<10x128xi32, #tpu.memory_space<vmem>> -> memref<1x128xi32, #tpu.memory_space<vmem>>
      %dma_start3A_129 = tpu.memref_squeeze %dma_start3A_128 : memref<1x128xi32, #tpu.memory_space<vmem>> -> memref<128xi32, #tpu.memory_space<vmem>>
      %dma_start3A_130 = arith.constant 0 : i32
      %dma_start3A_131 = arith.constant 0 : i32
      %dma_start3A_132 = tpu.memref_slice %arg12[%dma_start3A_130, %dma_start3A_131] : memref<10240x16xf32, #tpu.memory_space<vmem_shared>> -> memref<10240x16xf32, #tpu.memory_space<vmem_shared>>
      tpu.enqueue_indirect_dma source(%arg18 : memref<128x16xf32, #tpu.memory_space<vmem>>) target(%dma_start3A_132 : memref<10240x16xf32, #tpu.memory_space<vmem_shared>>) offsets(%dma_start3A_129 : memref<128xi32, #tpu.memory_space<vmem>>) semaphore(%arg14 : memref<!tpu.dma_semaphore, #tpu.memory_space<semaphore_mem>>) {add = true}
      %dma_wait3A_133 = arith.constant 2 : i32
      %dma_wait3A_134 = arith.constant 0 : i32
      %dma_wait3A_135 = tpu.memref_slice %arg15[%dma_wait3A_133, %dma_wait3A_134] : memref<10x128xi32, #tpu.memory_space<vmem>> -> memref<1x128xi32, #tpu.memory_space<vmem>>
      %dma_wait3A_136 = tpu.memref_squeeze %dma_wait3A_135 : memref<1x128xi32, #tpu.memory_space<vmem>> -> memref<128xi32, #tpu.memory_space<vmem>>
      %dma_wait3A_137 = arith.constant 0 : i32
      %dma_wait3A_138 = arith.constant 0 : i32
      %dma_wait3A_139 = tpu.memref_slice %arg10[%dma_wait3A_137, %dma_wait3A_138] : memref<10240x128xf32, #tpu.memory_space<vmem_shared>> -> memref<10240x128xf32, #tpu.memory_space<vmem_shared>>
      tpu.wait_indirect_dma semaphore(%arg22 : memref<!tpu.dma_semaphore, #tpu.memory_space<semaphore_mem>>) src(%arg19 : memref<128x128xf32, #tpu.memory_space<vmem>>) dst(%dma_wait3A_139 : memref<10240x128xf32, #tpu.memory_space<vmem_shared>>)
      %dma_start3A_140 = arith.constant 4 : i32
      %dma_start3A_141 = arith.constant 0 : i32
      %dma_start3A_142 = tpu.memref_slice %arg21[%dma_start3A_140, %dma_start3A_141] : memref<10x128xi32, #tpu.memory_space<vmem>> -> memref<1x128xi32, #tpu.memory_space<vmem>>
      %dma_start3A_143 = tpu.memref_squeeze %dma_start3A_142 : memref<1x128xi32, #tpu.memory_space<vmem>> -> memref<128xi32, #tpu.memory_space<vmem>>
      %dma_start3A_144 = arith.constant 0 : i32
      %dma_start3A_145 = arith.constant 0 : i32
      %dma_start3A_146 = tpu.memref_slice %arg2[%dma_start3A_144, %dma_start3A_145] : memref<10240x128xf32, #tpu.memory_space<hbm>> -> memref<10240x128xf32, #tpu.memory_space<hbm>>
      tpu.enqueue_indirect_dma source(%dma_start3A_146 : memref<10240x128xf32, #tpu.memory_space<hbm>>) target(%arg19 : memref<128x128xf32, #tpu.memory_space<vmem>>) offsets(%dma_start3A_143 : memref<128xi32, #tpu.memory_space<vmem>>) semaphore(%arg16 : memref<!tpu.dma_semaphore, #tpu.memory_space<semaphore_mem>>)
      %dma_wait3A_147 = arith.constant 3 : i32
      %dma_wait3A_148 = arith.constant 0 : i32
      %dma_wait3A_149 = tpu.memref_slice %arg21[%dma_wait3A_147, %dma_wait3A_148] : memref<10x128xi32, #tpu.memory_space<vmem>> -> memref<1x128xi32, #tpu.memory_space<vmem>>
      %dma_wait3A_150 = tpu.memref_squeeze %dma_wait3A_149 : memref<1x128xi32, #tpu.memory_space<vmem>> -> memref<128xi32, #tpu.memory_space<vmem>>
      %dma_wait3A_151 = arith.constant 0 : i32
      %dma_wait3A_152 = arith.constant 0 : i32
      %dma_wait3A_153 = tpu.memref_slice %arg2[%dma_wait3A_151, %dma_wait3A_152] : memref<10240x128xf32, #tpu.memory_space<hbm>> -> memref<10240x128xf32, #tpu.memory_space<hbm>>
      tpu.wait_indirect_dma semaphore(%arg17 : memref<!tpu.dma_semaphore, #tpu.memory_space<semaphore_mem>>) src(%dma_wait3A_153 : memref<10240x128xf32, #tpu.memory_space<hbm>>) dst(%arg20 : memref<128x128xf32, #tpu.memory_space<vmem>>)
      %dma_start3A_154 = arith.constant 3 : i32
      %dma_start3A_155 = arith.constant 0 : i32
      %dma_start3A_156 = tpu.memref_slice %arg15[%dma_start3A_154, %dma_start3A_155] : memref<10x128xi32, #tpu.memory_space<vmem>> -> memref<1x128xi32, #tpu.memory_space<vmem>>
      %dma_start3A_157 = tpu.memref_squeeze %dma_start3A_156 : memref<1x128xi32, #tpu.memory_space<vmem>> -> memref<128xi32, #tpu.memory_space<vmem>>
      %dma_start3A_158 = arith.constant 0 : i32
      %dma_start3A_159 = arith.constant 0 : i32
      %dma_start3A_160 = tpu.memref_slice %arg10[%dma_start3A_158, %dma_start3A_159] : memref<10240x128xf32, #tpu.memory_space<vmem_shared>> -> memref<10240x128xf32, #tpu.memory_space<vmem_shared>>
      tpu.enqueue_indirect_dma source(%arg20 : memref<128x128xf32, #tpu.memory_space<vmem>>) target(%dma_start3A_160 : memref<10240x128xf32, #tpu.memory_space<vmem_shared>>) offsets(%dma_start3A_157 : memref<128xi32, #tpu.memory_space<vmem>>) semaphore(%arg23 : memref<!tpu.dma_semaphore, #tpu.memory_space<semaphore_mem>>) {add = true}
      %dma_start3A_161 = arith.constant 3 : i32
      %dma_start3A_162 = arith.constant 0 : i32
      %dma_start3A_163 = tpu.memref_slice %arg15[%dma_start3A_161, %dma_start3A_162] : memref<10x128xi32, #tpu.memory_space<vmem>> -> memref<1x128xi32, #tpu.memory_space<vmem>>
      %dma_start3A_164 = tpu.memref_squeeze %dma_start3A_163 : memref<1x128xi32, #tpu.memory_space<vmem>> -> memref<128xi32, #tpu.memory_space<vmem>>
      %dma_start3A_165 = arith.constant 0 : i32
      %dma_start3A_166 = arith.constant 0 : i32
      %dma_start3A_167 = tpu.memref_slice %arg12[%dma_start3A_165, %dma_start3A_166] : memref<10240x16xf32, #tpu.memory_space<vmem_shared>> -> memref<10240x16xf32, #tpu.memory_space<vmem_shared>>
      tpu.enqueue_indirect_dma source(%arg18 : memref<128x16xf32, #tpu.memory_space<vmem>>) target(%dma_start3A_167 : memref<10240x16xf32, #tpu.memory_space<vmem_shared>>) offsets(%dma_start3A_164 : memref<128xi32, #tpu.memory_space<vmem>>) semaphore(%arg14 : memref<!tpu.dma_semaphore, #tpu.memory_space<semaphore_mem>>) {add = true}
      %dma_wait3A_168 = arith.constant 3 : i32
      %dma_wait3A_169 = arith.constant 0 : i32
      %dma_wait3A_170 = tpu.memref_slice %arg15[%dma_wait3A_168, %dma_wait3A_169] : memref<10x128xi32, #tpu.memory_space<vmem>> -> memref<1x128xi32, #tpu.memory_space<vmem>>
      %dma_wait3A_171 = tpu.memref_squeeze %dma_wait3A_170 : memref<1x128xi32, #tpu.memory_space<vmem>> -> memref<128xi32, #tpu.memory_space<vmem>>
      %dma_wait3A_172 = arith.constant 0 : i32
      %dma_wait3A_173 = arith.constant 0 : i32
      %dma_wait3A_174 = tpu.memref_slice %arg10[%dma_wait3A_172, %dma_wait3A_173] : memref<10240x128xf32, #tpu.memory_space<vmem_shared>> -> memref<10240x128xf32, #tpu.memory_space<vmem_shared>>
      tpu.wait_indirect_dma semaphore(%arg23 : memref<!tpu.dma_semaphore, #tpu.memory_space<semaphore_mem>>) src(%arg20 : memref<128x128xf32, #tpu.memory_space<vmem>>) dst(%dma_wait3A_174 : memref<10240x128xf32, #tpu.memory_space<vmem_shared>>)
      %dma_start3A_175 = arith.constant 5 : i32
      %dma_start3A_176 = arith.constant 0 : i32
      %dma_start3A_177 = tpu.memref_slice %arg21[%dma_start3A_175, %dma_start3A_176] : memref<10x128xi32, #tpu.memory_space<vmem>> -> memref<1x128xi32, #tpu.memory_space<vmem>>
      %dma_start3A_178 = tpu.memref_squeeze %dma_start3A_177 : memref<1x128xi32, #tpu.memory_space<vmem>> -> memref<128xi32, #tpu.memory_space<vmem>>
      %dma_start3A_179 = arith.constant 0 : i32
      %dma_start3A_180 = arith.constant 0 : i32
      %dma_start3A_181 = tpu.memref_slice %arg2[%dma_start3A_179, %dma_start3A_180] : memref<10240x128xf32, #tpu.memory_space<hbm>> -> memref<10240x128xf32, #tpu.memory_space<hbm>>
      tpu.enqueue_indirect_dma source(%dma_start3A_181 : memref<10240x128xf32, #tpu.memory_space<hbm>>) target(%arg20 : memref<128x128xf32, #tpu.memory_space<vmem>>) offsets(%dma_start3A_178 : memref<128xi32, #tpu.memory_space<vmem>>) semaphore(%arg17 : memref<!tpu.dma_semaphore, #tpu.memory_space<semaphore_mem>>)
      %dma_wait3A_182 = arith.constant 4 : i32
      %dma_wait3A_183 = arith.constant 0 : i32
      %dma_wait3A_184 = tpu.memref_slice %arg21[%dma_wait3A_182, %dma_wait3A_183] : memref<10x128xi32, #tpu.memory_space<vmem>> -> memref<1x128xi32, #tpu.memory_space<vmem>>
      %dma_wait3A_185 = tpu.memref_squeeze %dma_wait3A_184 : memref<1x128xi32, #tpu.memory_space<vmem>> -> memref<128xi32, #tpu.memory_space<vmem>>
      %dma_wait3A_186 = arith.constant 0 : i32
      %dma_wait3A_187 = arith.constant 0 : i32
      %dma_wait3A_188 = tpu.memref_slice %arg2[%dma_wait3A_186, %dma_wait3A_187] : memref<10240x128xf32, #tpu.memory_space<hbm>> -> memref<10240x128xf32, #tpu.memory_space<hbm>>
      tpu.wait_indirect_dma semaphore(%arg16 : memref<!tpu.dma_semaphore, #tpu.memory_space<semaphore_mem>>) src(%dma_wait3A_188 : memref<10240x128xf32, #tpu.memory_space<hbm>>) dst(%arg19 : memref<128x128xf32, #tpu.memory_space<vmem>>)
      %dma_start3A_189 = arith.constant 4 : i32
      %dma_start3A_190 = arith.constant 0 : i32
      %dma_start3A_191 = tpu.memref_slice %arg15[%dma_start3A_189, %dma_start3A_190] : memref<10x128xi32, #tpu.memory_space<vmem>> -> memref<1x128xi32, #tpu.memory_space<vmem>>
      %dma_start3A_192 = tpu.memref_squeeze %dma_start3A_191 : memref<1x128xi32, #tpu.memory_space<vmem>> -> memref<128xi32, #tpu.memory_space<vmem>>
      %dma_start3A_193 = arith.constant 0 : i32
      %dma_start3A_194 = arith.constant 0 : i32
      %dma_start3A_195 = tpu.memref_slice %arg10[%dma_start3A_193, %dma_start3A_194] : memref<10240x128xf32, #tpu.memory_space<vmem_shared>> -> memref<10240x128xf32, #tpu.memory_space<vmem_shared>>
      tpu.enqueue_indirect_dma source(%arg19 : memref<128x128xf32, #tpu.memory_space<vmem>>) target(%dma_start3A_195 : memref<10240x128xf32, #tpu.memory_space<vmem_shared>>) offsets(%dma_start3A_192 : memref<128xi32, #tpu.memory_space<vmem>>) semaphore(%arg22 : memref<!tpu.dma_semaphore, #tpu.memory_space<semaphore_mem>>) {add = true}
      %dma_start3A_196 = arith.constant 4 : i32
      %dma_start3A_197 = arith.constant 0 : i32
      %dma_start3A_198 = tpu.memref_slice %arg15[%dma_start3A_196, %dma_start3A_197] : memref<10x128xi32, #tpu.memory_space<vmem>> -> memref<1x128xi32, #tpu.memory_space<vmem>>
      %dma_start3A_199 = tpu.memref_squeeze %dma_start3A_198 : memref<1x128xi32, #tpu.memory_space<vmem>> -> memref<128xi32, #tpu.memory_space<vmem>>
      %dma_start3A_200 = arith.constant 0 : i32
      %dma_start3A_201 = arith.constant 0 : i32
      %dma_start3A_202 = tpu.memref_slice %arg12[%dma_start3A_200, %dma_start3A_201] : memref<10240x16xf32, #tpu.memory_space<vmem_shared>> -> memref<10240x16xf32, #tpu.memory_space<vmem_shared>>
      tpu.enqueue_indirect_dma source(%arg18 : memref<128x16xf32, #tpu.memory_space<vmem>>) target(%dma_start3A_202 : memref<10240x16xf32, #tpu.memory_space<vmem_shared>>) offsets(%dma_start3A_199 : memref<128xi32, #tpu.memory_space<vmem>>) semaphore(%arg14 : memref<!tpu.dma_semaphore, #tpu.memory_space<semaphore_mem>>) {add = true}
      %dma_wait3A_203 = arith.constant 4 : i32
      %dma_wait3A_204 = arith.constant 0 : i32
      %dma_wait3A_205 = tpu.memref_slice %arg15[%dma_wait3A_203, %dma_wait3A_204] : memref<10x128xi32, #tpu.memory_space<vmem>> -> memref<1x128xi32, #tpu.memory_space<vmem>>
      %dma_wait3A_206 = tpu.memref_squeeze %dma_wait3A_205 : memref<1x128xi32, #tpu.memory_space<vmem>> -> memref<128xi32, #tpu.memory_space<vmem>>
      %dma_wait3A_207 = arith.constant 0 : i32
      %dma_wait3A_208 = arith.constant 0 : i32
      %dma_wait3A_209 = tpu.memref_slice %arg10[%dma_wait3A_207, %dma_wait3A_208] : memref<10240x128xf32, #tpu.memory_space<vmem_shared>> -> memref<10240x128xf32, #tpu.memory_space<vmem_shared>>
      tpu.wait_indirect_dma semaphore(%arg22 : memref<!tpu.dma_semaphore, #tpu.memory_space<semaphore_mem>>) src(%arg19 : memref<128x128xf32, #tpu.memory_space<vmem>>) dst(%dma_wait3A_209 : memref<10240x128xf32, #tpu.memory_space<vmem_shared>>)
      %dma_start3A_210 = arith.constant 6 : i32
      %dma_start3A_211 = arith.constant 0 : i32
      %dma_start3A_212 = tpu.memref_slice %arg21[%dma_start3A_210, %dma_start3A_211] : memref<10x128xi32, #tpu.memory_space<vmem>> -> memref<1x128xi32, #tpu.memory_space<vmem>>
      %dma_start3A_213 = tpu.memref_squeeze %dma_start3A_212 : memref<1x128xi32, #tpu.memory_space<vmem>> -> memref<128xi32, #tpu.memory_space<vmem>>
      %dma_start3A_214 = arith.constant 0 : i32
      %dma_start3A_215 = arith.constant 0 : i32
      %dma_start3A_216 = tpu.memref_slice %arg2[%dma_start3A_214, %dma_start3A_215] : memref<10240x128xf32, #tpu.memory_space<hbm>> -> memref<10240x128xf32, #tpu.memory_space<hbm>>
      tpu.enqueue_indirect_dma source(%dma_start3A_216 : memref<10240x128xf32, #tpu.memory_space<hbm>>) target(%arg19 : memref<128x128xf32, #tpu.memory_space<vmem>>) offsets(%dma_start3A_213 : memref<128xi32, #tpu.memory_space<vmem>>) semaphore(%arg16 : memref<!tpu.dma_semaphore, #tpu.memory_space<semaphore_mem>>)
      %dma_wait3A_217 = arith.constant 5 : i32
      %dma_wait3A_218 = arith.constant 0 : i32
      %dma_wait3A_219 = tpu.memref_slice %arg21[%dma_wait3A_217, %dma_wait3A_218] : memref<10x128xi32, #tpu.memory_space<vmem>> -> memref<1x128xi32, #tpu.memory_space<vmem>>
      %dma_wait3A_220 = tpu.memref_squeeze %dma_wait3A_219 : memref<1x128xi32, #tpu.memory_space<vmem>> -> memref<128xi32, #tpu.memory_space<vmem>>
      %dma_wait3A_221 = arith.constant 0 : i32
      %dma_wait3A_222 = arith.constant 0 : i32
      %dma_wait3A_223 = tpu.memref_slice %arg2[%dma_wait3A_221, %dma_wait3A_222] : memref<10240x128xf32, #tpu.memory_space<hbm>> -> memref<10240x128xf32, #tpu.memory_space<hbm>>
      tpu.wait_indirect_dma semaphore(%arg17 : memref<!tpu.dma_semaphore, #tpu.memory_space<semaphore_mem>>) src(%dma_wait3A_223 : memref<10240x128xf32, #tpu.memory_space<hbm>>) dst(%arg20 : memref<128x128xf32, #tpu.memory_space<vmem>>)
      %dma_start3A_224 = arith.constant 5 : i32
      %dma_start3A_225 = arith.constant 0 : i32
      %dma_start3A_226 = tpu.memref_slice %arg15[%dma_start3A_224, %dma_start3A_225] : memref<10x128xi32, #tpu.memory_space<vmem>> -> memref<1x128xi32, #tpu.memory_space<vmem>>
      %dma_start3A_227 = tpu.memref_squeeze %dma_start3A_226 : memref<1x128xi32, #tpu.memory_space<vmem>> -> memref<128xi32, #tpu.memory_space<vmem>>
      %dma_start3A_228 = arith.constant 0 : i32
      %dma_start3A_229 = arith.constant 0 : i32
      %dma_start3A_230 = tpu.memref_slice %arg10[%dma_start3A_228, %dma_start3A_229] : memref<10240x128xf32, #tpu.memory_space<vmem_shared>> -> memref<10240x128xf32, #tpu.memory_space<vmem_shared>>
      tpu.enqueue_indirect_dma source(%arg20 : memref<128x128xf32, #tpu.memory_space<vmem>>) target(%dma_start3A_230 : memref<10240x128xf32, #tpu.memory_space<vmem_shared>>) offsets(%dma_start3A_227 : memref<128xi32, #tpu.memory_space<vmem>>) semaphore(%arg23 : memref<!tpu.dma_semaphore, #tpu.memory_space<semaphore_mem>>) {add = true}
      %dma_start3A_231 = arith.constant 5 : i32
      %dma_start3A_232 = arith.constant 0 : i32
      %dma_start3A_233 = tpu.memref_slice %arg15[%dma_start3A_231, %dma_start3A_232] : memref<10x128xi32, #tpu.memory_space<vmem>> -> memref<1x128xi32, #tpu.memory_space<vmem>>
      %dma_start3A_234 = tpu.memref_squeeze %dma_start3A_233 : memref<1x128xi32, #tpu.memory_space<vmem>> -> memref<128xi32, #tpu.memory_space<vmem>>
      %dma_start3A_235 = arith.constant 0 : i32
      %dma_start3A_236 = arith.constant 0 : i32
      %dma_start3A_237 = tpu.memref_slice %arg12[%dma_start3A_235, %dma_start3A_236] : memref<10240x16xf32, #tpu.memory_space<vmem_shared>> -> memref<10240x16xf32, #tpu.memory_space<vmem_shared>>
      tpu.enqueue_indirect_dma source(%arg18 : memref<128x16xf32, #tpu.memory_space<vmem>>) target(%dma_start3A_237 : memref<10240x16xf32, #tpu.memory_space<vmem_shared>>) offsets(%dma_start3A_234 : memref<128xi32, #tpu.memory_space<vmem>>) semaphore(%arg14 : memref<!tpu.dma_semaphore, #tpu.memory_space<semaphore_mem>>) {add = true}
      %dma_wait3A_238 = arith.constant 5 : i32
      %dma_wait3A_239 = arith.constant 0 : i32
      %dma_wait3A_240 = tpu.memref_slice %arg15[%dma_wait3A_238, %dma_wait3A_239] : memref<10x128xi32, #tpu.memory_space<vmem>> -> memref<1x128xi32, #tpu.memory_space<vmem>>
      %dma_wait3A_241 = tpu.memref_squeeze %dma_wait3A_240 : memref<1x128xi32, #tpu.memory_space<vmem>> -> memref<128xi32, #tpu.memory_space<vmem>>
      %dma_wait3A_242 = arith.constant 0 : i32
      %dma_wait3A_243 = arith.constant 0 : i32
      %dma_wait3A_244 = tpu.memref_slice %arg10[%dma_wait3A_242, %dma_wait3A_243] : memref<10240x128xf32, #tpu.memory_space<vmem_shared>> -> memref<10240x128xf32, #tpu.memory_space<vmem_shared>>
      tpu.wait_indirect_dma semaphore(%arg23 : memref<!tpu.dma_semaphore, #tpu.memory_space<semaphore_mem>>) src(%arg20 : memref<128x128xf32, #tpu.memory_space<vmem>>) dst(%dma_wait3A_244 : memref<10240x128xf32, #tpu.memory_space<vmem_shared>>)
      %dma_start3A_245 = arith.constant 7 : i32
      %dma_start3A_246 = arith.constant 0 : i32
      %dma_start3A_247 = tpu.memref_slice %arg21[%dma_start3A_245, %dma_start3A_246] : memref<10x128xi32, #tpu.memory_space<vmem>> -> memref<1x128xi32, #tpu.memory_space<vmem>>
      %dma_start3A_248 = tpu.memref_squeeze %dma_start3A_247 : memref<1x128xi32, #tpu.memory_space<vmem>> -> memref<128xi32, #tpu.memory_space<vmem>>
      %dma_start3A_249 = arith.constant 0 : i32
      %dma_start3A_250 = arith.constant 0 : i32
      %dma_start3A_251 = tpu.memref_slice %arg2[%dma_start3A_249, %dma_start3A_250] : memref<10240x128xf32, #tpu.memory_space<hbm>> -> memref<10240x128xf32, #tpu.memory_space<hbm>>
      tpu.enqueue_indirect_dma source(%dma_start3A_251 : memref<10240x128xf32, #tpu.memory_space<hbm>>) target(%arg20 : memref<128x128xf32, #tpu.memory_space<vmem>>) offsets(%dma_start3A_248 : memref<128xi32, #tpu.memory_space<vmem>>) semaphore(%arg17 : memref<!tpu.dma_semaphore, #tpu.memory_space<semaphore_mem>>)
      %dma_wait3A_252 = arith.constant 6 : i32
      %dma_wait3A_253 = arith.constant 0 : i32
      %dma_wait3A_254 = tpu.memref_slice %arg21[%dma_wait3A_252, %dma_wait3A_253] : memref<10x128xi32, #tpu.memory_space<vmem>> -> memref<1x128xi32, #tpu.memory_space<vmem>>
      %dma_wait3A_255 = tpu.memref_squeeze %dma_wait3A_254 : memref<1x128xi32, #tpu.memory_space<vmem>> -> memref<128xi32, #tpu.memory_space<vmem>>
      %dma_wait3A_256 = arith.constant 0 : i32
      %dma_wait3A_257 = arith.constant 0 : i32
      %dma_wait3A_258 = tpu.memref_slice %arg2[%dma_wait3A_256, %dma_wait3A_257] : memref<10240x128xf32, #tpu.memory_space<hbm>> -> memref<10240x128xf32, #tpu.memory_space<hbm>>
      tpu.wait_indirect_dma semaphore(%arg16 : memref<!tpu.dma_semaphore, #tpu.memory_space<semaphore_mem>>) src(%dma_wait3A_258 : memref<10240x128xf32, #tpu.memory_space<hbm>>) dst(%arg19 : memref<128x128xf32, #tpu.memory_space<vmem>>)
      %dma_start3A_259 = arith.constant 6 : i32
      %dma_start3A_260 = arith.constant 0 : i32
      %dma_start3A_261 = tpu.memref_slice %arg15[%dma_start3A_259, %dma_start3A_260] : memref<10x128xi32, #tpu.memory_space<vmem>> -> memref<1x128xi32, #tpu.memory_space<vmem>>
      %dma_start3A_262 = tpu.memref_squeeze %dma_start3A_261 : memref<1x128xi32, #tpu.memory_space<vmem>> -> memref<128xi32, #tpu.memory_space<vmem>>
      %dma_start3A_263 = arith.constant 0 : i32
      %dma_start3A_264 = arith.constant 0 : i32
      %dma_start3A_265 = tpu.memref_slice %arg10[%dma_start3A_263, %dma_start3A_264] : memref<10240x128xf32, #tpu.memory_space<vmem_shared>> -> memref<10240x128xf32, #tpu.memory_space<vmem_shared>>
      tpu.enqueue_indirect_dma source(%arg19 : memref<128x128xf32, #tpu.memory_space<vmem>>) target(%dma_start3A_265 : memref<10240x128xf32, #tpu.memory_space<vmem_shared>>) offsets(%dma_start3A_262 : memref<128xi32, #tpu.memory_space<vmem>>) semaphore(%arg22 : memref<!tpu.dma_semaphore, #tpu.memory_space<semaphore_mem>>) {add = true}
      %dma_start3A_266 = arith.constant 6 : i32
      %dma_start3A_267 = arith.constant 0 : i32
      %dma_start3A_268 = tpu.memref_slice %arg15[%dma_start3A_266, %dma_start3A_267] : memref<10x128xi32, #tpu.memory_space<vmem>> -> memref<1x128xi32, #tpu.memory_space<vmem>>
      %dma_start3A_269 = tpu.memref_squeeze %dma_start3A_268 : memref<1x128xi32, #tpu.memory_space<vmem>> -> memref<128xi32, #tpu.memory_space<vmem>>
      %dma_start3A_270 = arith.constant 0 : i32
      %dma_start3A_271 = arith.constant 0 : i32
      %dma_start3A_272 = tpu.memref_slice %arg12[%dma_start3A_270, %dma_start3A_271] : memref<10240x16xf32, #tpu.memory_space<vmem_shared>> -> memref<10240x16xf32, #tpu.memory_space<vmem_shared>>
      tpu.enqueue_indirect_dma source(%arg18 : memref<128x16xf32, #tpu.memory_space<vmem>>) target(%dma_start3A_272 : memref<10240x16xf32, #tpu.memory_space<vmem_shared>>) offsets(%dma_start3A_269 : memref<128xi32, #tpu.memory_space<vmem>>) semaphore(%arg14 : memref<!tpu.dma_semaphore, #tpu.memory_space<semaphore_mem>>) {add = true}
      %dma_wait3A_273 = arith.constant 6 : i32
      %dma_wait3A_274 = arith.constant 0 : i32
      %dma_wait3A_275 = tpu.memref_slice %arg15[%dma_wait3A_273, %dma_wait3A_274] : memref<10x128xi32, #tpu.memory_space<vmem>> -> memref<1x128xi32, #tpu.memory_space<vmem>>
      %dma_wait3A_276 = tpu.memref_squeeze %dma_wait3A_275 : memref<1x128xi32, #tpu.memory_space<vmem>> -> memref<128xi32, #tpu.memory_space<vmem>>
      %dma_wait3A_277 = arith.constant 0 : i32
      %dma_wait3A_278 = arith.constant 0 : i32
      %dma_wait3A_279 = tpu.memref_slice %arg10[%dma_wait3A_277, %dma_wait3A_278] : memref<10240x128xf32, #tpu.memory_space<vmem_shared>> -> memref<10240x128xf32, #tpu.memory_space<vmem_shared>>
      tpu.wait_indirect_dma semaphore(%arg22 : memref<!tpu.dma_semaphore, #tpu.memory_space<semaphore_mem>>) src(%arg19 : memref<128x128xf32, #tpu.memory_space<vmem>>) dst(%dma_wait3A_279 : memref<10240x128xf32, #tpu.memory_space<vmem_shared>>)
      %dma_start3A_280 = arith.constant 8 : i32
      %dma_start3A_281 = arith.constant 0 : i32
      %dma_start3A_282 = tpu.memref_slice %arg21[%dma_start3A_280, %dma_start3A_281] : memref<10x128xi32, #tpu.memory_space<vmem>> -> memref<1x128xi32, #tpu.memory_space<vmem>>
      %dma_start3A_283 = tpu.memref_squeeze %dma_start3A_282 : memref<1x128xi32, #tpu.memory_space<vmem>> -> memref<128xi32, #tpu.memory_space<vmem>>
      %dma_start3A_284 = arith.constant 0 : i32
      %dma_start3A_285 = arith.constant 0 : i32
      %dma_start3A_286 = tpu.memref_slice %arg2[%dma_start3A_284, %dma_start3A_285] : memref<10240x128xf32, #tpu.memory_space<hbm>> -> memref<10240x128xf32, #tpu.memory_space<hbm>>
      tpu.enqueue_indirect_dma source(%dma_start3A_286 : memref<10240x128xf32, #tpu.memory_space<hbm>>) target(%arg19 : memref<128x128xf32, #tpu.memory_space<vmem>>) offsets(%dma_start3A_283 : memref<128xi32, #tpu.memory_space<vmem>>) semaphore(%arg16 : memref<!tpu.dma_semaphore, #tpu.memory_space<semaphore_mem>>)
      %dma_wait3A_287 = arith.constant 7 : i32
      %dma_wait3A_288 = arith.constant 0 : i32
      %dma_wait3A_289 = tpu.memref_slice %arg21[%dma_wait3A_287, %dma_wait3A_288] : memref<10x128xi32, #tpu.memory_space<vmem>> -> memref<1x128xi32, #tpu.memory_space<vmem>>
      %dma_wait3A_290 = tpu.memref_squeeze %dma_wait3A_289 : memref<1x128xi32, #tpu.memory_space<vmem>> -> memref<128xi32, #tpu.memory_space<vmem>>
      %dma_wait3A_291 = arith.constant 0 : i32
      %dma_wait3A_292 = arith.constant 0 : i32
      %dma_wait3A_293 = tpu.memref_slice %arg2[%dma_wait3A_291, %dma_wait3A_292] : memref<10240x128xf32, #tpu.memory_space<hbm>> -> memref<10240x128xf32, #tpu.memory_space<hbm>>
      tpu.wait_indirect_dma semaphore(%arg17 : memref<!tpu.dma_semaphore, #tpu.memory_space<semaphore_mem>>) src(%dma_wait3A_293 : memref<10240x128xf32, #tpu.memory_space<hbm>>) dst(%arg20 : memref<128x128xf32, #tpu.memory_space<vmem>>)
      %dma_start3A_294 = arith.constant 7 : i32
      %dma_start3A_295 = arith.constant 0 : i32
      %dma_start3A_296 = tpu.memref_slice %arg15[%dma_start3A_294, %dma_start3A_295] : memref<10x128xi32, #tpu.memory_space<vmem>> -> memref<1x128xi32, #tpu.memory_space<vmem>>
      %dma_start3A_297 = tpu.memref_squeeze %dma_start3A_296 : memref<1x128xi32, #tpu.memory_space<vmem>> -> memref<128xi32, #tpu.memory_space<vmem>>
      %dma_start3A_298 = arith.constant 0 : i32
      %dma_start3A_299 = arith.constant 0 : i32
      %dma_start3A_300 = tpu.memref_slice %arg10[%dma_start3A_298, %dma_start3A_299] : memref<10240x128xf32, #tpu.memory_space<vmem_shared>> -> memref<10240x128xf32, #tpu.memory_space<vmem_shared>>
      tpu.enqueue_indirect_dma source(%arg20 : memref<128x128xf32, #tpu.memory_space<vmem>>) target(%dma_start3A_300 : memref<10240x128xf32, #tpu.memory_space<vmem_shared>>) offsets(%dma_start3A_297 : memref<128xi32, #tpu.memory_space<vmem>>) semaphore(%arg23 : memref<!tpu.dma_semaphore, #tpu.memory_space<semaphore_mem>>) {add = true}
      %dma_start3A_301 = arith.constant 7 : i32
      %dma_start3A_302 = arith.constant 0 : i32
      %dma_start3A_303 = tpu.memref_slice %arg15[%dma_start3A_301, %dma_start3A_302] : memref<10x128xi32, #tpu.memory_space<vmem>> -> memref<1x128xi32, #tpu.memory_space<vmem>>
      %dma_start3A_304 = tpu.memref_squeeze %dma_start3A_303 : memref<1x128xi32, #tpu.memory_space<vmem>> -> memref<128xi32, #tpu.memory_space<vmem>>
      %dma_start3A_305 = arith.constant 0 : i32
      %dma_start3A_306 = arith.constant 0 : i32
      %dma_start3A_307 = tpu.memref_slice %arg12[%dma_start3A_305, %dma_start3A_306] : memref<10240x16xf32, #tpu.memory_space<vmem_shared>> -> memref<10240x16xf32, #tpu.memory_space<vmem_shared>>
      tpu.enqueue_indirect_dma source(%arg18 : memref<128x16xf32, #tpu.memory_space<vmem>>) target(%dma_start3A_307 : memref<10240x16xf32, #tpu.memory_space<vmem_shared>>) offsets(%dma_start3A_304 : memref<128xi32, #tpu.memory_space<vmem>>) semaphore(%arg14 : memref<!tpu.dma_semaphore, #tpu.memory_space<semaphore_mem>>) {add = true}
      %dma_wait3A_308 = arith.constant 7 : i32
      %dma_wait3A_309 = arith.constant 0 : i32
      %dma_wait3A_310 = tpu.memref_slice %arg15[%dma_wait3A_308, %dma_wait3A_309] : memref<10x128xi32, #tpu.memory_space<vmem>> -> memref<1x128xi32, #tpu.memory_space<vmem>>
      %dma_wait3A_311 = tpu.memref_squeeze %dma_wait3A_310 : memref<1x128xi32, #tpu.memory_space<vmem>> -> memref<128xi32, #tpu.memory_space<vmem>>
      %dma_wait3A_312 = arith.constant 0 : i32
      %dma_wait3A_313 = arith.constant 0 : i32
      %dma_wait3A_314 = tpu.memref_slice %arg10[%dma_wait3A_312, %dma_wait3A_313] : memref<10240x128xf32, #tpu.memory_space<vmem_shared>> -> memref<10240x128xf32, #tpu.memory_space<vmem_shared>>
      tpu.wait_indirect_dma semaphore(%arg23 : memref<!tpu.dma_semaphore, #tpu.memory_space<semaphore_mem>>) src(%arg20 : memref<128x128xf32, #tpu.memory_space<vmem>>) dst(%dma_wait3A_314 : memref<10240x128xf32, #tpu.memory_space<vmem_shared>>)
      %dma_start3A_315 = arith.constant 9 : i32
      %dma_start3A_316 = arith.constant 0 : i32
      %dma_start3A_317 = tpu.memref_slice %arg21[%dma_start3A_315, %dma_start3A_316] : memref<10x128xi32, #tpu.memory_space<vmem>> -> memref<1x128xi32, #tpu.memory_space<vmem>>
      %dma_start3A_318 = tpu.memref_squeeze %dma_start3A_317 : memref<1x128xi32, #tpu.memory_space<vmem>> -> memref<128xi32, #tpu.memory_space<vmem>>
      %dma_start3A_319 = arith.constant 0 : i32
      %dma_start3A_320 = arith.constant 0 : i32
      %dma_start3A_321 = tpu.memref_slice %arg2[%dma_start3A_319, %dma_start3A_320] : memref<10240x128xf32, #tpu.memory_space<hbm>> -> memref<10240x128xf32, #tpu.memory_space<hbm>>
      tpu.enqueue_indirect_dma source(%dma_start3A_321 : memref<10240x128xf32, #tpu.memory_space<hbm>>) target(%arg20 : memref<128x128xf32, #tpu.memory_space<vmem>>) offsets(%dma_start3A_318 : memref<128xi32, #tpu.memory_space<vmem>>) semaphore(%arg17 : memref<!tpu.dma_semaphore, #tpu.memory_space<semaphore_mem>>)
      %dma_wait3A_322 = arith.constant 8 : i32
      %dma_wait3A_323 = arith.constant 0 : i32
      %dma_wait3A_324 = tpu.memref_slice %arg21[%dma_wait3A_322, %dma_wait3A_323] : memref<10x128xi32, #tpu.memory_space<vmem>> -> memref<1x128xi32, #tpu.memory_space<vmem>>
      %dma_wait3A_325 = tpu.memref_squeeze %dma_wait3A_324 : memref<1x128xi32, #tpu.memory_space<vmem>> -> memref<128xi32, #tpu.memory_space<vmem>>
      %dma_wait3A_326 = arith.constant 0 : i32
      %dma_wait3A_327 = arith.constant 0 : i32
      %dma_wait3A_328 = tpu.memref_slice %arg2[%dma_wait3A_326, %dma_wait3A_327] : memref<10240x128xf32, #tpu.memory_space<hbm>> -> memref<10240x128xf32, #tpu.memory_space<hbm>>
      tpu.wait_indirect_dma semaphore(%arg16 : memref<!tpu.dma_semaphore, #tpu.memory_space<semaphore_mem>>) src(%dma_wait3A_328 : memref<10240x128xf32, #tpu.memory_space<hbm>>) dst(%arg19 : memref<128x128xf32, #tpu.memory_space<vmem>>)
      %dma_start3A_329 = arith.constant 8 : i32
      %dma_start3A_330 = arith.constant 0 : i32
      %dma_start3A_331 = tpu.memref_slice %arg15[%dma_start3A_329, %dma_start3A_330] : memref<10x128xi32, #tpu.memory_space<vmem>> -> memref<1x128xi32, #tpu.memory_space<vmem>>
      %dma_start3A_332 = tpu.memref_squeeze %dma_start3A_331 : memref<1x128xi32, #tpu.memory_space<vmem>> -> memref<128xi32, #tpu.memory_space<vmem>>
      %dma_start3A_333 = arith.constant 0 : i32
      %dma_start3A_334 = arith.constant 0 : i32
      %dma_start3A_335 = tpu.memref_slice %arg10[%dma_start3A_333, %dma_start3A_334] : memref<10240x128xf32, #tpu.memory_space<vmem_shared>> -> memref<10240x128xf32, #tpu.memory_space<vmem_shared>>
      tpu.enqueue_indirect_dma source(%arg19 : memref<128x128xf32, #tpu.memory_space<vmem>>) target(%dma_start3A_335 : memref<10240x128xf32, #tpu.memory_space<vmem_shared>>) offsets(%dma_start3A_332 : memref<128xi32, #tpu.memory_space<vmem>>) semaphore(%arg22 : memref<!tpu.dma_semaphore, #tpu.memory_space<semaphore_mem>>) {add = true}
      %dma_start3A_336 = arith.constant 8 : i32
      %dma_start3A_337 = arith.constant 0 : i32
      %dma_start3A_338 = tpu.memref_slice %arg15[%dma_start3A_336, %dma_start3A_337] : memref<10x128xi32, #tpu.memory_space<vmem>> -> memref<1x128xi32, #tpu.memory_space<vmem>>
      %dma_start3A_339 = tpu.memref_squeeze %dma_start3A_338 : memref<1x128xi32, #tpu.memory_space<vmem>> -> memref<128xi32, #tpu.memory_space<vmem>>
      %dma_start3A_340 = arith.constant 0 : i32
      %dma_start3A_341 = arith.constant 0 : i32
      %dma_start3A_342 = tpu.memref_slice %arg12[%dma_start3A_340, %dma_start3A_341] : memref<10240x16xf32, #tpu.memory_space<vmem_shared>> -> memref<10240x16xf32, #tpu.memory_space<vmem_shared>>
      tpu.enqueue_indirect_dma source(%arg18 : memref<128x16xf32, #tpu.memory_space<vmem>>) target(%dma_start3A_342 : memref<10240x16xf32, #tpu.memory_space<vmem_shared>>) offsets(%dma_start3A_339 : memref<128xi32, #tpu.memory_space<vmem>>) semaphore(%arg14 : memref<!tpu.dma_semaphore, #tpu.memory_space<semaphore_mem>>) {add = true}
      %dma_wait3A_343 = arith.constant 9 : i32
      %dma_wait3A_344 = arith.constant 0 : i32
      %dma_wait3A_345 = tpu.memref_slice %arg21[%dma_wait3A_343, %dma_wait3A_344] : memref<10x128xi32, #tpu.memory_space<vmem>> -> memref<1x128xi32, #tpu.memory_space<vmem>>
      %dma_wait3A_346 = tpu.memref_squeeze %dma_wait3A_345 : memref<1x128xi32, #tpu.memory_space<vmem>> -> memref<128xi32, #tpu.memory_space<vmem>>
      %dma_wait3A_347 = arith.constant 0 : i32
      %dma_wait3A_348 = arith.constant 0 : i32
      %dma_wait3A_349 = tpu.memref_slice %arg2[%dma_wait3A_347, %dma_wait3A_348] : memref<10240x128xf32, #tpu.memory_space<hbm>> -> memref<10240x128xf32, #tpu.memory_space<hbm>>
      tpu.wait_indirect_dma semaphore(%arg17 : memref<!tpu.dma_semaphore, #tpu.memory_space<semaphore_mem>>) src(%dma_wait3A_349 : memref<10240x128xf32, #tpu.memory_space<hbm>>) dst(%arg20 : memref<128x128xf32, #tpu.memory_space<vmem>>)
      %dma_start3A_350 = arith.constant 9 : i32
      %dma_start3A_351 = arith.constant 0 : i32
      %dma_start3A_352 = tpu.memref_slice %arg15[%dma_start3A_350, %dma_start3A_351] : memref<10x128xi32, #tpu.memory_space<vmem>> -> memref<1x128xi32, #tpu.memory_space<vmem>>
      %dma_start3A_353 = tpu.memref_squeeze %dma_start3A_352 : memref<1x128xi32, #tpu.memory_space<vmem>> -> memref<128xi32, #tpu.memory_space<vmem>>
      %dma_start3A_354 = arith.constant 0 : i32
      %dma_start3A_355 = arith.constant 0 : i32
      %dma_start3A_356 = tpu.memref_slice %arg10[%dma_start3A_354, %dma_start3A_355] : memref<10240x128xf32, #tpu.memory_space<vmem_shared>> -> memref<10240x128xf32, #tpu.memory_space<vmem_shared>>
      tpu.enqueue_indirect_dma source(%arg20 : memref<128x128xf32, #tpu.memory_space<vmem>>) target(%dma_start3A_356 : memref<10240x128xf32, #tpu.memory_space<vmem_shared>>) offsets(%dma_start3A_353 : memref<128xi32, #tpu.memory_space<vmem>>) semaphore(%arg23 : memref<!tpu.dma_semaphore, #tpu.memory_space<semaphore_mem>>) {add = true}
      %dma_start3A_357 = arith.constant 9 : i32
      %dma_start3A_358 = arith.constant 0 : i32
      %dma_start3A_359 = tpu.memref_slice %arg15[%dma_start3A_357, %dma_start3A_358] : memref<10x128xi32, #tpu.memory_space<vmem>> -> memref<1x128xi32, #tpu.memory_space<vmem>>
      %dma_start3A_360 = tpu.memref_squeeze %dma_start3A_359 : memref<1x128xi32, #tpu.memory_space<vmem>> -> memref<128xi32, #tpu.memory_space<vmem>>
      %dma_start3A_361 = arith.constant 0 : i32
      %dma_start3A_362 = arith.constant 0 : i32
      %dma_start3A_363 = tpu.memref_slice %arg12[%dma_start3A_361, %dma_start3A_362] : memref<10240x16xf32, #tpu.memory_space<vmem_shared>> -> memref<10240x16xf32, #tpu.memory_space<vmem_shared>>
      tpu.enqueue_indirect_dma source(%arg18 : memref<128x16xf32, #tpu.memory_space<vmem>>) target(%dma_start3A_363 : memref<10240x16xf32, #tpu.memory_space<vmem_shared>>) offsets(%dma_start3A_360 : memref<128xi32, #tpu.memory_space<vmem>>) semaphore(%arg14 : memref<!tpu.dma_semaphore, #tpu.memory_space<semaphore_mem>>) {add = true}
      %dma_wait3A_364 = arith.constant 8 : i32
      %dma_wait3A_365 = arith.constant 0 : i32
      %dma_wait3A_366 = tpu.memref_slice %arg15[%dma_wait3A_364, %dma_wait3A_365] : memref<10x128xi32, #tpu.memory_space<vmem>> -> memref<1x128xi32, #tpu.memory_space<vmem>>
      %dma_wait3A_367 = tpu.memref_squeeze %dma_wait3A_366 : memref<1x128xi32, #tpu.memory_space<vmem>> -> memref<128xi32, #tpu.memory_space<vmem>>
      %dma_wait3A_368 = arith.constant 0 : i32
      %dma_wait3A_369 = arith.constant 0 : i32
      %dma_wait3A_370 = tpu.memref_slice %arg10[%dma_wait3A_368, %dma_wait3A_369] : memref<10240x128xf32, #tpu.memory_space<vmem_shared>> -> memref<10240x128xf32, #tpu.memory_space<vmem_shared>>
      tpu.wait_indirect_dma semaphore(%arg22 : memref<!tpu.dma_semaphore, #tpu.memory_space<semaphore_mem>>) src(%arg19 : memref<128x128xf32, #tpu.memory_space<vmem>>) dst(%dma_wait3A_370 : memref<10240x128xf32, #tpu.memory_space<vmem_shared>>)
      %dma_wait3A_371 = arith.constant 9 : i32
      %dma_wait3A_372 = arith.constant 0 : i32
      %dma_wait3A_373 = tpu.memref_slice %arg15[%dma_wait3A_371, %dma_wait3A_372] : memref<10x128xi32, #tpu.memory_space<vmem>> -> memref<1x128xi32, #tpu.memory_space<vmem>>
      %dma_wait3A_374 = tpu.memref_squeeze %dma_wait3A_373 : memref<1x128xi32, #tpu.memory_space<vmem>> -> memref<128xi32, #tpu.memory_space<vmem>>
      %dma_wait3A_375 = arith.constant 0 : i32
      %dma_wait3A_376 = arith.constant 0 : i32
      %dma_wait3A_377 = tpu.memref_slice %arg10[%dma_wait3A_375, %dma_wait3A_376] : memref<10240x128xf32, #tpu.memory_space<vmem_shared>> -> memref<10240x128xf32, #tpu.memory_space<vmem_shared>>
      tpu.wait_indirect_dma semaphore(%arg23 : memref<!tpu.dma_semaphore, #tpu.memory_space<semaphore_mem>>) src(%arg20 : memref<128x128xf32, #tpu.memory_space<vmem>>) dst(%dma_wait3A_377 : memref<10240x128xf32, #tpu.memory_space<vmem_shared>>)
      %dma_wait3A_378 = arith.constant 0 : i32
      %dma_wait3A_379 = arith.constant 0 : i32
      %dma_wait3A_380 = tpu.memref_slice %arg15[%dma_wait3A_378, %dma_wait3A_379] : memref<10x128xi32, #tpu.memory_space<vmem>> -> memref<1x128xi32, #tpu.memory_space<vmem>>
      %dma_wait3A_381 = tpu.memref_squeeze %dma_wait3A_380 : memref<1x128xi32, #tpu.memory_space<vmem>> -> memref<128xi32, #tpu.memory_space<vmem>>
      %dma_wait3A_382 = arith.constant 0 : i32
      %dma_wait3A_383 = arith.constant 0 : i32
      %dma_wait3A_384 = tpu.memref_slice %arg12[%dma_wait3A_382, %dma_wait3A_383] : memref<10240x16xf32, #tpu.memory_space<vmem_shared>> -> memref<10240x16xf32, #tpu.memory_space<vmem_shared>>
      tpu.wait_indirect_dma semaphore(%arg14 : memref<!tpu.dma_semaphore, #tpu.memory_space<semaphore_mem>>) src(%arg18 : memref<128x16xf32, #tpu.memory_space<vmem>>) dst(%dma_wait3A_384 : memref<10240x16xf32, #tpu.memory_space<vmem_shared>>)
      %dma_wait3A_385 = arith.constant 1 : i32
      %dma_wait3A_386 = arith.constant 0 : i32
      %dma_wait3A_387 = tpu.memref_slice %arg15[%dma_wait3A_385, %dma_wait3A_386] : memref<10x128xi32, #tpu.memory_space<vmem>> -> memref<1x128xi32, #tpu.memory_space<vmem>>
      %dma_wait3A_388 = tpu.memref_squeeze %dma_wait3A_387 : memref<1x128xi32, #tpu.memory_space<vmem>> -> memref<128xi32, #tpu.memory_space<vmem>>
      %dma_wait3A_389 = arith.constant 0 : i32
      %dma_wait3A_390 = arith.constant 0 : i32
      %dma_wait3A_391 = tpu.memref_slice %arg12[%dma_wait3A_389, %dma_wait3A_390] : memref<10240x16xf32, #tpu.memory_space<vmem_shared>> -> memref<10240x16xf32, #tpu.memory_space<vmem_shared>>
      tpu.wait_indirect_dma semaphore(%arg14 : memref<!tpu.dma_semaphore, #tpu.memory_space<semaphore_mem>>) src(%arg18 : memref<128x16xf32, #tpu.memory_space<vmem>>) dst(%dma_wait3A_391 : memref<10240x16xf32, #tpu.memory_space<vmem_shared>>)
      %dma_wait3A_392 = arith.constant 2 : i32
      %dma_wait3A_393 = arith.constant 0 : i32
      %dma_wait3A_394 = tpu.memref_slice %arg15[%dma_wait3A_392, %dma_wait3A_393] : memref<10x128xi32, #tpu.memory_space<vmem>> -> memref<1x128xi32, #tpu.memory_space<vmem>>
      %dma_wait3A_395 = tpu.memref_squeeze %dma_wait3A_394 : memref<1x128xi32, #tpu.memory_space<vmem>> -> memref<128xi32, #tpu.memory_space<vmem>>
      %dma_wait3A_396 = arith.constant 0 : i32
      %dma_wait3A_397 = arith.constant 0 : i32
      %dma_wait3A_398 = tpu.memref_slice %arg12[%dma_wait3A_396, %dma_wait3A_397] : memref<10240x16xf32, #tpu.memory_space<vmem_shared>> -> memref<10240x16xf32, #tpu.memory_space<vmem_shared>>
      tpu.wait_indirect_dma semaphore(%arg14 : memref<!tpu.dma_semaphore, #tpu.memory_space<semaphore_mem>>) src(%arg18 : memref<128x16xf32, #tpu.memory_space<vmem>>) dst(%dma_wait3A_398 : memref<10240x16xf32, #tpu.memory_space<vmem_shared>>)
      %dma_wait3A_399 = arith.constant 3 : i32
      %dma_wait3A_400 = arith.constant 0 : i32
      %dma_wait3A_401 = tpu.memref_slice %arg15[%dma_wait3A_399, %dma_wait3A_400] : memref<10x128xi32, #tpu.memory_space<vmem>> -> memref<1x128xi32, #tpu.memory_space<vmem>>
      %dma_wait3A_402 = tpu.memref_squeeze %dma_wait3A_401 : memref<1x128xi32, #tpu.memory_space<vmem>> -> memref<128xi32, #tpu.memory_space<vmem>>
      %dma_wait3A_403 = arith.constant 0 : i32
      %dma_wait3A_404 = arith.constant 0 : i32
      %dma_wait3A_405 = tpu.memref_slice %arg12[%dma_wait3A_403, %dma_wait3A_404] : memref<10240x16xf32, #tpu.memory_space<vmem_shared>> -> memref<10240x16xf32, #tpu.memory_space<vmem_shared>>
      tpu.wait_indirect_dma semaphore(%arg14 : memref<!tpu.dma_semaphore, #tpu.memory_space<semaphore_mem>>) src(%arg18 : memref<128x16xf32, #tpu.memory_space<vmem>>) dst(%dma_wait3A_405 : memref<10240x16xf32, #tpu.memory_space<vmem_shared>>)
      %dma_wait3A_406 = arith.constant 4 : i32
      %dma_wait3A_407 = arith.constant 0 : i32
      %dma_wait3A_408 = tpu.memref_slice %arg15[%dma_wait3A_406, %dma_wait3A_407] : memref<10x128xi32, #tpu.memory_space<vmem>> -> memref<1x128xi32, #tpu.memory_space<vmem>>
      %dma_wait3A_409 = tpu.memref_squeeze %dma_wait3A_408 : memref<1x128xi32, #tpu.memory_space<vmem>> -> memref<128xi32, #tpu.memory_space<vmem>>
      %dma_wait3A_410 = arith.constant 0 : i32
      %dma_wait3A_411 = arith.constant 0 : i32
      %dma_wait3A_412 = tpu.memref_slice %arg12[%dma_wait3A_410, %dma_wait3A_411] : memref<10240x16xf32, #tpu.memory_space<vmem_shared>> -> memref<10240x16xf32, #tpu.memory_space<vmem_shared>>
      tpu.wait_indirect_dma semaphore(%arg14 : memref<!tpu.dma_semaphore, #tpu.memory_space<semaphore_mem>>) src(%arg18 : memref<128x16xf32, #tpu.memory_space<vmem>>) dst(%dma_wait3A_412 : memref<10240x16xf32, #tpu.memory_space<vmem_shared>>)
      %dma_wait3A_413 = arith.constant 5 : i32
      %dma_wait3A_414 = arith.constant 0 : i32
      %dma_wait3A_415 = tpu.memref_slice %arg15[%dma_wait3A_413, %dma_wait3A_414] : memref<10x128xi32, #tpu.memory_space<vmem>> -> memref<1x128xi32, #tpu.memory_space<vmem>>
      %dma_wait3A_416 = tpu.memref_squeeze %dma_wait3A_415 : memref<1x128xi32, #tpu.memory_space<vmem>> -> memref<128xi32, #tpu.memory_space<vmem>>
      %dma_wait3A_417 = arith.constant 0 : i32
      %dma_wait3A_418 = arith.constant 0 : i32
      %dma_wait3A_419 = tpu.memref_slice %arg12[%dma_wait3A_417, %dma_wait3A_418] : memref<10240x16xf32, #tpu.memory_space<vmem_shared>> -> memref<10240x16xf32, #tpu.memory_space<vmem_shared>>
      tpu.wait_indirect_dma semaphore(%arg14 : memref<!tpu.dma_semaphore, #tpu.memory_space<semaphore_mem>>) src(%arg18 : memref<128x16xf32, #tpu.memory_space<vmem>>) dst(%dma_wait3A_419 : memref<10240x16xf32, #tpu.memory_space<vmem_shared>>)
      %dma_wait3A_420 = arith.constant 6 : i32
      %dma_wait3A_421 = arith.constant 0 : i32
      %dma_wait3A_422 = tpu.memref_slice %arg15[%dma_wait3A_420, %dma_wait3A_421] : memref<10x128xi32, #tpu.memory_space<vmem>> -> memref<1x128xi32, #tpu.memory_space<vmem>>
      %dma_wait3A_423 = tpu.memref_squeeze %dma_wait3A_422 : memref<1x128xi32, #tpu.memory_space<vmem>> -> memref<128xi32, #tpu.memory_space<vmem>>
      %dma_wait3A_424 = arith.constant 0 : i32
      %dma_wait3A_425 = arith.constant 0 : i32
      %dma_wait3A_426 = tpu.memref_slice %arg12[%dma_wait3A_424, %dma_wait3A_425] : memref<10240x16xf32, #tpu.memory_space<vmem_shared>> -> memref<10240x16xf32, #tpu.memory_space<vmem_shared>>
      tpu.wait_indirect_dma semaphore(%arg14 : memref<!tpu.dma_semaphore, #tpu.memory_space<semaphore_mem>>) src(%arg18 : memref<128x16xf32, #tpu.memory_space<vmem>>) dst(%dma_wait3A_426 : memref<10240x16xf32, #tpu.memory_space<vmem_shared>>)
      %dma_wait3A_427 = arith.constant 7 : i32
      %dma_wait3A_428 = arith.constant 0 : i32
      %dma_wait3A_429 = tpu.memref_slice %arg15[%dma_wait3A_427, %dma_wait3A_428] : memref<10x128xi32, #tpu.memory_space<vmem>> -> memref<1x128xi32, #tpu.memory_space<vmem>>
      %dma_wait3A_430 = tpu.memref_squeeze %dma_wait3A_429 : memref<1x128xi32, #tpu.memory_space<vmem>> -> memref<128xi32, #tpu.memory_space<vmem>>
      %dma_wait3A_431 = arith.constant 0 : i32
      %dma_wait3A_432 = arith.constant 0 : i32
      %dma_wait3A_433 = tpu.memref_slice %arg12[%dma_wait3A_431, %dma_wait3A_432] : memref<10240x16xf32, #tpu.memory_space<vmem_shared>> -> memref<10240x16xf32, #tpu.memory_space<vmem_shared>>
      tpu.wait_indirect_dma semaphore(%arg14 : memref<!tpu.dma_semaphore, #tpu.memory_space<semaphore_mem>>) src(%arg18 : memref<128x16xf32, #tpu.memory_space<vmem>>) dst(%dma_wait3A_433 : memref<10240x16xf32, #tpu.memory_space<vmem_shared>>)
      %dma_wait3A_434 = arith.constant 8 : i32
      %dma_wait3A_435 = arith.constant 0 : i32
      %dma_wait3A_436 = tpu.memref_slice %arg15[%dma_wait3A_434, %dma_wait3A_435] : memref<10x128xi32, #tpu.memory_space<vmem>> -> memref<1x128xi32, #tpu.memory_space<vmem>>
      %dma_wait3A_437 = tpu.memref_squeeze %dma_wait3A_436 : memref<1x128xi32, #tpu.memory_space<vmem>> -> memref<128xi32, #tpu.memory_space<vmem>>
      %dma_wait3A_438 = arith.constant 0 : i32
      %dma_wait3A_439 = arith.constant 0 : i32
      %dma_wait3A_440 = tpu.memref_slice %arg12[%dma_wait3A_438, %dma_wait3A_439] : memref<10240x16xf32, #tpu.memory_space<vmem_shared>> -> memref<10240x16xf32, #tpu.memory_space<vmem_shared>>
      tpu.wait_indirect_dma semaphore(%arg14 : memref<!tpu.dma_semaphore, #tpu.memory_space<semaphore_mem>>) src(%arg18 : memref<128x16xf32, #tpu.memory_space<vmem>>) dst(%dma_wait3A_440 : memref<10240x16xf32, #tpu.memory_space<vmem_shared>>)
      %dma_wait3A_441 = arith.constant 9 : i32
      %dma_wait3A_442 = arith.constant 0 : i32
      %dma_wait3A_443 = tpu.memref_slice %arg15[%dma_wait3A_441, %dma_wait3A_442] : memref<10x128xi32, #tpu.memory_space<vmem>> -> memref<1x128xi32, #tpu.memory_space<vmem>>
      %dma_wait3A_444 = tpu.memref_squeeze %dma_wait3A_443 : memref<1x128xi32, #tpu.memory_space<vmem>> -> memref<128xi32, #tpu.memory_space<vmem>>
      %dma_wait3A_445 = arith.constant 0 : i32
      %dma_wait3A_446 = arith.constant 0 : i32
      %dma_wait3A_447 = tpu.memref_slice %arg12[%dma_wait3A_445, %dma_wait3A_446] : memref<10240x16xf32, #tpu.memory_space<vmem_shared>> -> memref<10240x16xf32, #tpu.memory_space<vmem_shared>>
      tpu.wait_indirect_dma semaphore(%arg14 : memref<!tpu.dma_semaphore, #tpu.memory_space<semaphore_mem>>) src(%arg18 : memref<128x16xf32, #tpu.memory_space<vmem>>) dst(%dma_wait3A_447 : memref<10240x16xf32, #tpu.memory_space<vmem_shared>>)
    }
    %scan3A_9 = arith.constant 8 : i32
    %barrier3A_10 = arith.constant 0 : index
    tpu.barrier barrier_id(%barrier3A_10)
    %mul3A_11 = arith.constant 640 : i32
    %mul3A_12 = arith.muli %arg1, %mul3A_11 : i32
    %mul3A_13 = arith.constant 10240 : i32
    %mul3A_14 = arith.muli %arg0, %mul3A_13 : i32
    %mul3A_15 = arith.constant 640 : i32
    %mul3A_16 = arith.muli %arg1, %mul3A_15 : i32
    %add3A_17 = arith.addi %mul3A_14, %mul3A_16 : i32
    "tpu.region"() ({
      %run_scoped3A = tpu.sem_alloc : memref<!tpu.dma_semaphore, #tpu.memory_space<semaphore_mem>>
      %dma_start3A = arith.constant 0 : i32
      %dma_start3A_29 = tpu.memref_slice %arg8[%add3A_17, %dma_start3A] : memref<20480x128xf32, #tpu.memory_space<hbm>> -> memref<640x128xf32, #tpu.memory_space<hbm>>
      %dma_start3A_30 = arith.constant 0 : i32
      %dma_start3A_31 = tpu.memref_slice %arg10[%mul3A_12, %dma_start3A_30] : memref<10240x128xf32, #tpu.memory_space<vmem_shared>> -> memref<640x128xf32, #tpu.memory_space<vmem_shared>>
      tpu.enqueue_dma source(%dma_start3A_31 : memref<640x128xf32, #tpu.memory_space<vmem_shared>>) target(%dma_start3A_29 : memref<640x128xf32, #tpu.memory_space<hbm>>) target_semaphore(%run_scoped3A : memref<!tpu.dma_semaphore, #tpu.memory_space<semaphore_mem>>)
      %dma_wait3A = arith.constant 0 : i32
      %dma_wait3A_32 = tpu.memref_slice %arg8[%add3A_17, %dma_wait3A] : memref<20480x128xf32, #tpu.memory_space<hbm>> -> memref<640x128xf32, #tpu.memory_space<hbm>>
      %dma_wait3A_33 = arith.constant 0 : i32
      %dma_wait3A_34 = tpu.memref_slice %arg10[%mul3A_12, %dma_wait3A_33] : memref<10240x128xf32, #tpu.memory_space<vmem_shared>> -> memref<640x128xf32, #tpu.memory_space<vmem_shared>>
      tpu.wait_dma2 semaphore(%run_scoped3A : memref<!tpu.dma_semaphore, #tpu.memory_space<semaphore_mem>>) src(%dma_wait3A_34 : memref<640x128xf32, #tpu.memory_space<vmem_shared>>) dst(%dma_wait3A_32 : memref<640x128xf32, #tpu.memory_space<hbm>>)
      tpu.yield
    }) : () -> ()
    %iota3A = tpu.iota {dimensions = array<i32: 0>} : vector<16xi32>
    %scan3A_18 = arith.constant 0 : i32
    %scan3A_19 = arith.constant 0 : i32
    %scan3A_20 = arith.constant 20 : i32
    %scan3A_21 = arith.addi %scan3A_19, %scan3A_20 : i32
    %scan3A_22 = arith.constant 1 : i32
    scf.for %scan3A_29 = %scan3A_19 to %scan3A_21 step %scan3A_22  : i32 {
      %mul3A_30 = arith.constant 640 : i32
      %mul3A_31 = arith.muli %arg1, %mul3A_30 : i32
      %mul3A_32 = arith.constant 32 : i32
      %mul3A_33 = arith.muli %scan3A_29, %mul3A_32 : i32
      %add3A_34 = arith.addi %mul3A_31, %mul3A_33 : i32
      "tpu.region"() ({
        %run_scoped3A = tpu.sem_alloc : memref<!tpu.dma_semaphore, #tpu.memory_space<semaphore_mem>>
        %dma_start3A = arith.constant 0 : i32
        %dma_start3A_338 = tpu.memref_slice %arg12[%add3A_34, %dma_start3A] : memref<10240x16xf32, #tpu.memory_space<vmem_shared>> -> memref<32x16xf32, #tpu.memory_space<vmem_shared>>
        %dma_start3A_339 = arith.constant 0 : i32
        %dma_start3A_340 = tpu.memref_slice %arg12[%add3A_34, %dma_start3A_339] : memref<10240x16xf32, #tpu.memory_space<vmem_shared>> -> memref<32x16xf32, #tpu.memory_space<vmem_shared>>
        tpu.enqueue_dma source(%dma_start3A_340 : memref<32x16xf32, #tpu.memory_space<vmem_shared>>) target(%arg11 : memref<32x16xf32, #tpu.memory_space<vmem>>) target_semaphore(%run_scoped3A : memref<!tpu.dma_semaphore, #tpu.memory_space<semaphore_mem>>)
        %dma_wait3A = arith.constant 0 : i32
        %dma_wait3A_341 = tpu.memref_slice %arg12[%add3A_34, %dma_wait3A] : memref<10240x16xf32, #tpu.memory_space<vmem_shared>> -> memref<32x16xf32, #tpu.memory_space<vmem_shared>>
        %dma_wait3A_342 = arith.constant 0 : i32
        %dma_wait3A_343 = tpu.memref_slice %arg12[%add3A_34, %dma_wait3A_342] : memref<10240x16xf32, #tpu.memory_space<vmem_shared>> -> memref<32x16xf32, #tpu.memory_space<vmem_shared>>
        tpu.wait_dma2 semaphore(%run_scoped3A : memref<!tpu.dma_semaphore, #tpu.memory_space<semaphore_mem>>) src(%dma_wait3A_343 : memref<32x16xf32, #tpu.memory_space<vmem_shared>>) dst(%arg11 : memref<32x16xf32, #tpu.memory_space<vmem>>)
        tpu.yield
      }) : () -> ()
      %broadcast_in_dim3A = arith.constant 0.000000e+00 : f32
      %broadcast_in_dim3A_35 = vector.broadcast %broadcast_in_dim3A : f32 to vector<16xf32>
      %eq3A = arith.constant 0 : i32
      %eq3A_36 = vector.broadcast %eq3A : i32 to vector<16xi32>
      %eq3A_37 = arith.cmpi eq, %iota3A, %eq3A_36 : vector<16xi32>
      %get3A = arith.constant 0 : i32
      %get3A_38 = arith.index_cast %get3A : i32 to index
      %get3A_39 = arith.constant 0 : index
      %get3A_40 = tpu.vector_load %arg11[%get3A_38, %get3A_39] {strides = array<i32>} : memref<32x16xf32, #tpu.memory_space<vmem>>, vector<1x16xf32>,
      %get3A_41 = vector.shape_cast %get3A_40 : vector<1x16xf32> to vector<16xf32>
      %select_n3A = arith.select %eq3A_37, %get3A_41, %broadcast_in_dim3A_35 : vector<16xi1>, vector<16xf32>
      %eq3A_42 = arith.constant 1 : i32
      %eq3A_43 = vector.broadcast %eq3A_42 : i32 to vector<16xi32>
      %eq3A_44 = arith.cmpi eq, %iota3A, %eq3A_43 : vector<16xi32>
      %get3A_45 = arith.constant 1 : i32
      %get3A_46 = arith.index_cast %get3A_45 : i32 to index
      %get3A_47 = arith.constant 0 : index
      %get3A_48 = tpu.vector_load %arg11[%get3A_46, %get3A_47] {strides = array<i32>} : memref<32x16xf32, #tpu.memory_space<vmem>>, vector<1x16xf32>,
      %get3A_49 = vector.shape_cast %get3A_48 : vector<1x16xf32> to vector<16xf32>
      %select_n3A_50 = arith.select %eq3A_44, %get3A_49, %select_n3A : vector<16xi1>, vector<16xf32>
      %eq3A_51 = arith.constant 2 : i32
      %eq3A_52 = vector.broadcast %eq3A_51 : i32 to vector<16xi32>
      %eq3A_53 = arith.cmpi eq, %iota3A, %eq3A_52 : vector<16xi32>
      %get3A_54 = arith.constant 2 : i32
      %get3A_55 = arith.index_cast %get3A_54 : i32 to index
      %get3A_56 = arith.constant 0 : index
      %get3A_57 = tpu.vector_load %arg11[%get3A_55, %get3A_56] {strides = array<i32>} : memref<32x16xf32, #tpu.memory_space<vmem>>, vector<1x16xf32>,
      %get3A_58 = vector.shape_cast %get3A_57 : vector<1x16xf32> to vector<16xf32>
      %select_n3A_59 = arith.select %eq3A_53, %get3A_58, %select_n3A_50 : vector<16xi1>, vector<16xf32>
      %eq3A_60 = arith.constant 3 : i32
      %eq3A_61 = vector.broadcast %eq3A_60 : i32 to vector<16xi32>
      %eq3A_62 = arith.cmpi eq, %iota3A, %eq3A_61 : vector<16xi32>
      %get3A_63 = arith.constant 3 : i32
      %get3A_64 = arith.index_cast %get3A_63 : i32 to index
      %get3A_65 = arith.constant 0 : index
      %get3A_66 = tpu.vector_load %arg11[%get3A_64, %get3A_65] {strides = array<i32>} : memref<32x16xf32, #tpu.memory_space<vmem>>, vector<1x16xf32>,
      %get3A_67 = vector.shape_cast %get3A_66 : vector<1x16xf32> to vector<16xf32>
      %select_n3A_68 = arith.select %eq3A_62, %get3A_67, %select_n3A_59 : vector<16xi1>, vector<16xf32>
      %eq3A_69 = arith.constant 4 : i32
      %eq3A_70 = vector.broadcast %eq3A_69 : i32 to vector<16xi32>
      %eq3A_71 = arith.cmpi eq, %iota3A, %eq3A_70 : vector<16xi32>
      %get3A_72 = arith.constant 4 : i32
      %get3A_73 = arith.index_cast %get3A_72 : i32 to index
      %get3A_74 = arith.constant 0 : index
      %get3A_75 = tpu.vector_load %arg11[%get3A_73, %get3A_74] {strides = array<i32>} : memref<32x16xf32, #tpu.memory_space<vmem>>, vector<1x16xf32>,
      %get3A_76 = vector.shape_cast %get3A_75 : vector<1x16xf32> to vector<16xf32>
      %select_n3A_77 = arith.select %eq3A_71, %get3A_76, %select_n3A_68 : vector<16xi1>, vector<16xf32>
      %eq3A_78 = arith.constant 5 : i32
      %eq3A_79 = vector.broadcast %eq3A_78 : i32 to vector<16xi32>
      %eq3A_80 = arith.cmpi eq, %iota3A, %eq3A_79 : vector<16xi32>
      %get3A_81 = arith.constant 5 : i32
      %get3A_82 = arith.index_cast %get3A_81 : i32 to index
      %get3A_83 = arith.constant 0 : index
      %get3A_84 = tpu.vector_load %arg11[%get3A_82, %get3A_83] {strides = array<i32>} : memref<32x16xf32, #tpu.memory_space<vmem>>, vector<1x16xf32>,
      %get3A_85 = vector.shape_cast %get3A_84 : vector<1x16xf32> to vector<16xf32>
      %select_n3A_86 = arith.select %eq3A_80, %get3A_85, %select_n3A_77 : vector<16xi1>, vector<16xf32>
      %eq3A_87 = arith.constant 6 : i32
      %eq3A_88 = vector.broadcast %eq3A_87 : i32 to vector<16xi32>
      %eq3A_89 = arith.cmpi eq, %iota3A, %eq3A_88 : vector<16xi32>
      %get3A_90 = arith.constant 6 : i32
      %get3A_91 = arith.index_cast %get3A_90 : i32 to index
      %get3A_92 = arith.constant 0 : index
      %get3A_93 = tpu.vector_load %arg11[%get3A_91, %get3A_92] {strides = array<i32>} : memref<32x16xf32, #tpu.memory_space<vmem>>, vector<1x16xf32>,
      %get3A_94 = vector.shape_cast %get3A_93 : vector<1x16xf32> to vector<16xf32>
      %select_n3A_95 = arith.select %eq3A_89, %get3A_94, %select_n3A_86 : vector<16xi1>, vector<16xf32>
      %eq3A_96 = arith.constant 7 : i32
      %eq3A_97 = vector.broadcast %eq3A_96 : i32 to vector<16xi32>
      %eq3A_98 = arith.cmpi eq, %iota3A, %eq3A_97 : vector<16xi32>
      %get3A_99 = arith.constant 7 : i32
      %get3A_100 = arith.index_cast %get3A_99 : i32 to index
      %get3A_101 = arith.constant 0 : index
      %get3A_102 = tpu.vector_load %arg11[%get3A_100, %get3A_101] {strides = array<i32>} : memref<32x16xf32, #tpu.memory_space<vmem>>, vector<1x16xf32>,
      %get3A_103 = vector.shape_cast %get3A_102 : vector<1x16xf32> to vector<16xf32>
      %select_n3A_104 = arith.select %eq3A_98, %get3A_103, %select_n3A_95 : vector<16xi1>, vector<16xf32>
      %eq3A_105 = arith.constant 8 : i32
      %eq3A_106 = vector.broadcast %eq3A_105 : i32 to vector<16xi32>
      %eq3A_107 = arith.cmpi eq, %iota3A, %eq3A_106 : vector<16xi32>
      %get3A_108 = arith.constant 8 : i32
      %get3A_109 = arith.index_cast %get3A_108 : i32 to index
      %get3A_110 = arith.constant 0 : index
      %get3A_111 = tpu.vector_load %arg11[%get3A_109, %get3A_110] {strides = array<i32>} : memref<32x16xf32, #tpu.memory_space<vmem>>, vector<1x16xf32>,
      %get3A_112 = vector.shape_cast %get3A_111 : vector<1x16xf32> to vector<16xf32>
      %select_n3A_113 = arith.select %eq3A_107, %get3A_112, %select_n3A_104 : vector<16xi1>, vector<16xf32>
      %eq3A_114 = arith.constant 9 : i32
      %eq3A_115 = vector.broadcast %eq3A_114 : i32 to vector<16xi32>
      %eq3A_116 = arith.cmpi eq, %iota3A, %eq3A_115 : vector<16xi32>
      %get3A_117 = arith.constant 9 : i32
      %get3A_118 = arith.index_cast %get3A_117 : i32 to index
      %get3A_119 = arith.constant 0 : index
      %get3A_120 = tpu.vector_load %arg11[%get3A_118, %get3A_119] {strides = array<i32>} : memref<32x16xf32, #tpu.memory_space<vmem>>, vector<1x16xf32>,
      %get3A_121 = vector.shape_cast %get3A_120 : vector<1x16xf32> to vector<16xf32>
      %select_n3A_122 = arith.select %eq3A_116, %get3A_121, %select_n3A_113 : vector<16xi1>, vector<16xf32>
      %eq3A_123 = arith.constant 10 : i32
      %eq3A_124 = vector.broadcast %eq3A_123 : i32 to vector<16xi32>
      %eq3A_125 = arith.cmpi eq, %iota3A, %eq3A_124 : vector<16xi32>
      %get3A_126 = arith.constant 10 : i32
      %get3A_127 = arith.index_cast %get3A_126 : i32 to index
      %get3A_128 = arith.constant 0 : index
      %get3A_129 = tpu.vector_load %arg11[%get3A_127, %get3A_128] {strides = array<i32>} : memref<32x16xf32, #tpu.memory_space<vmem>>, vector<1x16xf32>,
      %get3A_130 = vector.shape_cast %get3A_129 : vector<1x16xf32> to vector<16xf32>
      %select_n3A_131 = arith.select %eq3A_125, %get3A_130, %select_n3A_122 : vector<16xi1>, vector<16xf32>
      %eq3A_132 = arith.constant 11 : i32
      %eq3A_133 = vector.broadcast %eq3A_132 : i32 to vector<16xi32>
      %eq3A_134 = arith.cmpi eq, %iota3A, %eq3A_133 : vector<16xi32>
      %get3A_135 = arith.constant 11 : i32
      %get3A_136 = arith.index_cast %get3A_135 : i32 to index
      %get3A_137 = arith.constant 0 : index
      %get3A_138 = tpu.vector_load %arg11[%get3A_136, %get3A_137] {strides = array<i32>} : memref<32x16xf32, #tpu.memory_space<vmem>>, vector<1x16xf32>,
      %get3A_139 = vector.shape_cast %get3A_138 : vector<1x16xf32> to vector<16xf32>
      %select_n3A_140 = arith.select %eq3A_134, %get3A_139, %select_n3A_131 : vector<16xi1>, vector<16xf32>
      %eq3A_141 = arith.constant 12 : i32
      %eq3A_142 = vector.broadcast %eq3A_141 : i32 to vector<16xi32>
      %eq3A_143 = arith.cmpi eq, %iota3A, %eq3A_142 : vector<16xi32>
      %get3A_144 = arith.constant 12 : i32
      %get3A_145 = arith.index_cast %get3A_144 : i32 to index
      %get3A_146 = arith.constant 0 : index
      %get3A_147 = tpu.vector_load %arg11[%get3A_145, %get3A_146] {strides = array<i32>} : memref<32x16xf32, #tpu.memory_space<vmem>>, vector<1x16xf32>,
      %get3A_148 = vector.shape_cast %get3A_147 : vector<1x16xf32> to vector<16xf32>
      %select_n3A_149 = arith.select %eq3A_143, %get3A_148, %select_n3A_140 : vector<16xi1>, vector<16xf32>
      %eq3A_150 = arith.constant 13 : i32
      %eq3A_151 = vector.broadcast %eq3A_150 : i32 to vector<16xi32>
      %eq3A_152 = arith.cmpi eq, %iota3A, %eq3A_151 : vector<16xi32>
      %get3A_153 = arith.constant 13 : i32
      %get3A_154 = arith.index_cast %get3A_153 : i32 to index
      %get3A_155 = arith.constant 0 : index
      %get3A_156 = tpu.vector_load %arg11[%get3A_154, %get3A_155] {strides = array<i32>} : memref<32x16xf32, #tpu.memory_space<vmem>>, vector<1x16xf32>,
      %get3A_157 = vector.shape_cast %get3A_156 : vector<1x16xf32> to vector<16xf32>
      %select_n3A_158 = arith.select %eq3A_152, %get3A_157, %select_n3A_149 : vector<16xi1>, vector<16xf32>
      %eq3A_159 = arith.constant 14 : i32
      %eq3A_160 = vector.broadcast %eq3A_159 : i32 to vector<16xi32>
      %eq3A_161 = arith.cmpi eq, %iota3A, %eq3A_160 : vector<16xi32>
      %get3A_162 = arith.constant 14 : i32
      %get3A_163 = arith.index_cast %get3A_162 : i32 to index
      %get3A_164 = arith.constant 0 : index
      %get3A_165 = tpu.vector_load %arg11[%get3A_163, %get3A_164] {strides = array<i32>} : memref<32x16xf32, #tpu.memory_space<vmem>>, vector<1x16xf32>,
      %get3A_166 = vector.shape_cast %get3A_165 : vector<1x16xf32> to vector<16xf32>
      %select_n3A_167 = arith.select %eq3A_161, %get3A_166, %select_n3A_158 : vector<16xi1>, vector<16xf32>
      %eq3A_168 = arith.constant 15 : i32
      %eq3A_169 = vector.broadcast %eq3A_168 : i32 to vector<16xi32>
      %eq3A_170 = arith.cmpi eq, %iota3A, %eq3A_169 : vector<16xi32>
      %get3A_171 = arith.constant 15 : i32
      %get3A_172 = arith.index_cast %get3A_171 : i32 to index
      %get3A_173 = arith.constant 0 : index
      %get3A_174 = tpu.vector_load %arg11[%get3A_172, %get3A_173] {strides = array<i32>} : memref<32x16xf32, #tpu.memory_space<vmem>>, vector<1x16xf32>,
      %get3A_175 = vector.shape_cast %get3A_174 : vector<1x16xf32> to vector<16xf32>
      %select_n3A_176 = arith.select %eq3A_170, %get3A_175, %select_n3A_167 : vector<16xi1>, vector<16xf32>
      %mul3A_177 = arith.constant 32 : i32
      %mul3A_178 = arith.muli %scan3A_29, %mul3A_177 : i32
      %add3A_179 = arith.constant 0 : i32
      %add3A_180 = arith.addi %mul3A_178, %add3A_179 : i32
      %swap3A = arith.index_cast %add3A_180 : i32 to index
      %swap3A_181 = tpu.vector_load %arg13[%swap3A] {strides = array<i32>} : memref<640xf32, #tpu.memory_space<vmem>>, vector<16xf32>,
      %swap3A_182 = vector.shape_cast %swap3A_181 : vector<16xf32> to vector<16xf32>
      %swap3A_183 = vector.shape_cast %select_n3A_176 : vector<16xf32> to vector<16xf32>
      tpu.vector_store %arg13[%swap3A], %swap3A_183 {strides = array<i32>} : memref<640xf32, #tpu.memory_space<vmem>>, vector<16xf32>,
      %broadcast_in_dim3A_184 = arith.constant 0.000000e+00 : f32
      %broadcast_in_dim3A_185 = vector.broadcast %broadcast_in_dim3A_184 : f32 to vector<16xf32>
      %eq3A_186 = arith.constant 0 : i32
      %eq3A_187 = vector.broadcast %eq3A_186 : i32 to vector<16xi32>
      %eq3A_188 = arith.cmpi eq, %iota3A, %eq3A_187 : vector<16xi32>
      %get3A_189 = arith.constant 16 : i32
      %get3A_190 = arith.index_cast %get3A_189 : i32 to index
      %get3A_191 = arith.constant 0 : index
      %get3A_192 = tpu.vector_load %arg11[%get3A_190, %get3A_191] {strides = array<i32>} : memref<32x16xf32, #tpu.memory_space<vmem>>, vector<1x16xf32>,
      %get3A_193 = vector.shape_cast %get3A_192 : vector<1x16xf32> to vector<16xf32>
      %select_n3A_194 = arith.select %eq3A_188, %get3A_193, %broadcast_in_dim3A_185 : vector<16xi1>, vector<16xf32>
      %eq3A_195 = arith.constant 1 : i32
      %eq3A_196 = vector.broadcast %eq3A_195 : i32 to vector<16xi32>
      %eq3A_197 = arith.cmpi eq, %iota3A, %eq3A_196 : vector<16xi32>
      %get3A_198 = arith.constant 17 : i32
      %get3A_199 = arith.index_cast %get3A_198 : i32 to index
      %get3A_200 = arith.constant 0 : index
      %get3A_201 = tpu.vector_load %arg11[%get3A_199, %get3A_200] {strides = array<i32>} : memref<32x16xf32, #tpu.memory_space<vmem>>, vector<1x16xf32>,
      %get3A_202 = vector.shape_cast %get3A_201 : vector<1x16xf32> to vector<16xf32>
      %select_n3A_203 = arith.select %eq3A_197, %get3A_202, %select_n3A_194 : vector<16xi1>, vector<16xf32>
      %eq3A_204 = arith.constant 2 : i32
      %eq3A_205 = vector.broadcast %eq3A_204 : i32 to vector<16xi32>
      %eq3A_206 = arith.cmpi eq, %iota3A, %eq3A_205 : vector<16xi32>
      %get3A_207 = arith.constant 18 : i32
      %get3A_208 = arith.index_cast %get3A_207 : i32 to index
      %get3A_209 = arith.constant 0 : index
      %get3A_210 = tpu.vector_load %arg11[%get3A_208, %get3A_209] {strides = array<i32>} : memref<32x16xf32, #tpu.memory_space<vmem>>, vector<1x16xf32>,
      %get3A_211 = vector.shape_cast %get3A_210 : vector<1x16xf32> to vector<16xf32>
      %select_n3A_212 = arith.select %eq3A_206, %get3A_211, %select_n3A_203 : vector<16xi1>, vector<16xf32>
      %eq3A_213 = arith.constant 3 : i32
      %eq3A_214 = vector.broadcast %eq3A_213 : i32 to vector<16xi32>
      %eq3A_215 = arith.cmpi eq, %iota3A, %eq3A_214 : vector<16xi32>
      %get3A_216 = arith.constant 19 : i32
      %get3A_217 = arith.index_cast %get3A_216 : i32 to index
      %get3A_218 = arith.constant 0 : index
      %get3A_219 = tpu.vector_load %arg11[%get3A_217, %get3A_218] {strides = array<i32>} : memref<32x16xf32, #tpu.memory_space<vmem>>, vector<1x16xf32>,
      %get3A_220 = vector.shape_cast %get3A_219 : vector<1x16xf32> to vector<16xf32>
      %select_n3A_221 = arith.select %eq3A_215, %get3A_220, %select_n3A_212 : vector<16xi1>, vector<16xf32>
      %eq3A_222 = arith.constant 4 : i32
      %eq3A_223 = vector.broadcast %eq3A_222 : i32 to vector<16xi32>
      %eq3A_224 = arith.cmpi eq, %iota3A, %eq3A_223 : vector<16xi32>
      %get3A_225 = arith.constant 20 : i32
      %get3A_226 = arith.index_cast %get3A_225 : i32 to index
      %get3A_227 = arith.constant 0 : index
      %get3A_228 = tpu.vector_load %arg11[%get3A_226, %get3A_227] {strides = array<i32>} : memref<32x16xf32, #tpu.memory_space<vmem>>, vector<1x16xf32>,
      %get3A_229 = vector.shape_cast %get3A_228 : vector<1x16xf32> to vector<16xf32>
      %select_n3A_230 = arith.select %eq3A_224, %get3A_229, %select_n3A_221 : vector<16xi1>, vector<16xf32>
      %eq3A_231 = arith.constant 5 : i32
      %eq3A_232 = vector.broadcast %eq3A_231 : i32 to vector<16xi32>
      %eq3A_233 = arith.cmpi eq, %iota3A, %eq3A_232 : vector<16xi32>
      %get3A_234 = arith.constant 21 : i32
      %get3A_235 = arith.index_cast %get3A_234 : i32 to index
      %get3A_236 = arith.constant 0 : index
      %get3A_237 = tpu.vector_load %arg11[%get3A_235, %get3A_236] {strides = array<i32>} : memref<32x16xf32, #tpu.memory_space<vmem>>, vector<1x16xf32>,
      %get3A_238 = vector.shape_cast %get3A_237 : vector<1x16xf32> to vector<16xf32>
      %select_n3A_239 = arith.select %eq3A_233, %get3A_238, %select_n3A_230 : vector<16xi1>, vector<16xf32>
      %eq3A_240 = arith.constant 6 : i32
      %eq3A_241 = vector.broadcast %eq3A_240 : i32 to vector<16xi32>
      %eq3A_242 = arith.cmpi eq, %iota3A, %eq3A_241 : vector<16xi32>
      %get3A_243 = arith.constant 22 : i32
      %get3A_244 = arith.index_cast %get3A_243 : i32 to index
      %get3A_245 = arith.constant 0 : index
      %get3A_246 = tpu.vector_load %arg11[%get3A_244, %get3A_245] {strides = array<i32>} : memref<32x16xf32, #tpu.memory_space<vmem>>, vector<1x16xf32>,
      %get3A_247 = vector.shape_cast %get3A_246 : vector<1x16xf32> to vector<16xf32>
      %select_n3A_248 = arith.select %eq3A_242, %get3A_247, %select_n3A_239 : vector<16xi1>, vector<16xf32>
      %eq3A_249 = arith.constant 7 : i32
      %eq3A_250 = vector.broadcast %eq3A_249 : i32 to vector<16xi32>
      %eq3A_251 = arith.cmpi eq, %iota3A, %eq3A_250 : vector<16xi32>
      %get3A_252 = arith.constant 23 : i32
      %get3A_253 = arith.index_cast %get3A_252 : i32 to index
      %get3A_254 = arith.constant 0 : index
      %get3A_255 = tpu.vector_load %arg11[%get3A_253, %get3A_254] {strides = array<i32>} : memref<32x16xf32, #tpu.memory_space<vmem>>, vector<1x16xf32>,
      %get3A_256 = vector.shape_cast %get3A_255 : vector<1x16xf32> to vector<16xf32>
      %select_n3A_257 = arith.select %eq3A_251, %get3A_256, %select_n3A_248 : vector<16xi1>, vector<16xf32>
      %eq3A_258 = arith.constant 8 : i32
      %eq3A_259 = vector.broadcast %eq3A_258 : i32 to vector<16xi32>
      %eq3A_260 = arith.cmpi eq, %iota3A, %eq3A_259 : vector<16xi32>
      %get3A_261 = arith.constant 24 : i32
      %get3A_262 = arith.index_cast %get3A_261 : i32 to index
      %get3A_263 = arith.constant 0 : index
      %get3A_264 = tpu.vector_load %arg11[%get3A_262, %get3A_263] {strides = array<i32>} : memref<32x16xf32, #tpu.memory_space<vmem>>, vector<1x16xf32>,
      %get3A_265 = vector.shape_cast %get3A_264 : vector<1x16xf32> to vector<16xf32>
      %select_n3A_266 = arith.select %eq3A_260, %get3A_265, %select_n3A_257 : vector<16xi1>, vector<16xf32>
      %eq3A_267 = arith.constant 9 : i32
      %eq3A_268 = vector.broadcast %eq3A_267 : i32 to vector<16xi32>
      %eq3A_269 = arith.cmpi eq, %iota3A, %eq3A_268 : vector<16xi32>
      %get3A_270 = arith.constant 25 : i32
      %get3A_271 = arith.index_cast %get3A_270 : i32 to index
      %get3A_272 = arith.constant 0 : index
      %get3A_273 = tpu.vector_load %arg11[%get3A_271, %get3A_272] {strides = array<i32>} : memref<32x16xf32, #tpu.memory_space<vmem>>, vector<1x16xf32>,
      %get3A_274 = vector.shape_cast %get3A_273 : vector<1x16xf32> to vector<16xf32>
      %select_n3A_275 = arith.select %eq3A_269, %get3A_274, %select_n3A_266 : vector<16xi1>, vector<16xf32>
      %eq3A_276 = arith.constant 10 : i32
      %eq3A_277 = vector.broadcast %eq3A_276 : i32 to vector<16xi32>
      %eq3A_278 = arith.cmpi eq, %iota3A, %eq3A_277 : vector<16xi32>
      %get3A_279 = arith.constant 26 : i32
      %get3A_280 = arith.index_cast %get3A_279 : i32 to index
      %get3A_281 = arith.constant 0 : index
      %get3A_282 = tpu.vector_load %arg11[%get3A_280, %get3A_281] {strides = array<i32>} : memref<32x16xf32, #tpu.memory_space<vmem>>, vector<1x16xf32>,
      %get3A_283 = vector.shape_cast %get3A_282 : vector<1x16xf32> to vector<16xf32>
      %select_n3A_284 = arith.select %eq3A_278, %get3A_283, %select_n3A_275 : vector<16xi1>, vector<16xf32>
      %eq3A_285 = arith.constant 11 : i32
      %eq3A_286 = vector.broadcast %eq3A_285 : i32 to vector<16xi32>
      %eq3A_287 = arith.cmpi eq, %iota3A, %eq3A_286 : vector<16xi32>
      %get3A_288 = arith.constant 27 : i32
      %get3A_289 = arith.index_cast %get3A_288 : i32 to index
      %get3A_290 = arith.constant 0 : index
      %get3A_291 = tpu.vector_load %arg11[%get3A_289, %get3A_290] {strides = array<i32>} : memref<32x16xf32, #tpu.memory_space<vmem>>, vector<1x16xf32>,
      %get3A_292 = vector.shape_cast %get3A_291 : vector<1x16xf32> to vector<16xf32>
      %select_n3A_293 = arith.select %eq3A_287, %get3A_292, %select_n3A_284 : vector<16xi1>, vector<16xf32>
      %eq3A_294 = arith.constant 12 : i32
      %eq3A_295 = vector.broadcast %eq3A_294 : i32 to vector<16xi32>
      %eq3A_296 = arith.cmpi eq, %iota3A, %eq3A_295 : vector<16xi32>
      %get3A_297 = arith.constant 28 : i32
      %get3A_298 = arith.index_cast %get3A_297 : i32 to index
      %get3A_299 = arith.constant 0 : index
      %get3A_300 = tpu.vector_load %arg11[%get3A_298, %get3A_299] {strides = array<i32>} : memref<32x16xf32, #tpu.memory_space<vmem>>, vector<1x16xf32>,
      %get3A_301 = vector.shape_cast %get3A_300 : vector<1x16xf32> to vector<16xf32>
      %select_n3A_302 = arith.select %eq3A_296, %get3A_301, %select_n3A_293 : vector<16xi1>, vector<16xf32>
      %eq3A_303 = arith.constant 13 : i32
      %eq3A_304 = vector.broadcast %eq3A_303 : i32 to vector<16xi32>
      %eq3A_305 = arith.cmpi eq, %iota3A, %eq3A_304 : vector<16xi32>
      %get3A_306 = arith.constant 29 : i32
      %get3A_307 = arith.index_cast %get3A_306 : i32 to index
      %get3A_308 = arith.constant 0 : index
      %get3A_309 = tpu.vector_load %arg11[%get3A_307, %get3A_308] {strides = array<i32>} : memref<32x16xf32, #tpu.memory_space<vmem>>, vector<1x16xf32>,
      %get3A_310 = vector.shape_cast %get3A_309 : vector<1x16xf32> to vector<16xf32>
      %select_n3A_311 = arith.select %eq3A_305, %get3A_310, %select_n3A_302 : vector<16xi1>, vector<16xf32>
      %eq3A_312 = arith.constant 14 : i32
      %eq3A_313 = vector.broadcast %eq3A_312 : i32 to vector<16xi32>
      %eq3A_314 = arith.cmpi eq, %iota3A, %eq3A_313 : vector<16xi32>
      %get3A_315 = arith.constant 30 : i32
      %get3A_316 = arith.index_cast %get3A_315 : i32 to index
      %get3A_317 = arith.constant 0 : index
      %get3A_318 = tpu.vector_load %arg11[%get3A_316, %get3A_317] {strides = array<i32>} : memref<32x16xf32, #tpu.memory_space<vmem>>, vector<1x16xf32>,
      %get3A_319 = vector.shape_cast %get3A_318 : vector<1x16xf32> to vector<16xf32>
      %select_n3A_320 = arith.select %eq3A_314, %get3A_319, %select_n3A_311 : vector<16xi1>, vector<16xf32>
      %eq3A_321 = arith.constant 15 : i32
      %eq3A_322 = vector.broadcast %eq3A_321 : i32 to vector<16xi32>
      %eq3A_323 = arith.cmpi eq, %iota3A, %eq3A_322 : vector<16xi32>
      %get3A_324 = arith.constant 31 : i32
      %get3A_325 = arith.index_cast %get3A_324 : i32 to index
      %get3A_326 = arith.constant 0 : index
      %get3A_327 = tpu.vector_load %arg11[%get3A_325, %get3A_326] {strides = array<i32>} : memref<32x16xf32, #tpu.memory_space<vmem>>, vector<1x16xf32>,
      %get3A_328 = vector.shape_cast %get3A_327 : vector<1x16xf32> to vector<16xf32>
      %select_n3A_329 = arith.select %eq3A_323, %get3A_328, %select_n3A_320 : vector<16xi1>, vector<16xf32>
      %mul3A_330 = arith.constant 32 : i32
      %mul3A_331 = arith.muli %scan3A_29, %mul3A_330 : i32
      %add3A_332 = arith.constant 16 : i32
      %add3A_333 = arith.addi %mul3A_331, %add3A_332 : i32
      %swap3A_334 = arith.index_cast %add3A_333 : i32 to index
      %swap3A_335 = tpu.vector_load %arg13[%swap3A_334] {strides = array<i32>} : memref<640xf32, #tpu.memory_space<vmem>>, vector<16xf32>,
      %swap3A_336 = vector.shape_cast %swap3A_335 : vector<16xf32> to vector<16xf32>
      %swap3A_337 = vector.shape_cast %select_n3A_329 : vector<16xf32> to vector<16xf32>
      tpu.vector_store %arg13[%swap3A_334], %swap3A_337 {strides = array<i32>} : memref<640xf32, #tpu.memory_space<vmem>>, vector<16xf32>,
    }
    %scan3A_23 = arith.constant 20 : i32
    %mul3A_24 = arith.constant 10240 : i32
    %mul3A_25 = arith.muli %arg0, %mul3A_24 : i32
    %mul3A_26 = arith.constant 640 : i32
    %mul3A_27 = arith.muli %arg1, %mul3A_26 : i32
    %add3A_28 = arith.addi %mul3A_25, %mul3A_27 : i32
    "tpu.region"() ({
      %run_scoped3A = tpu.sem_alloc : memref<!tpu.dma_semaphore, #tpu.memory_space<semaphore_mem>>
      %dma_start3A = tpu.memref_slice %arg9[%add3A_28] : memref<20480xf32, #tpu.memory_space<hbm>> -> memref<640xf32, #tpu.memory_space<hbm>>
      %dma_start3A_29 = tpu.memref_slice %arg9[%add3A_28] : memref<20480xf32, #tpu.memory_space<hbm>> -> memref<640xf32, #tpu.memory_space<hbm>>
      tpu.enqueue_dma source(%arg13 : memref<640xf32, #tpu.memory_space<vmem>>) target(%dma_start3A_29 : memref<640xf32, #tpu.memory_space<hbm>>) target_semaphore(%run_scoped3A : memref<!tpu.dma_semaphore, #tpu.memory_space<semaphore_mem>>)
      %dma_wait3A = tpu.memref_slice %arg9[%add3A_28] : memref<20480xf32, #tpu.memory_space<hbm>> -> memref<640xf32, #tpu.memory_space<hbm>>
      %dma_wait3A_30 = tpu.memref_slice %arg9[%add3A_28] : memref<20480xf32, #tpu.memory_space<hbm>> -> memref<640xf32, #tpu.memory_space<hbm>>
      tpu.wait_dma2 semaphore(%run_scoped3A : memref<!tpu.dma_semaphore, #tpu.memory_space<semaphore_mem>>) src(%arg13 : memref<640xf32, #tpu.memory_space<vmem>>) dst(%dma_wait3A_30 : memref<640xf32, #tpu.memory_space<hbm>>)
      tpu.yield
    }) : () -> ()
    return
  }
}

#map = affine_map<(d0, d1) -> (0, 0)>
#map1 = affine_map<(d0, d1) -> (0, 0, 0, 0)>
module attributes {stable_mosaic.version = 14 : i64} {
  func.func @body(%arg0: i32, %arg1: i32, %arg2: memref<10240x32xf32, #tpu.memory_space<hbm>>, %arg3: memref<32x5x16x128xi32, #tpu.memory_space<hbm>>, %arg4: memref<32x5x16x128xi32, #tpu.memory_space<hbm>>, %arg5: memref<640x32xf32, #tpu.memory_space<hbm>>, %arg6: memref<20480x32xf32, #tpu.memory_space<hbm>>, %arg7: memref<10240x32xf32, #tpu.memory_space<vmem_shared>>, %arg8: memref<!tpu.dma_semaphore, #tpu.memory_space<semaphore_mem>>, %arg9: memref<16x128xi32, #tpu.memory_space<vmem>>, %arg10: memref<!tpu.dma_semaphore, #tpu.memory_space<semaphore_mem>>, %arg11: memref<!tpu.dma_semaphore, #tpu.memory_space<semaphore_mem>>, %arg12: memref<!tpu.dma_semaphore, #tpu.memory_space<semaphore_mem>>, %arg13: memref<!tpu.dma_semaphore, #tpu.memory_space<semaphore_mem>>, %arg14: memref<128x32xf32, #tpu.memory_space<vmem>>, %arg15: memref<128x32xf32, #tpu.memory_space<vmem>>, %arg16: memref<128x32xf32, #tpu.memory_space<vmem>>, %arg17: memref<128x32xf32, #tpu.memory_space<vmem>>, %arg18: memref<16x128xi32, #tpu.memory_space<vmem>>, %arg19: memref<!tpu.dma_semaphore, #tpu.memory_space<semaphore_mem>>, %arg20: memref<!tpu.dma_semaphore, #tpu.memory_space<semaphore_mem>>, %arg21: memref<!tpu.dma_semaphore, #tpu.memory_space<semaphore_mem>>, %arg22: memref<!tpu.dma_semaphore, #tpu.memory_space<semaphore_mem>>) attributes {dimension_semantics = [#tpu.dimension_semantics<core_parallel>, #tpu.dimension_semantics<subcore_parallel>], iteration_bounds = array<i64: 2, 16>, scalar_prefetch = 0 : i64, scratch_operands = 16 : i64, tpu.core_type = #tpu.core_type<sc_vector_subcore>, window_params = [{transform_indices = #map}, {transform_indices = #map1}, {transform_indices = #map1}, {transform_indices = #map}, {transform_indices = #map}]} {
    %mul3A = arith.constant 16 : i32
    %mul3A_0 = arith.muli %arg0, %mul3A : i32
    %add3A = arith.addi %mul3A_0, %arg1 : i32
    %mul3A_1 = arith.constant 640 : i32
    %mul3A_2 = arith.muli %arg1, %mul3A_1 : i32
    "tpu.region"() ({
      %run_scoped3A = tpu.sem_alloc : memref<!tpu.dma_semaphore, #tpu.memory_space<semaphore_mem>>
      %dma_start3A = arith.constant 0 : i32
      %dma_start3A_16 = tpu.memref_slice %arg7[%mul3A_2, %dma_start3A] : memref<10240x32xf32, #tpu.memory_space<vmem_shared>> -> memref<640x32xf32, #tpu.memory_space<vmem_shared>>
      tpu.enqueue_dma source(%arg5 : memref<640x32xf32, #tpu.memory_space<hbm>>) target(%dma_start3A_16 : memref<640x32xf32, #tpu.memory_space<vmem_shared>>) target_semaphore(%run_scoped3A : memref<!tpu.dma_semaphore, #tpu.memory_space<semaphore_mem>>)
      %dma_wait3A = arith.constant 0 : i32
      %dma_wait3A_17 = tpu.memref_slice %arg7[%mul3A_2, %dma_wait3A] : memref<10240x32xf32, #tpu.memory_space<vmem_shared>> -> memref<640x32xf32, #tpu.memory_space<vmem_shared>>
      tpu.wait_dma2 semaphore(%run_scoped3A : memref<!tpu.dma_semaphore, #tpu.memory_space<semaphore_mem>>) src(%arg5 : memref<640x32xf32, #tpu.memory_space<hbm>>) dst(%dma_wait3A_17 : memref<640x32xf32, #tpu.memory_space<vmem_shared>>)
      tpu.yield
    }) : () -> ()
    %barrier3A = arith.constant 0 : index
    tpu.barrier barrier_id(%barrier3A)
    %scan3A = arith.constant 0 : i32
    %scan3A_3 = arith.constant 0 : i32
    %scan3A_4 = arith.constant 5 : i32
    %scan3A_5 = arith.addi %scan3A_3, %scan3A_4 : i32
    %scan3A_6 = arith.constant 1 : i32
    scf.for %scan3A_16 = %scan3A_3 to %scan3A_5 step %scan3A_6  : i32 {
      "tpu.region"() ({
        %run_scoped3A = tpu.sem_alloc : memref<!tpu.dma_semaphore, #tpu.memory_space<semaphore_mem>>
        %dma_start3A_463 = arith.constant 0 : i32
        %dma_start3A_464 = arith.constant 0 : i32
        %dma_start3A_465 = tpu.memref_slice %arg3[%add3A, %scan3A_16, %dma_start3A_463, %dma_start3A_464] : memref<32x5x16x128xi32, #tpu.memory_space<hbm>> -> memref<1x1x16x128xi32, #tpu.memory_space<hbm>>
        %dma_start3A_466 = tpu.memref_squeeze %dma_start3A_465 : memref<1x1x16x128xi32, #tpu.memory_space<hbm>> -> memref<16x128xi32, #tpu.memory_space<hbm>>
        %dma_start3A_467 = arith.constant 0 : i32
        %dma_start3A_468 = arith.constant 0 : i32
        %dma_start3A_469 = tpu.memref_slice %arg3[%add3A, %scan3A_16, %dma_start3A_467, %dma_start3A_468] : memref<32x5x16x128xi32, #tpu.memory_space<hbm>> -> memref<1x1x16x128xi32, #tpu.memory_space<hbm>>
        %dma_start3A_470 = tpu.memref_squeeze %dma_start3A_469 : memref<1x1x16x128xi32, #tpu.memory_space<hbm>> -> memref<16x128xi32, #tpu.memory_space<hbm>>
        tpu.enqueue_dma source(%dma_start3A_470 : memref<16x128xi32, #tpu.memory_space<hbm>>) target(%arg18 : memref<16x128xi32, #tpu.memory_space<vmem>>) target_semaphore(%run_scoped3A : memref<!tpu.dma_semaphore, #tpu.memory_space<semaphore_mem>>)
        %dma_wait3A_471 = arith.constant 0 : i32
        %dma_wait3A_472 = arith.constant 0 : i32
        %dma_wait3A_473 = tpu.memref_slice %arg3[%add3A, %scan3A_16, %dma_wait3A_471, %dma_wait3A_472] : memref<32x5x16x128xi32, #tpu.memory_space<hbm>> -> memref<1x1x16x128xi32, #tpu.memory_space<hbm>>
        %dma_wait3A_474 = tpu.memref_squeeze %dma_wait3A_473 : memref<1x1x16x128xi32, #tpu.memory_space<hbm>> -> memref<16x128xi32, #tpu.memory_space<hbm>>
        %dma_wait3A_475 = arith.constant 0 : i32
        %dma_wait3A_476 = arith.constant 0 : i32
        %dma_wait3A_477 = tpu.memref_slice %arg3[%add3A, %scan3A_16, %dma_wait3A_475, %dma_wait3A_476] : memref<32x5x16x128xi32, #tpu.memory_space<hbm>> -> memref<1x1x16x128xi32, #tpu.memory_space<hbm>>
        %dma_wait3A_478 = tpu.memref_squeeze %dma_wait3A_477 : memref<1x1x16x128xi32, #tpu.memory_space<hbm>> -> memref<16x128xi32, #tpu.memory_space<hbm>>
        tpu.wait_dma2 semaphore(%run_scoped3A : memref<!tpu.dma_semaphore, #tpu.memory_space<semaphore_mem>>) src(%dma_wait3A_478 : memref<16x128xi32, #tpu.memory_space<hbm>>) dst(%arg18 : memref<16x128xi32, #tpu.memory_space<vmem>>)
        tpu.yield
      }) : () -> ()
      "tpu.region"() ({
        %run_scoped3A = tpu.sem_alloc : memref<!tpu.dma_semaphore, #tpu.memory_space<semaphore_mem>>
        %dma_start3A_463 = arith.constant 0 : i32
        %dma_start3A_464 = arith.constant 0 : i32
        %dma_start3A_465 = tpu.memref_slice %arg4[%add3A, %scan3A_16, %dma_start3A_463, %dma_start3A_464] : memref<32x5x16x128xi32, #tpu.memory_space<hbm>> -> memref<1x1x16x128xi32, #tpu.memory_space<hbm>>
        %dma_start3A_466 = tpu.memref_squeeze %dma_start3A_465 : memref<1x1x16x128xi32, #tpu.memory_space<hbm>> -> memref<16x128xi32, #tpu.memory_space<hbm>>
        %dma_start3A_467 = arith.constant 0 : i32
        %dma_start3A_468 = arith.constant 0 : i32
        %dma_start3A_469 = tpu.memref_slice %arg4[%add3A, %scan3A_16, %dma_start3A_467, %dma_start3A_468] : memref<32x5x16x128xi32, #tpu.memory_space<hbm>> -> memref<1x1x16x128xi32, #tpu.memory_space<hbm>>
        %dma_start3A_470 = tpu.memref_squeeze %dma_start3A_469 : memref<1x1x16x128xi32, #tpu.memory_space<hbm>> -> memref<16x128xi32, #tpu.memory_space<hbm>>
        tpu.enqueue_dma source(%dma_start3A_470 : memref<16x128xi32, #tpu.memory_space<hbm>>) target(%arg9 : memref<16x128xi32, #tpu.memory_space<vmem>>) target_semaphore(%run_scoped3A : memref<!tpu.dma_semaphore, #tpu.memory_space<semaphore_mem>>)
        %dma_wait3A_471 = arith.constant 0 : i32
        %dma_wait3A_472 = arith.constant 0 : i32
        %dma_wait3A_473 = tpu.memref_slice %arg4[%add3A, %scan3A_16, %dma_wait3A_471, %dma_wait3A_472] : memref<32x5x16x128xi32, #tpu.memory_space<hbm>> -> memref<1x1x16x128xi32, #tpu.memory_space<hbm>>
        %dma_wait3A_474 = tpu.memref_squeeze %dma_wait3A_473 : memref<1x1x16x128xi32, #tpu.memory_space<hbm>> -> memref<16x128xi32, #tpu.memory_space<hbm>>
        %dma_wait3A_475 = arith.constant 0 : i32
        %dma_wait3A_476 = arith.constant 0 : i32
        %dma_wait3A_477 = tpu.memref_slice %arg4[%add3A, %scan3A_16, %dma_wait3A_475, %dma_wait3A_476] : memref<32x5x16x128xi32, #tpu.memory_space<hbm>> -> memref<1x1x16x128xi32, #tpu.memory_space<hbm>>
        %dma_wait3A_478 = tpu.memref_squeeze %dma_wait3A_477 : memref<1x1x16x128xi32, #tpu.memory_space<hbm>> -> memref<16x128xi32, #tpu.memory_space<hbm>>
        tpu.wait_dma2 semaphore(%run_scoped3A : memref<!tpu.dma_semaphore, #tpu.memory_space<semaphore_mem>>) src(%dma_wait3A_478 : memref<16x128xi32, #tpu.memory_space<hbm>>) dst(%arg9 : memref<16x128xi32, #tpu.memory_space<vmem>>)
        tpu.yield
      }) : () -> ()
      %dma_start3A = arith.constant 0 : i32
      %dma_start3A_17 = arith.constant 0 : i32
      %dma_start3A_18 = tpu.memref_slice %arg18[%dma_start3A, %dma_start3A_17] : memref<16x128xi32, #tpu.memory_space<vmem>> -> memref<1x128xi32, #tpu.memory_space<vmem>>
      %dma_start3A_19 = tpu.memref_squeeze %dma_start3A_18 : memref<1x128xi32, #tpu.memory_space<vmem>> -> memref<128xi32, #tpu.memory_space<vmem>>
      %dma_start3A_20 = arith.constant 0 : i32
      %dma_start3A_21 = arith.constant 0 : i32
      %dma_start3A_22 = tpu.memref_slice %arg2[%dma_start3A_20, %dma_start3A_21] : memref<10240x32xf32, #tpu.memory_space<hbm>> -> memref<10240x32xf32, #tpu.memory_space<hbm>>
      tpu.enqueue_indirect_dma source(%dma_start3A_22 : memref<10240x32xf32, #tpu.memory_space<hbm>>) target(%arg14 : memref<128x32xf32, #tpu.memory_space<vmem>>) offsets(%dma_start3A_19 : memref<128xi32, #tpu.memory_space<vmem>>) semaphore(%arg10 : memref<!tpu.dma_semaphore, #tpu.memory_space<semaphore_mem>>)
      %dma_start3A_23 = arith.constant 1 : i32
      %dma_start3A_24 = arith.constant 0 : i32
      %dma_start3A_25 = tpu.memref_slice %arg18[%dma_start3A_23, %dma_start3A_24] : memref<16x128xi32, #tpu.memory_space<vmem>> -> memref<1x128xi32, #tpu.memory_space<vmem>>
      %dma_start3A_26 = tpu.memref_squeeze %dma_start3A_25 : memref<1x128xi32, #tpu.memory_space<vmem>> -> memref<128xi32, #tpu.memory_space<vmem>>
      %dma_start3A_27 = arith.constant 0 : i32
      %dma_start3A_28 = arith.constant 0 : i32
      %dma_start3A_29 = tpu.memref_slice %arg2[%dma_start3A_27, %dma_start3A_28] : memref<10240x32xf32, #tpu.memory_space<hbm>> -> memref<10240x32xf32, #tpu.memory_space<hbm>>
      tpu.enqueue_indirect_dma source(%dma_start3A_29 : memref<10240x32xf32, #tpu.memory_space<hbm>>) target(%arg15 : memref<128x32xf32, #tpu.memory_space<vmem>>) offsets(%dma_start3A_26 : memref<128xi32, #tpu.memory_space<vmem>>) semaphore(%arg11 : memref<!tpu.dma_semaphore, #tpu.memory_space<semaphore_mem>>)
      %dma_wait3A = arith.constant 0 : i32
      %dma_wait3A_30 = arith.constant 0 : i32
      %dma_wait3A_31 = tpu.memref_slice %arg18[%dma_wait3A, %dma_wait3A_30] : memref<16x128xi32, #tpu.memory_space<vmem>> -> memref<1x128xi32, #tpu.memory_space<vmem>>
      %dma_wait3A_32 = tpu.memref_squeeze %dma_wait3A_31 : memref<1x128xi32, #tpu.memory_space<vmem>> -> memref<128xi32, #tpu.memory_space<vmem>>
      %dma_wait3A_33 = arith.constant 0 : i32
      %dma_wait3A_34 = arith.constant 0 : i32
      %dma_wait3A_35 = tpu.memref_slice %arg2[%dma_wait3A_33, %dma_wait3A_34] : memref<10240x32xf32, #tpu.memory_space<hbm>> -> memref<10240x32xf32, #tpu.memory_space<hbm>>
      tpu.wait_indirect_dma semaphore(%arg10 : memref<!tpu.dma_semaphore, #tpu.memory_space<semaphore_mem>>) src(%dma_wait3A_35 : memref<10240x32xf32, #tpu.memory_space<hbm>>) dst(%arg14 : memref<128x32xf32, #tpu.memory_space<vmem>>)
      %dma_start3A_36 = arith.constant 0 : i32
      %dma_start3A_37 = arith.constant 0 : i32
      %dma_start3A_38 = tpu.memref_slice %arg9[%dma_start3A_36, %dma_start3A_37] : memref<16x128xi32, #tpu.memory_space<vmem>> -> memref<1x128xi32, #tpu.memory_space<vmem>>
      %dma_start3A_39 = tpu.memref_squeeze %dma_start3A_38 : memref<1x128xi32, #tpu.memory_space<vmem>> -> memref<128xi32, #tpu.memory_space<vmem>>
      %dma_start3A_40 = arith.constant 0 : i32
      %dma_start3A_41 = arith.constant 0 : i32
      %dma_start3A_42 = tpu.memref_slice %arg7[%dma_start3A_40, %dma_start3A_41] : memref<10240x32xf32, #tpu.memory_space<vmem_shared>> -> memref<10240x32xf32, #tpu.memory_space<vmem_shared>>
      tpu.enqueue_indirect_dma source(%arg14 : memref<128x32xf32, #tpu.memory_space<vmem>>) target(%dma_start3A_42 : memref<10240x32xf32, #tpu.memory_space<vmem_shared>>) offsets(%dma_start3A_39 : memref<128xi32, #tpu.memory_space<vmem>>) semaphore(%arg19 : memref<!tpu.dma_semaphore, #tpu.memory_space<semaphore_mem>>) {add = true}
      %dma_start3A_43 = arith.constant 2 : i32
      %dma_start3A_44 = arith.constant 0 : i32
      %dma_start3A_45 = tpu.memref_slice %arg18[%dma_start3A_43, %dma_start3A_44] : memref<16x128xi32, #tpu.memory_space<vmem>> -> memref<1x128xi32, #tpu.memory_space<vmem>>
      %dma_start3A_46 = tpu.memref_squeeze %dma_start3A_45 : memref<1x128xi32, #tpu.memory_space<vmem>> -> memref<128xi32, #tpu.memory_space<vmem>>
      %dma_start3A_47 = arith.constant 0 : i32
      %dma_start3A_48 = arith.constant 0 : i32
      %dma_start3A_49 = tpu.memref_slice %arg2[%dma_start3A_47, %dma_start3A_48] : memref<10240x32xf32, #tpu.memory_space<hbm>> -> memref<10240x32xf32, #tpu.memory_space<hbm>>
      tpu.enqueue_indirect_dma source(%dma_start3A_49 : memref<10240x32xf32, #tpu.memory_space<hbm>>) target(%arg16 : memref<128x32xf32, #tpu.memory_space<vmem>>) offsets(%dma_start3A_46 : memref<128xi32, #tpu.memory_space<vmem>>) semaphore(%arg12 : memref<!tpu.dma_semaphore, #tpu.memory_space<semaphore_mem>>)
      %dma_wait3A_50 = arith.constant 1 : i32
      %dma_wait3A_51 = arith.constant 0 : i32
      %dma_wait3A_52 = tpu.memref_slice %arg18[%dma_wait3A_50, %dma_wait3A_51] : memref<16x128xi32, #tpu.memory_space<vmem>> -> memref<1x128xi32, #tpu.memory_space<vmem>>
      %dma_wait3A_53 = tpu.memref_squeeze %dma_wait3A_52 : memref<1x128xi32, #tpu.memory_space<vmem>> -> memref<128xi32, #tpu.memory_space<vmem>>
      %dma_wait3A_54 = arith.constant 0 : i32
      %dma_wait3A_55 = arith.constant 0 : i32
      %dma_wait3A_56 = tpu.memref_slice %arg2[%dma_wait3A_54, %dma_wait3A_55] : memref<10240x32xf32, #tpu.memory_space<hbm>> -> memref<10240x32xf32, #tpu.memory_space<hbm>>
      tpu.wait_indirect_dma semaphore(%arg11 : memref<!tpu.dma_semaphore, #tpu.memory_space<semaphore_mem>>) src(%dma_wait3A_56 : memref<10240x32xf32, #tpu.memory_space<hbm>>) dst(%arg15 : memref<128x32xf32, #tpu.memory_space<vmem>>)
      %dma_start3A_57 = arith.constant 1 : i32
      %dma_start3A_58 = arith.constant 0 : i32
      %dma_start3A_59 = tpu.memref_slice %arg9[%dma_start3A_57, %dma_start3A_58] : memref<16x128xi32, #tpu.memory_space<vmem>> -> memref<1x128xi32, #tpu.memory_space<vmem>>
      %dma_start3A_60 = tpu.memref_squeeze %dma_start3A_59 : memref<1x128xi32, #tpu.memory_space<vmem>> -> memref<128xi32, #tpu.memory_space<vmem>>
      %dma_start3A_61 = arith.constant 0 : i32
      %dma_start3A_62 = arith.constant 0 : i32
      %dma_start3A_63 = tpu.memref_slice %arg7[%dma_start3A_61, %dma_start3A_62] : memref<10240x32xf32, #tpu.memory_space<vmem_shared>> -> memref<10240x32xf32, #tpu.memory_space<vmem_shared>>
      tpu.enqueue_indirect_dma source(%arg15 : memref<128x32xf32, #tpu.memory_space<vmem>>) target(%dma_start3A_63 : memref<10240x32xf32, #tpu.memory_space<vmem_shared>>) offsets(%dma_start3A_60 : memref<128xi32, #tpu.memory_space<vmem>>) semaphore(%arg20 : memref<!tpu.dma_semaphore, #tpu.memory_space<semaphore_mem>>) {add = true}
      %dma_start3A_64 = arith.constant 3 : i32
      %dma_start3A_65 = arith.constant 0 : i32
      %dma_start3A_66 = tpu.memref_slice %arg18[%dma_start3A_64, %dma_start3A_65] : memref<16x128xi32, #tpu.memory_space<vmem>> -> memref<1x128xi32, #tpu.memory_space<vmem>>
      %dma_start3A_67 = tpu.memref_squeeze %dma_start3A_66 : memref<1x128xi32, #tpu.memory_space<vmem>> -> memref<128xi32, #tpu.memory_space<vmem>>
      %dma_start3A_68 = arith.constant 0 : i32
      %dma_start3A_69 = arith.constant 0 : i32
      %dma_start3A_70 = tpu.memref_slice %arg2[%dma_start3A_68, %dma_start3A_69] : memref<10240x32xf32, #tpu.memory_space<hbm>> -> memref<10240x32xf32, #tpu.memory_space<hbm>>
      tpu.enqueue_indirect_dma source(%dma_start3A_70 : memref<10240x32xf32, #tpu.memory_space<hbm>>) target(%arg17 : memref<128x32xf32, #tpu.memory_space<vmem>>) offsets(%dma_start3A_67 : memref<128xi32, #tpu.memory_space<vmem>>) semaphore(%arg13 : memref<!tpu.dma_semaphore, #tpu.memory_space<semaphore_mem>>)
      %dma_wait3A_71 = arith.constant 2 : i32
      %dma_wait3A_72 = arith.constant 0 : i32
      %dma_wait3A_73 = tpu.memref_slice %arg18[%dma_wait3A_71, %dma_wait3A_72] : memref<16x128xi32, #tpu.memory_space<vmem>> -> memref<1x128xi32, #tpu.memory_space<vmem>>
      %dma_wait3A_74 = tpu.memref_squeeze %dma_wait3A_73 : memref<1x128xi32, #tpu.memory_space<vmem>> -> memref<128xi32, #tpu.memory_space<vmem>>
      %dma_wait3A_75 = arith.constant 0 : i32
      %dma_wait3A_76 = arith.constant 0 : i32
      %dma_wait3A_77 = tpu.memref_slice %arg2[%dma_wait3A_75, %dma_wait3A_76] : memref<10240x32xf32, #tpu.memory_space<hbm>> -> memref<10240x32xf32, #tpu.memory_space<hbm>>
      tpu.wait_indirect_dma semaphore(%arg12 : memref<!tpu.dma_semaphore, #tpu.memory_space<semaphore_mem>>) src(%dma_wait3A_77 : memref<10240x32xf32, #tpu.memory_space<hbm>>) dst(%arg16 : memref<128x32xf32, #tpu.memory_space<vmem>>)
      %dma_start3A_78 = arith.constant 2 : i32
      %dma_start3A_79 = arith.constant 0 : i32
      %dma_start3A_80 = tpu.memref_slice %arg9[%dma_start3A_78, %dma_start3A_79] : memref<16x128xi32, #tpu.memory_space<vmem>> -> memref<1x128xi32, #tpu.memory_space<vmem>>
      %dma_start3A_81 = tpu.memref_squeeze %dma_start3A_80 : memref<1x128xi32, #tpu.memory_space<vmem>> -> memref<128xi32, #tpu.memory_space<vmem>>
      %dma_start3A_82 = arith.constant 0 : i32
      %dma_start3A_83 = arith.constant 0 : i32
      %dma_start3A_84 = tpu.memref_slice %arg7[%dma_start3A_82, %dma_start3A_83] : memref<10240x32xf32, #tpu.memory_space<vmem_shared>> -> memref<10240x32xf32, #tpu.memory_space<vmem_shared>>
      tpu.enqueue_indirect_dma source(%arg16 : memref<128x32xf32, #tpu.memory_space<vmem>>) target(%dma_start3A_84 : memref<10240x32xf32, #tpu.memory_space<vmem_shared>>) offsets(%dma_start3A_81 : memref<128xi32, #tpu.memory_space<vmem>>) semaphore(%arg21 : memref<!tpu.dma_semaphore, #tpu.memory_space<semaphore_mem>>) {add = true}
      %dma_wait3A_85 = arith.constant 0 : i32
      %dma_wait3A_86 = arith.constant 0 : i32
      %dma_wait3A_87 = tpu.memref_slice %arg9[%dma_wait3A_85, %dma_wait3A_86] : memref<16x128xi32, #tpu.memory_space<vmem>> -> memref<1x128xi32, #tpu.memory_space<vmem>>
      %dma_wait3A_88 = tpu.memref_squeeze %dma_wait3A_87 : memref<1x128xi32, #tpu.memory_space<vmem>> -> memref<128xi32, #tpu.memory_space<vmem>>
      %dma_wait3A_89 = arith.constant 0 : i32
      %dma_wait3A_90 = arith.constant 0 : i32
      %dma_wait3A_91 = tpu.memref_slice %arg7[%dma_wait3A_89, %dma_wait3A_90] : memref<10240x32xf32, #tpu.memory_space<vmem_shared>> -> memref<10240x32xf32, #tpu.memory_space<vmem_shared>>
      tpu.wait_indirect_dma semaphore(%arg19 : memref<!tpu.dma_semaphore, #tpu.memory_space<semaphore_mem>>) src(%arg14 : memref<128x32xf32, #tpu.memory_space<vmem>>) dst(%dma_wait3A_91 : memref<10240x32xf32, #tpu.memory_space<vmem_shared>>)
      %dma_start3A_92 = arith.constant 4 : i32
      %dma_start3A_93 = arith.constant 0 : i32
      %dma_start3A_94 = tpu.memref_slice %arg18[%dma_start3A_92, %dma_start3A_93] : memref<16x128xi32, #tpu.memory_space<vmem>> -> memref<1x128xi32, #tpu.memory_space<vmem>>
      %dma_start3A_95 = tpu.memref_squeeze %dma_start3A_94 : memref<1x128xi32, #tpu.memory_space<vmem>> -> memref<128xi32, #tpu.memory_space<vmem>>
      %dma_start3A_96 = arith.constant 0 : i32
      %dma_start3A_97 = arith.constant 0 : i32
      %dma_start3A_98 = tpu.memref_slice %arg2[%dma_start3A_96, %dma_start3A_97] : memref<10240x32xf32, #tpu.memory_space<hbm>> -> memref<10240x32xf32, #tpu.memory_space<hbm>>
      tpu.enqueue_indirect_dma source(%dma_start3A_98 : memref<10240x32xf32, #tpu.memory_space<hbm>>) target(%arg14 : memref<128x32xf32, #tpu.memory_space<vmem>>) offsets(%dma_start3A_95 : memref<128xi32, #tpu.memory_space<vmem>>) semaphore(%arg10 : memref<!tpu.dma_semaphore, #tpu.memory_space<semaphore_mem>>)
      %dma_wait3A_99 = arith.constant 3 : i32
      %dma_wait3A_100 = arith.constant 0 : i32
      %dma_wait3A_101 = tpu.memref_slice %arg18[%dma_wait3A_99, %dma_wait3A_100] : memref<16x128xi32, #tpu.memory_space<vmem>> -> memref<1x128xi32, #tpu.memory_space<vmem>>
      %dma_wait3A_102 = tpu.memref_squeeze %dma_wait3A_101 : memref<1x128xi32, #tpu.memory_space<vmem>> -> memref<128xi32, #tpu.memory_space<vmem>>
      %dma_wait3A_103 = arith.constant 0 : i32
      %dma_wait3A_104 = arith.constant 0 : i32
      %dma_wait3A_105 = tpu.memref_slice %arg2[%dma_wait3A_103, %dma_wait3A_104] : memref<10240x32xf32, #tpu.memory_space<hbm>> -> memref<10240x32xf32, #tpu.memory_space<hbm>>
      tpu.wait_indirect_dma semaphore(%arg13 : memref<!tpu.dma_semaphore, #tpu.memory_space<semaphore_mem>>) src(%dma_wait3A_105 : memref<10240x32xf32, #tpu.memory_space<hbm>>) dst(%arg17 : memref<128x32xf32, #tpu.memory_space<vmem>>)
      %dma_start3A_106 = arith.constant 3 : i32
      %dma_start3A_107 = arith.constant 0 : i32
      %dma_start3A_108 = tpu.memref_slice %arg9[%dma_start3A_106, %dma_start3A_107] : memref<16x128xi32, #tpu.memory_space<vmem>> -> memref<1x128xi32, #tpu.memory_space<vmem>>
      %dma_start3A_109 = tpu.memref_squeeze %dma_start3A_108 : memref<1x128xi32, #tpu.memory_space<vmem>> -> memref<128xi32, #tpu.memory_space<vmem>>
      %dma_start3A_110 = arith.constant 0 : i32
      %dma_start3A_111 = arith.constant 0 : i32
      %dma_start3A_112 = tpu.memref_slice %arg7[%dma_start3A_110, %dma_start3A_111] : memref<10240x32xf32, #tpu.memory_space<vmem_shared>> -> memref<10240x32xf32, #tpu.memory_space<vmem_shared>>
      tpu.enqueue_indirect_dma source(%arg17 : memref<128x32xf32, #tpu.memory_space<vmem>>) target(%dma_start3A_112 : memref<10240x32xf32, #tpu.memory_space<vmem_shared>>) offsets(%dma_start3A_109 : memref<128xi32, #tpu.memory_space<vmem>>) semaphore(%arg22 : memref<!tpu.dma_semaphore, #tpu.memory_space<semaphore_mem>>) {add = true}
      %dma_wait3A_113 = arith.constant 1 : i32
      %dma_wait3A_114 = arith.constant 0 : i32
      %dma_wait3A_115 = tpu.memref_slice %arg9[%dma_wait3A_113, %dma_wait3A_114] : memref<16x128xi32, #tpu.memory_space<vmem>> -> memref<1x128xi32, #tpu.memory_space<vmem>>
      %dma_wait3A_116 = tpu.memref_squeeze %dma_wait3A_115 : memref<1x128xi32, #tpu.memory_space<vmem>> -> memref<128xi32, #tpu.memory_space<vmem>>
      %dma_wait3A_117 = arith.constant 0 : i32
      %dma_wait3A_118 = arith.constant 0 : i32
      %dma_wait3A_119 = tpu.memref_slice %arg7[%dma_wait3A_117, %dma_wait3A_118] : memref<10240x32xf32, #tpu.memory_space<vmem_shared>> -> memref<10240x32xf32, #tpu.memory_space<vmem_shared>>
      tpu.wait_indirect_dma semaphore(%arg20 : memref<!tpu.dma_semaphore, #tpu.memory_space<semaphore_mem>>) src(%arg15 : memref<128x32xf32, #tpu.memory_space<vmem>>) dst(%dma_wait3A_119 : memref<10240x32xf32, #tpu.memory_space<vmem_shared>>)
      %dma_start3A_120 = arith.constant 5 : i32
      %dma_start3A_121 = arith.constant 0 : i32
      %dma_start3A_122 = tpu.memref_slice %arg18[%dma_start3A_120, %dma_start3A_121] : memref<16x128xi32, #tpu.memory_space<vmem>> -> memref<1x128xi32, #tpu.memory_space<vmem>>
      %dma_start3A_123 = tpu.memref_squeeze %dma_start3A_122 : memref<1x128xi32, #tpu.memory_space<vmem>> -> memref<128xi32, #tpu.memory_space<vmem>>
      %dma_start3A_124 = arith.constant 0 : i32
      %dma_start3A_125 = arith.constant 0 : i32
      %dma_start3A_126 = tpu.memref_slice %arg2[%dma_start3A_124, %dma_start3A_125] : memref<10240x32xf32, #tpu.memory_space<hbm>> -> memref<10240x32xf32, #tpu.memory_space<hbm>>
      tpu.enqueue_indirect_dma source(%dma_start3A_126 : memref<10240x32xf32, #tpu.memory_space<hbm>>) target(%arg15 : memref<128x32xf32, #tpu.memory_space<vmem>>) offsets(%dma_start3A_123 : memref<128xi32, #tpu.memory_space<vmem>>) semaphore(%arg11 : memref<!tpu.dma_semaphore, #tpu.memory_space<semaphore_mem>>)
      %dma_wait3A_127 = arith.constant 4 : i32
      %dma_wait3A_128 = arith.constant 0 : i32
      %dma_wait3A_129 = tpu.memref_slice %arg18[%dma_wait3A_127, %dma_wait3A_128] : memref<16x128xi32, #tpu.memory_space<vmem>> -> memref<1x128xi32, #tpu.memory_space<vmem>>
      %dma_wait3A_130 = tpu.memref_squeeze %dma_wait3A_129 : memref<1x128xi32, #tpu.memory_space<vmem>> -> memref<128xi32, #tpu.memory_space<vmem>>
      %dma_wait3A_131 = arith.constant 0 : i32
      %dma_wait3A_132 = arith.constant 0 : i32
      %dma_wait3A_133 = tpu.memref_slice %arg2[%dma_wait3A_131, %dma_wait3A_132] : memref<10240x32xf32, #tpu.memory_space<hbm>> -> memref<10240x32xf32, #tpu.memory_space<hbm>>
      tpu.wait_indirect_dma semaphore(%arg10 : memref<!tpu.dma_semaphore, #tpu.memory_space<semaphore_mem>>) src(%dma_wait3A_133 : memref<10240x32xf32, #tpu.memory_space<hbm>>) dst(%arg14 : memref<128x32xf32, #tpu.memory_space<vmem>>)
      %dma_start3A_134 = arith.constant 4 : i32
      %dma_start3A_135 = arith.constant 0 : i32
      %dma_start3A_136 = tpu.memref_slice %arg9[%dma_start3A_134, %dma_start3A_135] : memref<16x128xi32, #tpu.memory_space<vmem>> -> memref<1x128xi32, #tpu.memory_space<vmem>>
      %dma_start3A_137 = tpu.memref_squeeze %dma_start3A_136 : memref<1x128xi32, #tpu.memory_space<vmem>> -> memref<128xi32, #tpu.memory_space<vmem>>
      %dma_start3A_138 = arith.constant 0 : i32
      %dma_start3A_139 = arith.constant 0 : i32
      %dma_start3A_140 = tpu.memref_slice %arg7[%dma_start3A_138, %dma_start3A_139] : memref<10240x32xf32, #tpu.memory_space<vmem_shared>> -> memref<10240x32xf32, #tpu.memory_space<vmem_shared>>
      tpu.enqueue_indirect_dma source(%arg14 : memref<128x32xf32, #tpu.memory_space<vmem>>) target(%dma_start3A_140 : memref<10240x32xf32, #tpu.memory_space<vmem_shared>>) offsets(%dma_start3A_137 : memref<128xi32, #tpu.memory_space<vmem>>) semaphore(%arg19 : memref<!tpu.dma_semaphore, #tpu.memory_space<semaphore_mem>>) {add = true}
      %dma_wait3A_141 = arith.constant 2 : i32
      %dma_wait3A_142 = arith.constant 0 : i32
      %dma_wait3A_143 = tpu.memref_slice %arg9[%dma_wait3A_141, %dma_wait3A_142] : memref<16x128xi32, #tpu.memory_space<vmem>> -> memref<1x128xi32, #tpu.memory_space<vmem>>
      %dma_wait3A_144 = tpu.memref_squeeze %dma_wait3A_143 : memref<1x128xi32, #tpu.memory_space<vmem>> -> memref<128xi32, #tpu.memory_space<vmem>>
      %dma_wait3A_145 = arith.constant 0 : i32
      %dma_wait3A_146 = arith.constant 0 : i32
      %dma_wait3A_147 = tpu.memref_slice %arg7[%dma_wait3A_145, %dma_wait3A_146] : memref<10240x32xf32, #tpu.memory_space<vmem_shared>> -> memref<10240x32xf32, #tpu.memory_space<vmem_shared>>
      tpu.wait_indirect_dma semaphore(%arg21 : memref<!tpu.dma_semaphore, #tpu.memory_space<semaphore_mem>>) src(%arg16 : memref<128x32xf32, #tpu.memory_space<vmem>>) dst(%dma_wait3A_147 : memref<10240x32xf32, #tpu.memory_space<vmem_shared>>)
      %dma_start3A_148 = arith.constant 6 : i32
      %dma_start3A_149 = arith.constant 0 : i32
      %dma_start3A_150 = tpu.memref_slice %arg18[%dma_start3A_148, %dma_start3A_149] : memref<16x128xi32, #tpu.memory_space<vmem>> -> memref<1x128xi32, #tpu.memory_space<vmem>>
      %dma_start3A_151 = tpu.memref_squeeze %dma_start3A_150 : memref<1x128xi32, #tpu.memory_space<vmem>> -> memref<128xi32, #tpu.memory_space<vmem>>
      %dma_start3A_152 = arith.constant 0 : i32
      %dma_start3A_153 = arith.constant 0 : i32
      %dma_start3A_154 = tpu.memref_slice %arg2[%dma_start3A_152, %dma_start3A_153] : memref<10240x32xf32, #tpu.memory_space<hbm>> -> memref<10240x32xf32, #tpu.memory_space<hbm>>
      tpu.enqueue_indirect_dma source(%dma_start3A_154 : memref<10240x32xf32, #tpu.memory_space<hbm>>) target(%arg16 : memref<128x32xf32, #tpu.memory_space<vmem>>) offsets(%dma_start3A_151 : memref<128xi32, #tpu.memory_space<vmem>>) semaphore(%arg12 : memref<!tpu.dma_semaphore, #tpu.memory_space<semaphore_mem>>)
      %dma_wait3A_155 = arith.constant 5 : i32
      %dma_wait3A_156 = arith.constant 0 : i32
      %dma_wait3A_157 = tpu.memref_slice %arg18[%dma_wait3A_155, %dma_wait3A_156] : memref<16x128xi32, #tpu.memory_space<vmem>> -> memref<1x128xi32, #tpu.memory_space<vmem>>
      %dma_wait3A_158 = tpu.memref_squeeze %dma_wait3A_157 : memref<1x128xi32, #tpu.memory_space<vmem>> -> memref<128xi32, #tpu.memory_space<vmem>>
      %dma_wait3A_159 = arith.constant 0 : i32
      %dma_wait3A_160 = arith.constant 0 : i32
      %dma_wait3A_161 = tpu.memref_slice %arg2[%dma_wait3A_159, %dma_wait3A_160] : memref<10240x32xf32, #tpu.memory_space<hbm>> -> memref<10240x32xf32, #tpu.memory_space<hbm>>
      tpu.wait_indirect_dma semaphore(%arg11 : memref<!tpu.dma_semaphore, #tpu.memory_space<semaphore_mem>>) src(%dma_wait3A_161 : memref<10240x32xf32, #tpu.memory_space<hbm>>) dst(%arg15 : memref<128x32xf32, #tpu.memory_space<vmem>>)
      %dma_start3A_162 = arith.constant 5 : i32
      %dma_start3A_163 = arith.constant 0 : i32
      %dma_start3A_164 = tpu.memref_slice %arg9[%dma_start3A_162, %dma_start3A_163] : memref<16x128xi32, #tpu.memory_space<vmem>> -> memref<1x128xi32, #tpu.memory_space<vmem>>
      %dma_start3A_165 = tpu.memref_squeeze %dma_start3A_164 : memref<1x128xi32, #tpu.memory_space<vmem>> -> memref<128xi32, #tpu.memory_space<vmem>>
      %dma_start3A_166 = arith.constant 0 : i32
      %dma_start3A_167 = arith.constant 0 : i32
      %dma_start3A_168 = tpu.memref_slice %arg7[%dma_start3A_166, %dma_start3A_167] : memref<10240x32xf32, #tpu.memory_space<vmem_shared>> -> memref<10240x32xf32, #tpu.memory_space<vmem_shared>>
      tpu.enqueue_indirect_dma source(%arg15 : memref<128x32xf32, #tpu.memory_space<vmem>>) target(%dma_start3A_168 : memref<10240x32xf32, #tpu.memory_space<vmem_shared>>) offsets(%dma_start3A_165 : memref<128xi32, #tpu.memory_space<vmem>>) semaphore(%arg20 : memref<!tpu.dma_semaphore, #tpu.memory_space<semaphore_mem>>) {add = true}
      %dma_wait3A_169 = arith.constant 3 : i32
      %dma_wait3A_170 = arith.constant 0 : i32
      %dma_wait3A_171 = tpu.memref_slice %arg9[%dma_wait3A_169, %dma_wait3A_170] : memref<16x128xi32, #tpu.memory_space<vmem>> -> memref<1x128xi32, #tpu.memory_space<vmem>>
      %dma_wait3A_172 = tpu.memref_squeeze %dma_wait3A_171 : memref<1x128xi32, #tpu.memory_space<vmem>> -> memref<128xi32, #tpu.memory_space<vmem>>
      %dma_wait3A_173 = arith.constant 0 : i32
      %dma_wait3A_174 = arith.constant 0 : i32
      %dma_wait3A_175 = tpu.memref_slice %arg7[%dma_wait3A_173, %dma_wait3A_174] : memref<10240x32xf32, #tpu.memory_space<vmem_shared>> -> memref<10240x32xf32, #tpu.memory_space<vmem_shared>>
      tpu.wait_indirect_dma semaphore(%arg22 : memref<!tpu.dma_semaphore, #tpu.memory_space<semaphore_mem>>) src(%arg17 : memref<128x32xf32, #tpu.memory_space<vmem>>) dst(%dma_wait3A_175 : memref<10240x32xf32, #tpu.memory_space<vmem_shared>>)
      %dma_start3A_176 = arith.constant 7 : i32
      %dma_start3A_177 = arith.constant 0 : i32
      %dma_start3A_178 = tpu.memref_slice %arg18[%dma_start3A_176, %dma_start3A_177] : memref<16x128xi32, #tpu.memory_space<vmem>> -> memref<1x128xi32, #tpu.memory_space<vmem>>
      %dma_start3A_179 = tpu.memref_squeeze %dma_start3A_178 : memref<1x128xi32, #tpu.memory_space<vmem>> -> memref<128xi32, #tpu.memory_space<vmem>>
      %dma_start3A_180 = arith.constant 0 : i32
      %dma_start3A_181 = arith.constant 0 : i32
      %dma_start3A_182 = tpu.memref_slice %arg2[%dma_start3A_180, %dma_start3A_181] : memref<10240x32xf32, #tpu.memory_space<hbm>> -> memref<10240x32xf32, #tpu.memory_space<hbm>>
      tpu.enqueue_indirect_dma source(%dma_start3A_182 : memref<10240x32xf32, #tpu.memory_space<hbm>>) target(%arg17 : memref<128x32xf32, #tpu.memory_space<vmem>>) offsets(%dma_start3A_179 : memref<128xi32, #tpu.memory_space<vmem>>) semaphore(%arg13 : memref<!tpu.dma_semaphore, #tpu.memory_space<semaphore_mem>>)
      %dma_wait3A_183 = arith.constant 6 : i32
      %dma_wait3A_184 = arith.constant 0 : i32
      %dma_wait3A_185 = tpu.memref_slice %arg18[%dma_wait3A_183, %dma_wait3A_184] : memref<16x128xi32, #tpu.memory_space<vmem>> -> memref<1x128xi32, #tpu.memory_space<vmem>>
      %dma_wait3A_186 = tpu.memref_squeeze %dma_wait3A_185 : memref<1x128xi32, #tpu.memory_space<vmem>> -> memref<128xi32, #tpu.memory_space<vmem>>
      %dma_wait3A_187 = arith.constant 0 : i32
      %dma_wait3A_188 = arith.constant 0 : i32
      %dma_wait3A_189 = tpu.memref_slice %arg2[%dma_wait3A_187, %dma_wait3A_188] : memref<10240x32xf32, #tpu.memory_space<hbm>> -> memref<10240x32xf32, #tpu.memory_space<hbm>>
      tpu.wait_indirect_dma semaphore(%arg12 : memref<!tpu.dma_semaphore, #tpu.memory_space<semaphore_mem>>) src(%dma_wait3A_189 : memref<10240x32xf32, #tpu.memory_space<hbm>>) dst(%arg16 : memref<128x32xf32, #tpu.memory_space<vmem>>)
      %dma_start3A_190 = arith.constant 6 : i32
      %dma_start3A_191 = arith.constant 0 : i32
      %dma_start3A_192 = tpu.memref_slice %arg9[%dma_start3A_190, %dma_start3A_191] : memref<16x128xi32, #tpu.memory_space<vmem>> -> memref<1x128xi32, #tpu.memory_space<vmem>>
      %dma_start3A_193 = tpu.memref_squeeze %dma_start3A_192 : memref<1x128xi32, #tpu.memory_space<vmem>> -> memref<128xi32, #tpu.memory_space<vmem>>
      %dma_start3A_194 = arith.constant 0 : i32
      %dma_start3A_195 = arith.constant 0 : i32
      %dma_start3A_196 = tpu.memref_slice %arg7[%dma_start3A_194, %dma_start3A_195] : memref<10240x32xf32, #tpu.memory_space<vmem_shared>> -> memref<10240x32xf32, #tpu.memory_space<vmem_shared>>
      tpu.enqueue_indirect_dma source(%arg16 : memref<128x32xf32, #tpu.memory_space<vmem>>) target(%dma_start3A_196 : memref<10240x32xf32, #tpu.memory_space<vmem_shared>>) offsets(%dma_start3A_193 : memref<128xi32, #tpu.memory_space<vmem>>) semaphore(%arg21 : memref<!tpu.dma_semaphore, #tpu.memory_space<semaphore_mem>>) {add = true}
      %dma_wait3A_197 = arith.constant 4 : i32
      %dma_wait3A_198 = arith.constant 0 : i32
      %dma_wait3A_199 = tpu.memref_slice %arg9[%dma_wait3A_197, %dma_wait3A_198] : memref<16x128xi32, #tpu.memory_space<vmem>> -> memref<1x128xi32, #tpu.memory_space<vmem>>
      %dma_wait3A_200 = tpu.memref_squeeze %dma_wait3A_199 : memref<1x128xi32, #tpu.memory_space<vmem>> -> memref<128xi32, #tpu.memory_space<vmem>>
      %dma_wait3A_201 = arith.constant 0 : i32
      %dma_wait3A_202 = arith.constant 0 : i32
      %dma_wait3A_203 = tpu.memref_slice %arg7[%dma_wait3A_201, %dma_wait3A_202] : memref<10240x32xf32, #tpu.memory_space<vmem_shared>> -> memref<10240x32xf32, #tpu.memory_space<vmem_shared>>
      tpu.wait_indirect_dma semaphore(%arg19 : memref<!tpu.dma_semaphore, #tpu.memory_space<semaphore_mem>>) src(%arg14 : memref<128x32xf32, #tpu.memory_space<vmem>>) dst(%dma_wait3A_203 : memref<10240x32xf32, #tpu.memory_space<vmem_shared>>)
      %dma_start3A_204 = arith.constant 8 : i32
      %dma_start3A_205 = arith.constant 0 : i32
      %dma_start3A_206 = tpu.memref_slice %arg18[%dma_start3A_204, %dma_start3A_205] : memref<16x128xi32, #tpu.memory_space<vmem>> -> memref<1x128xi32, #tpu.memory_space<vmem>>
      %dma_start3A_207 = tpu.memref_squeeze %dma_start3A_206 : memref<1x128xi32, #tpu.memory_space<vmem>> -> memref<128xi32, #tpu.memory_space<vmem>>
      %dma_start3A_208 = arith.constant 0 : i32
      %dma_start3A_209 = arith.constant 0 : i32
      %dma_start3A_210 = tpu.memref_slice %arg2[%dma_start3A_208, %dma_start3A_209] : memref<10240x32xf32, #tpu.memory_space<hbm>> -> memref<10240x32xf32, #tpu.memory_space<hbm>>
      tpu.enqueue_indirect_dma source(%dma_start3A_210 : memref<10240x32xf32, #tpu.memory_space<hbm>>) target(%arg14 : memref<128x32xf32, #tpu.memory_space<vmem>>) offsets(%dma_start3A_207 : memref<128xi32, #tpu.memory_space<vmem>>) semaphore(%arg10 : memref<!tpu.dma_semaphore, #tpu.memory_space<semaphore_mem>>)
      %dma_wait3A_211 = arith.constant 7 : i32
      %dma_wait3A_212 = arith.constant 0 : i32
      %dma_wait3A_213 = tpu.memref_slice %arg18[%dma_wait3A_211, %dma_wait3A_212] : memref<16x128xi32, #tpu.memory_space<vmem>> -> memref<1x128xi32, #tpu.memory_space<vmem>>
      %dma_wait3A_214 = tpu.memref_squeeze %dma_wait3A_213 : memref<1x128xi32, #tpu.memory_space<vmem>> -> memref<128xi32, #tpu.memory_space<vmem>>
      %dma_wait3A_215 = arith.constant 0 : i32
      %dma_wait3A_216 = arith.constant 0 : i32
      %dma_wait3A_217 = tpu.memref_slice %arg2[%dma_wait3A_215, %dma_wait3A_216] : memref<10240x32xf32, #tpu.memory_space<hbm>> -> memref<10240x32xf32, #tpu.memory_space<hbm>>
      tpu.wait_indirect_dma semaphore(%arg13 : memref<!tpu.dma_semaphore, #tpu.memory_space<semaphore_mem>>) src(%dma_wait3A_217 : memref<10240x32xf32, #tpu.memory_space<hbm>>) dst(%arg17 : memref<128x32xf32, #tpu.memory_space<vmem>>)
      %dma_start3A_218 = arith.constant 7 : i32
      %dma_start3A_219 = arith.constant 0 : i32
      %dma_start3A_220 = tpu.memref_slice %arg9[%dma_start3A_218, %dma_start3A_219] : memref<16x128xi32, #tpu.memory_space<vmem>> -> memref<1x128xi32, #tpu.memory_space<vmem>>
      %dma_start3A_221 = tpu.memref_squeeze %dma_start3A_220 : memref<1x128xi32, #tpu.memory_space<vmem>> -> memref<128xi32, #tpu.memory_space<vmem>>
      %dma_start3A_222 = arith.constant 0 : i32
      %dma_start3A_223 = arith.constant 0 : i32
      %dma_start3A_224 = tpu.memref_slice %arg7[%dma_start3A_222, %dma_start3A_223] : memref<10240x32xf32, #tpu.memory_space<vmem_shared>> -> memref<10240x32xf32, #tpu.memory_space<vmem_shared>>
      tpu.enqueue_indirect_dma source(%arg17 : memref<128x32xf32, #tpu.memory_space<vmem>>) target(%dma_start3A_224 : memref<10240x32xf32, #tpu.memory_space<vmem_shared>>) offsets(%dma_start3A_221 : memref<128xi32, #tpu.memory_space<vmem>>) semaphore(%arg22 : memref<!tpu.dma_semaphore, #tpu.memory_space<semaphore_mem>>) {add = true}
      %dma_wait3A_225 = arith.constant 5 : i32
      %dma_wait3A_226 = arith.constant 0 : i32
      %dma_wait3A_227 = tpu.memref_slice %arg9[%dma_wait3A_225, %dma_wait3A_226] : memref<16x128xi32, #tpu.memory_space<vmem>> -> memref<1x128xi32, #tpu.memory_space<vmem>>
      %dma_wait3A_228 = tpu.memref_squeeze %dma_wait3A_227 : memref<1x128xi32, #tpu.memory_space<vmem>> -> memref<128xi32, #tpu.memory_space<vmem>>
      %dma_wait3A_229 = arith.constant 0 : i32
      %dma_wait3A_230 = arith.constant 0 : i32
      %dma_wait3A_231 = tpu.memref_slice %arg7[%dma_wait3A_229, %dma_wait3A_230] : memref<10240x32xf32, #tpu.memory_space<vmem_shared>> -> memref<10240x32xf32, #tpu.memory_space<vmem_shared>>
      tpu.wait_indirect_dma semaphore(%arg20 : memref<!tpu.dma_semaphore, #tpu.memory_space<semaphore_mem>>) src(%arg15 : memref<128x32xf32, #tpu.memory_space<vmem>>) dst(%dma_wait3A_231 : memref<10240x32xf32, #tpu.memory_space<vmem_shared>>)
      %dma_start3A_232 = arith.constant 9 : i32
      %dma_start3A_233 = arith.constant 0 : i32
      %dma_start3A_234 = tpu.memref_slice %arg18[%dma_start3A_232, %dma_start3A_233] : memref<16x128xi32, #tpu.memory_space<vmem>> -> memref<1x128xi32, #tpu.memory_space<vmem>>
      %dma_start3A_235 = tpu.memref_squeeze %dma_start3A_234 : memref<1x128xi32, #tpu.memory_space<vmem>> -> memref<128xi32, #tpu.memory_space<vmem>>
      %dma_start3A_236 = arith.constant 0 : i32
      %dma_start3A_237 = arith.constant 0 : i32
      %dma_start3A_238 = tpu.memref_slice %arg2[%dma_start3A_236, %dma_start3A_237] : memref<10240x32xf32, #tpu.memory_space<hbm>> -> memref<10240x32xf32, #tpu.memory_space<hbm>>
      tpu.enqueue_indirect_dma source(%dma_start3A_238 : memref<10240x32xf32, #tpu.memory_space<hbm>>) target(%arg15 : memref<128x32xf32, #tpu.memory_space<vmem>>) offsets(%dma_start3A_235 : memref<128xi32, #tpu.memory_space<vmem>>) semaphore(%arg11 : memref<!tpu.dma_semaphore, #tpu.memory_space<semaphore_mem>>)
      %dma_wait3A_239 = arith.constant 8 : i32
      %dma_wait3A_240 = arith.constant 0 : i32
      %dma_wait3A_241 = tpu.memref_slice %arg18[%dma_wait3A_239, %dma_wait3A_240] : memref<16x128xi32, #tpu.memory_space<vmem>> -> memref<1x128xi32, #tpu.memory_space<vmem>>
      %dma_wait3A_242 = tpu.memref_squeeze %dma_wait3A_241 : memref<1x128xi32, #tpu.memory_space<vmem>> -> memref<128xi32, #tpu.memory_space<vmem>>
      %dma_wait3A_243 = arith.constant 0 : i32
      %dma_wait3A_244 = arith.constant 0 : i32
      %dma_wait3A_245 = tpu.memref_slice %arg2[%dma_wait3A_243, %dma_wait3A_244] : memref<10240x32xf32, #tpu.memory_space<hbm>> -> memref<10240x32xf32, #tpu.memory_space<hbm>>
      tpu.wait_indirect_dma semaphore(%arg10 : memref<!tpu.dma_semaphore, #tpu.memory_space<semaphore_mem>>) src(%dma_wait3A_245 : memref<10240x32xf32, #tpu.memory_space<hbm>>) dst(%arg14 : memref<128x32xf32, #tpu.memory_space<vmem>>)
      %dma_start3A_246 = arith.constant 8 : i32
      %dma_start3A_247 = arith.constant 0 : i32
      %dma_start3A_248 = tpu.memref_slice %arg9[%dma_start3A_246, %dma_start3A_247] : memref<16x128xi32, #tpu.memory_space<vmem>> -> memref<1x128xi32, #tpu.memory_space<vmem>>
      %dma_start3A_249 = tpu.memref_squeeze %dma_start3A_248 : memref<1x128xi32, #tpu.memory_space<vmem>> -> memref<128xi32, #tpu.memory_space<vmem>>
      %dma_start3A_250 = arith.constant 0 : i32
      %dma_start3A_251 = arith.constant 0 : i32
      %dma_start3A_252 = tpu.memref_slice %arg7[%dma_start3A_250, %dma_start3A_251] : memref<10240x32xf32, #tpu.memory_space<vmem_shared>> -> memref<10240x32xf32, #tpu.memory_space<vmem_shared>>
      tpu.enqueue_indirect_dma source(%arg14 : memref<128x32xf32, #tpu.memory_space<vmem>>) target(%dma_start3A_252 : memref<10240x32xf32, #tpu.memory_space<vmem_shared>>) offsets(%dma_start3A_249 : memref<128xi32, #tpu.memory_space<vmem>>) semaphore(%arg19 : memref<!tpu.dma_semaphore, #tpu.memory_space<semaphore_mem>>) {add = true}
      %dma_wait3A_253 = arith.constant 6 : i32
      %dma_wait3A_254 = arith.constant 0 : i32
      %dma_wait3A_255 = tpu.memref_slice %arg9[%dma_wait3A_253, %dma_wait3A_254] : memref<16x128xi32, #tpu.memory_space<vmem>> -> memref<1x128xi32, #tpu.memory_space<vmem>>
      %dma_wait3A_256 = tpu.memref_squeeze %dma_wait3A_255 : memref<1x128xi32, #tpu.memory_space<vmem>> -> memref<128xi32, #tpu.memory_space<vmem>>
      %dma_wait3A_257 = arith.constant 0 : i32
      %dma_wait3A_258 = arith.constant 0 : i32
      %dma_wait3A_259 = tpu.memref_slice %arg7[%dma_wait3A_257, %dma_wait3A_258] : memref<10240x32xf32, #tpu.memory_space<vmem_shared>> -> memref<10240x32xf32, #tpu.memory_space<vmem_shared>>
      tpu.wait_indirect_dma semaphore(%arg21 : memref<!tpu.dma_semaphore, #tpu.memory_space<semaphore_mem>>) src(%arg16 : memref<128x32xf32, #tpu.memory_space<vmem>>) dst(%dma_wait3A_259 : memref<10240x32xf32, #tpu.memory_space<vmem_shared>>)
      %dma_start3A_260 = arith.constant 10 : i32
      %dma_start3A_261 = arith.constant 0 : i32
      %dma_start3A_262 = tpu.memref_slice %arg18[%dma_start3A_260, %dma_start3A_261] : memref<16x128xi32, #tpu.memory_space<vmem>> -> memref<1x128xi32, #tpu.memory_space<vmem>>
      %dma_start3A_263 = tpu.memref_squeeze %dma_start3A_262 : memref<1x128xi32, #tpu.memory_space<vmem>> -> memref<128xi32, #tpu.memory_space<vmem>>
      %dma_start3A_264 = arith.constant 0 : i32
      %dma_start3A_265 = arith.constant 0 : i32
      %dma_start3A_266 = tpu.memref_slice %arg2[%dma_start3A_264, %dma_start3A_265] : memref<10240x32xf32, #tpu.memory_space<hbm>> -> memref<10240x32xf32, #tpu.memory_space<hbm>>
      tpu.enqueue_indirect_dma source(%dma_start3A_266 : memref<10240x32xf32, #tpu.memory_space<hbm>>) target(%arg16 : memref<128x32xf32, #tpu.memory_space<vmem>>) offsets(%dma_start3A_263 : memref<128xi32, #tpu.memory_space<vmem>>) semaphore(%arg12 : memref<!tpu.dma_semaphore, #tpu.memory_space<semaphore_mem>>)
      %dma_wait3A_267 = arith.constant 9 : i32
      %dma_wait3A_268 = arith.constant 0 : i32
      %dma_wait3A_269 = tpu.memref_slice %arg18[%dma_wait3A_267, %dma_wait3A_268] : memref<16x128xi32, #tpu.memory_space<vmem>> -> memref<1x128xi32, #tpu.memory_space<vmem>>
      %dma_wait3A_270 = tpu.memref_squeeze %dma_wait3A_269 : memref<1x128xi32, #tpu.memory_space<vmem>> -> memref<128xi32, #tpu.memory_space<vmem>>
      %dma_wait3A_271 = arith.constant 0 : i32
      %dma_wait3A_272 = arith.constant 0 : i32
      %dma_wait3A_273 = tpu.memref_slice %arg2[%dma_wait3A_271, %dma_wait3A_272] : memref<10240x32xf32, #tpu.memory_space<hbm>> -> memref<10240x32xf32, #tpu.memory_space<hbm>>
      tpu.wait_indirect_dma semaphore(%arg11 : memref<!tpu.dma_semaphore, #tpu.memory_space<semaphore_mem>>) src(%dma_wait3A_273 : memref<10240x32xf32, #tpu.memory_space<hbm>>) dst(%arg15 : memref<128x32xf32, #tpu.memory_space<vmem>>)
      %dma_start3A_274 = arith.constant 9 : i32
      %dma_start3A_275 = arith.constant 0 : i32
      %dma_start3A_276 = tpu.memref_slice %arg9[%dma_start3A_274, %dma_start3A_275] : memref<16x128xi32, #tpu.memory_space<vmem>> -> memref<1x128xi32, #tpu.memory_space<vmem>>
      %dma_start3A_277 = tpu.memref_squeeze %dma_start3A_276 : memref<1x128xi32, #tpu.memory_space<vmem>> -> memref<128xi32, #tpu.memory_space<vmem>>
      %dma_start3A_278 = arith.constant 0 : i32
      %dma_start3A_279 = arith.constant 0 : i32
      %dma_start3A_280 = tpu.memref_slice %arg7[%dma_start3A_278, %dma_start3A_279] : memref<10240x32xf32, #tpu.memory_space<vmem_shared>> -> memref<10240x32xf32, #tpu.memory_space<vmem_shared>>
      tpu.enqueue_indirect_dma source(%arg15 : memref<128x32xf32, #tpu.memory_space<vmem>>) target(%dma_start3A_280 : memref<10240x32xf32, #tpu.memory_space<vmem_shared>>) offsets(%dma_start3A_277 : memref<128xi32, #tpu.memory_space<vmem>>) semaphore(%arg20 : memref<!tpu.dma_semaphore, #tpu.memory_space<semaphore_mem>>) {add = true}
      %dma_wait3A_281 = arith.constant 7 : i32
      %dma_wait3A_282 = arith.constant 0 : i32
      %dma_wait3A_283 = tpu.memref_slice %arg9[%dma_wait3A_281, %dma_wait3A_282] : memref<16x128xi32, #tpu.memory_space<vmem>> -> memref<1x128xi32, #tpu.memory_space<vmem>>
      %dma_wait3A_284 = tpu.memref_squeeze %dma_wait3A_283 : memref<1x128xi32, #tpu.memory_space<vmem>> -> memref<128xi32, #tpu.memory_space<vmem>>
      %dma_wait3A_285 = arith.constant 0 : i32
      %dma_wait3A_286 = arith.constant 0 : i32
      %dma_wait3A_287 = tpu.memref_slice %arg7[%dma_wait3A_285, %dma_wait3A_286] : memref<10240x32xf32, #tpu.memory_space<vmem_shared>> -> memref<10240x32xf32, #tpu.memory_space<vmem_shared>>
      tpu.wait_indirect_dma semaphore(%arg22 : memref<!tpu.dma_semaphore, #tpu.memory_space<semaphore_mem>>) src(%arg17 : memref<128x32xf32, #tpu.memory_space<vmem>>) dst(%dma_wait3A_287 : memref<10240x32xf32, #tpu.memory_space<vmem_shared>>)
      %dma_start3A_288 = arith.constant 11 : i32
      %dma_start3A_289 = arith.constant 0 : i32
      %dma_start3A_290 = tpu.memref_slice %arg18[%dma_start3A_288, %dma_start3A_289] : memref<16x128xi32, #tpu.memory_space<vmem>> -> memref<1x128xi32, #tpu.memory_space<vmem>>
      %dma_start3A_291 = tpu.memref_squeeze %dma_start3A_290 : memref<1x128xi32, #tpu.memory_space<vmem>> -> memref<128xi32, #tpu.memory_space<vmem>>
      %dma_start3A_292 = arith.constant 0 : i32
      %dma_start3A_293 = arith.constant 0 : i32
      %dma_start3A_294 = tpu.memref_slice %arg2[%dma_start3A_292, %dma_start3A_293] : memref<10240x32xf32, #tpu.memory_space<hbm>> -> memref<10240x32xf32, #tpu.memory_space<hbm>>
      tpu.enqueue_indirect_dma source(%dma_start3A_294 : memref<10240x32xf32, #tpu.memory_space<hbm>>) target(%arg17 : memref<128x32xf32, #tpu.memory_space<vmem>>) offsets(%dma_start3A_291 : memref<128xi32, #tpu.memory_space<vmem>>) semaphore(%arg13 : memref<!tpu.dma_semaphore, #tpu.memory_space<semaphore_mem>>)
      %dma_wait3A_295 = arith.constant 10 : i32
      %dma_wait3A_296 = arith.constant 0 : i32
      %dma_wait3A_297 = tpu.memref_slice %arg18[%dma_wait3A_295, %dma_wait3A_296] : memref<16x128xi32, #tpu.memory_space<vmem>> -> memref<1x128xi32, #tpu.memory_space<vmem>>
      %dma_wait3A_298 = tpu.memref_squeeze %dma_wait3A_297 : memref<1x128xi32, #tpu.memory_space<vmem>> -> memref<128xi32, #tpu.memory_space<vmem>>
      %dma_wait3A_299 = arith.constant 0 : i32
      %dma_wait3A_300 = arith.constant 0 : i32
      %dma_wait3A_301 = tpu.memref_slice %arg2[%dma_wait3A_299, %dma_wait3A_300] : memref<10240x32xf32, #tpu.memory_space<hbm>> -> memref<10240x32xf32, #tpu.memory_space<hbm>>
      tpu.wait_indirect_dma semaphore(%arg12 : memref<!tpu.dma_semaphore, #tpu.memory_space<semaphore_mem>>) src(%dma_wait3A_301 : memref<10240x32xf32, #tpu.memory_space<hbm>>) dst(%arg16 : memref<128x32xf32, #tpu.memory_space<vmem>>)
      %dma_start3A_302 = arith.constant 10 : i32
      %dma_start3A_303 = arith.constant 0 : i32
      %dma_start3A_304 = tpu.memref_slice %arg9[%dma_start3A_302, %dma_start3A_303] : memref<16x128xi32, #tpu.memory_space<vmem>> -> memref<1x128xi32, #tpu.memory_space<vmem>>
      %dma_start3A_305 = tpu.memref_squeeze %dma_start3A_304 : memref<1x128xi32, #tpu.memory_space<vmem>> -> memref<128xi32, #tpu.memory_space<vmem>>
      %dma_start3A_306 = arith.constant 0 : i32
      %dma_start3A_307 = arith.constant 0 : i32
      %dma_start3A_308 = tpu.memref_slice %arg7[%dma_start3A_306, %dma_start3A_307] : memref<10240x32xf32, #tpu.memory_space<vmem_shared>> -> memref<10240x32xf32, #tpu.memory_space<vmem_shared>>
      tpu.enqueue_indirect_dma source(%arg16 : memref<128x32xf32, #tpu.memory_space<vmem>>) target(%dma_start3A_308 : memref<10240x32xf32, #tpu.memory_space<vmem_shared>>) offsets(%dma_start3A_305 : memref<128xi32, #tpu.memory_space<vmem>>) semaphore(%arg21 : memref<!tpu.dma_semaphore, #tpu.memory_space<semaphore_mem>>) {add = true}
      %dma_wait3A_309 = arith.constant 8 : i32
      %dma_wait3A_310 = arith.constant 0 : i32
      %dma_wait3A_311 = tpu.memref_slice %arg9[%dma_wait3A_309, %dma_wait3A_310] : memref<16x128xi32, #tpu.memory_space<vmem>> -> memref<1x128xi32, #tpu.memory_space<vmem>>
      %dma_wait3A_312 = tpu.memref_squeeze %dma_wait3A_311 : memref<1x128xi32, #tpu.memory_space<vmem>> -> memref<128xi32, #tpu.memory_space<vmem>>
      %dma_wait3A_313 = arith.constant 0 : i32
      %dma_wait3A_314 = arith.constant 0 : i32
      %dma_wait3A_315 = tpu.memref_slice %arg7[%dma_wait3A_313, %dma_wait3A_314] : memref<10240x32xf32, #tpu.memory_space<vmem_shared>> -> memref<10240x32xf32, #tpu.memory_space<vmem_shared>>
      tpu.wait_indirect_dma semaphore(%arg19 : memref<!tpu.dma_semaphore, #tpu.memory_space<semaphore_mem>>) src(%arg14 : memref<128x32xf32, #tpu.memory_space<vmem>>) dst(%dma_wait3A_315 : memref<10240x32xf32, #tpu.memory_space<vmem_shared>>)
      %dma_start3A_316 = arith.constant 12 : i32
      %dma_start3A_317 = arith.constant 0 : i32
      %dma_start3A_318 = tpu.memref_slice %arg18[%dma_start3A_316, %dma_start3A_317] : memref<16x128xi32, #tpu.memory_space<vmem>> -> memref<1x128xi32, #tpu.memory_space<vmem>>
      %dma_start3A_319 = tpu.memref_squeeze %dma_start3A_318 : memref<1x128xi32, #tpu.memory_space<vmem>> -> memref<128xi32, #tpu.memory_space<vmem>>
      %dma_start3A_320 = arith.constant 0 : i32
      %dma_start3A_321 = arith.constant 0 : i32
      %dma_start3A_322 = tpu.memref_slice %arg2[%dma_start3A_320, %dma_start3A_321] : memref<10240x32xf32, #tpu.memory_space<hbm>> -> memref<10240x32xf32, #tpu.memory_space<hbm>>
      tpu.enqueue_indirect_dma source(%dma_start3A_322 : memref<10240x32xf32, #tpu.memory_space<hbm>>) target(%arg14 : memref<128x32xf32, #tpu.memory_space<vmem>>) offsets(%dma_start3A_319 : memref<128xi32, #tpu.memory_space<vmem>>) semaphore(%arg10 : memref<!tpu.dma_semaphore, #tpu.memory_space<semaphore_mem>>)
      %dma_wait3A_323 = arith.constant 11 : i32
      %dma_wait3A_324 = arith.constant 0 : i32
      %dma_wait3A_325 = tpu.memref_slice %arg18[%dma_wait3A_323, %dma_wait3A_324] : memref<16x128xi32, #tpu.memory_space<vmem>> -> memref<1x128xi32, #tpu.memory_space<vmem>>
      %dma_wait3A_326 = tpu.memref_squeeze %dma_wait3A_325 : memref<1x128xi32, #tpu.memory_space<vmem>> -> memref<128xi32, #tpu.memory_space<vmem>>
      %dma_wait3A_327 = arith.constant 0 : i32
      %dma_wait3A_328 = arith.constant 0 : i32
      %dma_wait3A_329 = tpu.memref_slice %arg2[%dma_wait3A_327, %dma_wait3A_328] : memref<10240x32xf32, #tpu.memory_space<hbm>> -> memref<10240x32xf32, #tpu.memory_space<hbm>>
      tpu.wait_indirect_dma semaphore(%arg13 : memref<!tpu.dma_semaphore, #tpu.memory_space<semaphore_mem>>) src(%dma_wait3A_329 : memref<10240x32xf32, #tpu.memory_space<hbm>>) dst(%arg17 : memref<128x32xf32, #tpu.memory_space<vmem>>)
      %dma_start3A_330 = arith.constant 11 : i32
      %dma_start3A_331 = arith.constant 0 : i32
      %dma_start3A_332 = tpu.memref_slice %arg9[%dma_start3A_330, %dma_start3A_331] : memref<16x128xi32, #tpu.memory_space<vmem>> -> memref<1x128xi32, #tpu.memory_space<vmem>>
      %dma_start3A_333 = tpu.memref_squeeze %dma_start3A_332 : memref<1x128xi32, #tpu.memory_space<vmem>> -> memref<128xi32, #tpu.memory_space<vmem>>
      %dma_start3A_334 = arith.constant 0 : i32
      %dma_start3A_335 = arith.constant 0 : i32
      %dma_start3A_336 = tpu.memref_slice %arg7[%dma_start3A_334, %dma_start3A_335] : memref<10240x32xf32, #tpu.memory_space<vmem_shared>> -> memref<10240x32xf32, #tpu.memory_space<vmem_shared>>
      tpu.enqueue_indirect_dma source(%arg17 : memref<128x32xf32, #tpu.memory_space<vmem>>) target(%dma_start3A_336 : memref<10240x32xf32, #tpu.memory_space<vmem_shared>>) offsets(%dma_start3A_333 : memref<128xi32, #tpu.memory_space<vmem>>) semaphore(%arg22 : memref<!tpu.dma_semaphore, #tpu.memory_space<semaphore_mem>>) {add = true}
      %dma_wait3A_337 = arith.constant 9 : i32
      %dma_wait3A_338 = arith.constant 0 : i32
      %dma_wait3A_339 = tpu.memref_slice %arg9[%dma_wait3A_337, %dma_wait3A_338] : memref<16x128xi32, #tpu.memory_space<vmem>> -> memref<1x128xi32, #tpu.memory_space<vmem>>
      %dma_wait3A_340 = tpu.memref_squeeze %dma_wait3A_339 : memref<1x128xi32, #tpu.memory_space<vmem>> -> memref<128xi32, #tpu.memory_space<vmem>>
      %dma_wait3A_341 = arith.constant 0 : i32
      %dma_wait3A_342 = arith.constant 0 : i32
      %dma_wait3A_343 = tpu.memref_slice %arg7[%dma_wait3A_341, %dma_wait3A_342] : memref<10240x32xf32, #tpu.memory_space<vmem_shared>> -> memref<10240x32xf32, #tpu.memory_space<vmem_shared>>
      tpu.wait_indirect_dma semaphore(%arg20 : memref<!tpu.dma_semaphore, #tpu.memory_space<semaphore_mem>>) src(%arg15 : memref<128x32xf32, #tpu.memory_space<vmem>>) dst(%dma_wait3A_343 : memref<10240x32xf32, #tpu.memory_space<vmem_shared>>)
      %dma_start3A_344 = arith.constant 13 : i32
      %dma_start3A_345 = arith.constant 0 : i32
      %dma_start3A_346 = tpu.memref_slice %arg18[%dma_start3A_344, %dma_start3A_345] : memref<16x128xi32, #tpu.memory_space<vmem>> -> memref<1x128xi32, #tpu.memory_space<vmem>>
      %dma_start3A_347 = tpu.memref_squeeze %dma_start3A_346 : memref<1x128xi32, #tpu.memory_space<vmem>> -> memref<128xi32, #tpu.memory_space<vmem>>
      %dma_start3A_348 = arith.constant 0 : i32
      %dma_start3A_349 = arith.constant 0 : i32
      %dma_start3A_350 = tpu.memref_slice %arg2[%dma_start3A_348, %dma_start3A_349] : memref<10240x32xf32, #tpu.memory_space<hbm>> -> memref<10240x32xf32, #tpu.memory_space<hbm>>
      tpu.enqueue_indirect_dma source(%dma_start3A_350 : memref<10240x32xf32, #tpu.memory_space<hbm>>) target(%arg15 : memref<128x32xf32, #tpu.memory_space<vmem>>) offsets(%dma_start3A_347 : memref<128xi32, #tpu.memory_space<vmem>>) semaphore(%arg11 : memref<!tpu.dma_semaphore, #tpu.memory_space<semaphore_mem>>)
      %dma_wait3A_351 = arith.constant 12 : i32
      %dma_wait3A_352 = arith.constant 0 : i32
      %dma_wait3A_353 = tpu.memref_slice %arg18[%dma_wait3A_351, %dma_wait3A_352] : memref<16x128xi32, #tpu.memory_space<vmem>> -> memref<1x128xi32, #tpu.memory_space<vmem>>
      %dma_wait3A_354 = tpu.memref_squeeze %dma_wait3A_353 : memref<1x128xi32, #tpu.memory_space<vmem>> -> memref<128xi32, #tpu.memory_space<vmem>>
      %dma_wait3A_355 = arith.constant 0 : i32
      %dma_wait3A_356 = arith.constant 0 : i32
      %dma_wait3A_357 = tpu.memref_slice %arg2[%dma_wait3A_355, %dma_wait3A_356] : memref<10240x32xf32, #tpu.memory_space<hbm>> -> memref<10240x32xf32, #tpu.memory_space<hbm>>
      tpu.wait_indirect_dma semaphore(%arg10 : memref<!tpu.dma_semaphore, #tpu.memory_space<semaphore_mem>>) src(%dma_wait3A_357 : memref<10240x32xf32, #tpu.memory_space<hbm>>) dst(%arg14 : memref<128x32xf32, #tpu.memory_space<vmem>>)
      %dma_start3A_358 = arith.constant 12 : i32
      %dma_start3A_359 = arith.constant 0 : i32
      %dma_start3A_360 = tpu.memref_slice %arg9[%dma_start3A_358, %dma_start3A_359] : memref<16x128xi32, #tpu.memory_space<vmem>> -> memref<1x128xi32, #tpu.memory_space<vmem>>
      %dma_start3A_361 = tpu.memref_squeeze %dma_start3A_360 : memref<1x128xi32, #tpu.memory_space<vmem>> -> memref<128xi32, #tpu.memory_space<vmem>>
      %dma_start3A_362 = arith.constant 0 : i32
      %dma_start3A_363 = arith.constant 0 : i32
      %dma_start3A_364 = tpu.memref_slice %arg7[%dma_start3A_362, %dma_start3A_363] : memref<10240x32xf32, #tpu.memory_space<vmem_shared>> -> memref<10240x32xf32, #tpu.memory_space<vmem_shared>>
      tpu.enqueue_indirect_dma source(%arg14 : memref<128x32xf32, #tpu.memory_space<vmem>>) target(%dma_start3A_364 : memref<10240x32xf32, #tpu.memory_space<vmem_shared>>) offsets(%dma_start3A_361 : memref<128xi32, #tpu.memory_space<vmem>>) semaphore(%arg19 : memref<!tpu.dma_semaphore, #tpu.memory_space<semaphore_mem>>) {add = true}
      %dma_wait3A_365 = arith.constant 10 : i32
      %dma_wait3A_366 = arith.constant 0 : i32
      %dma_wait3A_367 = tpu.memref_slice %arg9[%dma_wait3A_365, %dma_wait3A_366] : memref<16x128xi32, #tpu.memory_space<vmem>> -> memref<1x128xi32, #tpu.memory_space<vmem>>
      %dma_wait3A_368 = tpu.memref_squeeze %dma_wait3A_367 : memref<1x128xi32, #tpu.memory_space<vmem>> -> memref<128xi32, #tpu.memory_space<vmem>>
      %dma_wait3A_369 = arith.constant 0 : i32
      %dma_wait3A_370 = arith.constant 0 : i32
      %dma_wait3A_371 = tpu.memref_slice %arg7[%dma_wait3A_369, %dma_wait3A_370] : memref<10240x32xf32, #tpu.memory_space<vmem_shared>> -> memref<10240x32xf32, #tpu.memory_space<vmem_shared>>
      tpu.wait_indirect_dma semaphore(%arg21 : memref<!tpu.dma_semaphore, #tpu.memory_space<semaphore_mem>>) src(%arg16 : memref<128x32xf32, #tpu.memory_space<vmem>>) dst(%dma_wait3A_371 : memref<10240x32xf32, #tpu.memory_space<vmem_shared>>)
      %dma_start3A_372 = arith.constant 14 : i32
      %dma_start3A_373 = arith.constant 0 : i32
      %dma_start3A_374 = tpu.memref_slice %arg18[%dma_start3A_372, %dma_start3A_373] : memref<16x128xi32, #tpu.memory_space<vmem>> -> memref<1x128xi32, #tpu.memory_space<vmem>>
      %dma_start3A_375 = tpu.memref_squeeze %dma_start3A_374 : memref<1x128xi32, #tpu.memory_space<vmem>> -> memref<128xi32, #tpu.memory_space<vmem>>
      %dma_start3A_376 = arith.constant 0 : i32
      %dma_start3A_377 = arith.constant 0 : i32
      %dma_start3A_378 = tpu.memref_slice %arg2[%dma_start3A_376, %dma_start3A_377] : memref<10240x32xf32, #tpu.memory_space<hbm>> -> memref<10240x32xf32, #tpu.memory_space<hbm>>
      tpu.enqueue_indirect_dma source(%dma_start3A_378 : memref<10240x32xf32, #tpu.memory_space<hbm>>) target(%arg16 : memref<128x32xf32, #tpu.memory_space<vmem>>) offsets(%dma_start3A_375 : memref<128xi32, #tpu.memory_space<vmem>>) semaphore(%arg12 : memref<!tpu.dma_semaphore, #tpu.memory_space<semaphore_mem>>)
      %dma_wait3A_379 = arith.constant 13 : i32
      %dma_wait3A_380 = arith.constant 0 : i32
      %dma_wait3A_381 = tpu.memref_slice %arg18[%dma_wait3A_379, %dma_wait3A_380] : memref<16x128xi32, #tpu.memory_space<vmem>> -> memref<1x128xi32, #tpu.memory_space<vmem>>
      %dma_wait3A_382 = tpu.memref_squeeze %dma_wait3A_381 : memref<1x128xi32, #tpu.memory_space<vmem>> -> memref<128xi32, #tpu.memory_space<vmem>>
      %dma_wait3A_383 = arith.constant 0 : i32
      %dma_wait3A_384 = arith.constant 0 : i32
      %dma_wait3A_385 = tpu.memref_slice %arg2[%dma_wait3A_383, %dma_wait3A_384] : memref<10240x32xf32, #tpu.memory_space<hbm>> -> memref<10240x32xf32, #tpu.memory_space<hbm>>
      tpu.wait_indirect_dma semaphore(%arg11 : memref<!tpu.dma_semaphore, #tpu.memory_space<semaphore_mem>>) src(%dma_wait3A_385 : memref<10240x32xf32, #tpu.memory_space<hbm>>) dst(%arg15 : memref<128x32xf32, #tpu.memory_space<vmem>>)
      %dma_start3A_386 = arith.constant 13 : i32
      %dma_start3A_387 = arith.constant 0 : i32
      %dma_start3A_388 = tpu.memref_slice %arg9[%dma_start3A_386, %dma_start3A_387] : memref<16x128xi32, #tpu.memory_space<vmem>> -> memref<1x128xi32, #tpu.memory_space<vmem>>
      %dma_start3A_389 = tpu.memref_squeeze %dma_start3A_388 : memref<1x128xi32, #tpu.memory_space<vmem>> -> memref<128xi32, #tpu.memory_space<vmem>>
      %dma_start3A_390 = arith.constant 0 : i32
      %dma_start3A_391 = arith.constant 0 : i32
      %dma_start3A_392 = tpu.memref_slice %arg7[%dma_start3A_390, %dma_start3A_391] : memref<10240x32xf32, #tpu.memory_space<vmem_shared>> -> memref<10240x32xf32, #tpu.memory_space<vmem_shared>>
      tpu.enqueue_indirect_dma source(%arg15 : memref<128x32xf32, #tpu.memory_space<vmem>>) target(%dma_start3A_392 : memref<10240x32xf32, #tpu.memory_space<vmem_shared>>) offsets(%dma_start3A_389 : memref<128xi32, #tpu.memory_space<vmem>>) semaphore(%arg20 : memref<!tpu.dma_semaphore, #tpu.memory_space<semaphore_mem>>) {add = true}
      %dma_wait3A_393 = arith.constant 11 : i32
      %dma_wait3A_394 = arith.constant 0 : i32
      %dma_wait3A_395 = tpu.memref_slice %arg9[%dma_wait3A_393, %dma_wait3A_394] : memref<16x128xi32, #tpu.memory_space<vmem>> -> memref<1x128xi32, #tpu.memory_space<vmem>>
      %dma_wait3A_396 = tpu.memref_squeeze %dma_wait3A_395 : memref<1x128xi32, #tpu.memory_space<vmem>> -> memref<128xi32, #tpu.memory_space<vmem>>
      %dma_wait3A_397 = arith.constant 0 : i32
      %dma_wait3A_398 = arith.constant 0 : i32
      %dma_wait3A_399 = tpu.memref_slice %arg7[%dma_wait3A_397, %dma_wait3A_398] : memref<10240x32xf32, #tpu.memory_space<vmem_shared>> -> memref<10240x32xf32, #tpu.memory_space<vmem_shared>>
      tpu.wait_indirect_dma semaphore(%arg22 : memref<!tpu.dma_semaphore, #tpu.memory_space<semaphore_mem>>) src(%arg17 : memref<128x32xf32, #tpu.memory_space<vmem>>) dst(%dma_wait3A_399 : memref<10240x32xf32, #tpu.memory_space<vmem_shared>>)
      %dma_start3A_400 = arith.constant 15 : i32
      %dma_start3A_401 = arith.constant 0 : i32
      %dma_start3A_402 = tpu.memref_slice %arg18[%dma_start3A_400, %dma_start3A_401] : memref<16x128xi32, #tpu.memory_space<vmem>> -> memref<1x128xi32, #tpu.memory_space<vmem>>
      %dma_start3A_403 = tpu.memref_squeeze %dma_start3A_402 : memref<1x128xi32, #tpu.memory_space<vmem>> -> memref<128xi32, #tpu.memory_space<vmem>>
      %dma_start3A_404 = arith.constant 0 : i32
      %dma_start3A_405 = arith.constant 0 : i32
      %dma_start3A_406 = tpu.memref_slice %arg2[%dma_start3A_404, %dma_start3A_405] : memref<10240x32xf32, #tpu.memory_space<hbm>> -> memref<10240x32xf32, #tpu.memory_space<hbm>>
      tpu.enqueue_indirect_dma source(%dma_start3A_406 : memref<10240x32xf32, #tpu.memory_space<hbm>>) target(%arg17 : memref<128x32xf32, #tpu.memory_space<vmem>>) offsets(%dma_start3A_403 : memref<128xi32, #tpu.memory_space<vmem>>) semaphore(%arg13 : memref<!tpu.dma_semaphore, #tpu.memory_space<semaphore_mem>>)
      %dma_wait3A_407 = arith.constant 14 : i32
      %dma_wait3A_408 = arith.constant 0 : i32
      %dma_wait3A_409 = tpu.memref_slice %arg18[%dma_wait3A_407, %dma_wait3A_408] : memref<16x128xi32, #tpu.memory_space<vmem>> -> memref<1x128xi32, #tpu.memory_space<vmem>>
      %dma_wait3A_410 = tpu.memref_squeeze %dma_wait3A_409 : memref<1x128xi32, #tpu.memory_space<vmem>> -> memref<128xi32, #tpu.memory_space<vmem>>
      %dma_wait3A_411 = arith.constant 0 : i32
      %dma_wait3A_412 = arith.constant 0 : i32
      %dma_wait3A_413 = tpu.memref_slice %arg2[%dma_wait3A_411, %dma_wait3A_412] : memref<10240x32xf32, #tpu.memory_space<hbm>> -> memref<10240x32xf32, #tpu.memory_space<hbm>>
      tpu.wait_indirect_dma semaphore(%arg12 : memref<!tpu.dma_semaphore, #tpu.memory_space<semaphore_mem>>) src(%dma_wait3A_413 : memref<10240x32xf32, #tpu.memory_space<hbm>>) dst(%arg16 : memref<128x32xf32, #tpu.memory_space<vmem>>)
      %dma_start3A_414 = arith.constant 14 : i32
      %dma_start3A_415 = arith.constant 0 : i32
      %dma_start3A_416 = tpu.memref_slice %arg9[%dma_start3A_414, %dma_start3A_415] : memref<16x128xi32, #tpu.memory_space<vmem>> -> memref<1x128xi32, #tpu.memory_space<vmem>>
      %dma_start3A_417 = tpu.memref_squeeze %dma_start3A_416 : memref<1x128xi32, #tpu.memory_space<vmem>> -> memref<128xi32, #tpu.memory_space<vmem>>
      %dma_start3A_418 = arith.constant 0 : i32
      %dma_start3A_419 = arith.constant 0 : i32
      %dma_start3A_420 = tpu.memref_slice %arg7[%dma_start3A_418, %dma_start3A_419] : memref<10240x32xf32, #tpu.memory_space<vmem_shared>> -> memref<10240x32xf32, #tpu.memory_space<vmem_shared>>
      tpu.enqueue_indirect_dma source(%arg16 : memref<128x32xf32, #tpu.memory_space<vmem>>) target(%dma_start3A_420 : memref<10240x32xf32, #tpu.memory_space<vmem_shared>>) offsets(%dma_start3A_417 : memref<128xi32, #tpu.memory_space<vmem>>) semaphore(%arg21 : memref<!tpu.dma_semaphore, #tpu.memory_space<semaphore_mem>>) {add = true}
      %dma_wait3A_421 = arith.constant 15 : i32
      %dma_wait3A_422 = arith.constant 0 : i32
      %dma_wait3A_423 = tpu.memref_slice %arg18[%dma_wait3A_421, %dma_wait3A_422] : memref<16x128xi32, #tpu.memory_space<vmem>> -> memref<1x128xi32, #tpu.memory_space<vmem>>
      %dma_wait3A_424 = tpu.memref_squeeze %dma_wait3A_423 : memref<1x128xi32, #tpu.memory_space<vmem>> -> memref<128xi32, #tpu.memory_space<vmem>>
      %dma_wait3A_425 = arith.constant 0 : i32
      %dma_wait3A_426 = arith.constant 0 : i32
      %dma_wait3A_427 = tpu.memref_slice %arg2[%dma_wait3A_425, %dma_wait3A_426] : memref<10240x32xf32, #tpu.memory_space<hbm>> -> memref<10240x32xf32, #tpu.memory_space<hbm>>
      tpu.wait_indirect_dma semaphore(%arg13 : memref<!tpu.dma_semaphore, #tpu.memory_space<semaphore_mem>>) src(%dma_wait3A_427 : memref<10240x32xf32, #tpu.memory_space<hbm>>) dst(%arg17 : memref<128x32xf32, #tpu.memory_space<vmem>>)
      %dma_start3A_428 = arith.constant 15 : i32
      %dma_start3A_429 = arith.constant 0 : i32
      %dma_start3A_430 = tpu.memref_slice %arg9[%dma_start3A_428, %dma_start3A_429] : memref<16x128xi32, #tpu.memory_space<vmem>> -> memref<1x128xi32, #tpu.memory_space<vmem>>
      %dma_start3A_431 = tpu.memref_squeeze %dma_start3A_430 : memref<1x128xi32, #tpu.memory_space<vmem>> -> memref<128xi32, #tpu.memory_space<vmem>>
      %dma_start3A_432 = arith.constant 0 : i32
      %dma_start3A_433 = arith.constant 0 : i32
      %dma_start3A_434 = tpu.memref_slice %arg7[%dma_start3A_432, %dma_start3A_433] : memref<10240x32xf32, #tpu.memory_space<vmem_shared>> -> memref<10240x32xf32, #tpu.memory_space<vmem_shared>>
      tpu.enqueue_indirect_dma source(%arg17 : memref<128x32xf32, #tpu.memory_space<vmem>>) target(%dma_start3A_434 : memref<10240x32xf32, #tpu.memory_space<vmem_shared>>) offsets(%dma_start3A_431 : memref<128xi32, #tpu.memory_space<vmem>>) semaphore(%arg22 : memref<!tpu.dma_semaphore, #tpu.memory_space<semaphore_mem>>) {add = true}
      %dma_wait3A_435 = arith.constant 12 : i32
      %dma_wait3A_436 = arith.constant 0 : i32
      %dma_wait3A_437 = tpu.memref_slice %arg9[%dma_wait3A_435, %dma_wait3A_436] : memref<16x128xi32, #tpu.memory_space<vmem>> -> memref<1x128xi32, #tpu.memory_space<vmem>>
      %dma_wait3A_438 = tpu.memref_squeeze %dma_wait3A_437 : memref<1x128xi32, #tpu.memory_space<vmem>> -> memref<128xi32, #tpu.memory_space<vmem>>
      %dma_wait3A_439 = arith.constant 0 : i32
      %dma_wait3A_440 = arith.constant 0 : i32
      %dma_wait3A_441 = tpu.memref_slice %arg7[%dma_wait3A_439, %dma_wait3A_440] : memref<10240x32xf32, #tpu.memory_space<vmem_shared>> -> memref<10240x32xf32, #tpu.memory_space<vmem_shared>>
      tpu.wait_indirect_dma semaphore(%arg19 : memref<!tpu.dma_semaphore, #tpu.memory_space<semaphore_mem>>) src(%arg14 : memref<128x32xf32, #tpu.memory_space<vmem>>) dst(%dma_wait3A_441 : memref<10240x32xf32, #tpu.memory_space<vmem_shared>>)
      %dma_wait3A_442 = arith.constant 13 : i32
      %dma_wait3A_443 = arith.constant 0 : i32
      %dma_wait3A_444 = tpu.memref_slice %arg9[%dma_wait3A_442, %dma_wait3A_443] : memref<16x128xi32, #tpu.memory_space<vmem>> -> memref<1x128xi32, #tpu.memory_space<vmem>>
      %dma_wait3A_445 = tpu.memref_squeeze %dma_wait3A_444 : memref<1x128xi32, #tpu.memory_space<vmem>> -> memref<128xi32, #tpu.memory_space<vmem>>
      %dma_wait3A_446 = arith.constant 0 : i32
      %dma_wait3A_447 = arith.constant 0 : i32
      %dma_wait3A_448 = tpu.memref_slice %arg7[%dma_wait3A_446, %dma_wait3A_447] : memref<10240x32xf32, #tpu.memory_space<vmem_shared>> -> memref<10240x32xf32, #tpu.memory_space<vmem_shared>>
      tpu.wait_indirect_dma semaphore(%arg20 : memref<!tpu.dma_semaphore, #tpu.memory_space<semaphore_mem>>) src(%arg15 : memref<128x32xf32, #tpu.memory_space<vmem>>) dst(%dma_wait3A_448 : memref<10240x32xf32, #tpu.memory_space<vmem_shared>>)
      %dma_wait3A_449 = arith.constant 14 : i32
      %dma_wait3A_450 = arith.constant 0 : i32
      %dma_wait3A_451 = tpu.memref_slice %arg9[%dma_wait3A_449, %dma_wait3A_450] : memref<16x128xi32, #tpu.memory_space<vmem>> -> memref<1x128xi32, #tpu.memory_space<vmem>>
      %dma_wait3A_452 = tpu.memref_squeeze %dma_wait3A_451 : memref<1x128xi32, #tpu.memory_space<vmem>> -> memref<128xi32, #tpu.memory_space<vmem>>
      %dma_wait3A_453 = arith.constant 0 : i32
      %dma_wait3A_454 = arith.constant 0 : i32
      %dma_wait3A_455 = tpu.memref_slice %arg7[%dma_wait3A_453, %dma_wait3A_454] : memref<10240x32xf32, #tpu.memory_space<vmem_shared>> -> memref<10240x32xf32, #tpu.memory_space<vmem_shared>>
      tpu.wait_indirect_dma semaphore(%arg21 : memref<!tpu.dma_semaphore, #tpu.memory_space<semaphore_mem>>) src(%arg16 : memref<128x32xf32, #tpu.memory_space<vmem>>) dst(%dma_wait3A_455 : memref<10240x32xf32, #tpu.memory_space<vmem_shared>>)
      %dma_wait3A_456 = arith.constant 15 : i32
      %dma_wait3A_457 = arith.constant 0 : i32
      %dma_wait3A_458 = tpu.memref_slice %arg9[%dma_wait3A_456, %dma_wait3A_457] : memref<16x128xi32, #tpu.memory_space<vmem>> -> memref<1x128xi32, #tpu.memory_space<vmem>>
      %dma_wait3A_459 = tpu.memref_squeeze %dma_wait3A_458 : memref<1x128xi32, #tpu.memory_space<vmem>> -> memref<128xi32, #tpu.memory_space<vmem>>
      %dma_wait3A_460 = arith.constant 0 : i32
      %dma_wait3A_461 = arith.constant 0 : i32
      %dma_wait3A_462 = tpu.memref_slice %arg7[%dma_wait3A_460, %dma_wait3A_461] : memref<10240x32xf32, #tpu.memory_space<vmem_shared>> -> memref<10240x32xf32, #tpu.memory_space<vmem_shared>>
      tpu.wait_indirect_dma semaphore(%arg22 : memref<!tpu.dma_semaphore, #tpu.memory_space<semaphore_mem>>) src(%arg17 : memref<128x32xf32, #tpu.memory_space<vmem>>) dst(%dma_wait3A_462 : memref<10240x32xf32, #tpu.memory_space<vmem_shared>>)
    }
    %scan3A_7 = arith.constant 5 : i32
    %barrier3A_8 = arith.constant 0 : index
    tpu.barrier barrier_id(%barrier3A_8)
    %mul3A_9 = arith.constant 640 : i32
    %mul3A_10 = arith.muli %arg1, %mul3A_9 : i32
    %mul3A_11 = arith.constant 10240 : i32
    %mul3A_12 = arith.muli %arg0, %mul3A_11 : i32
    %mul3A_13 = arith.constant 640 : i32
    %mul3A_14 = arith.muli %arg1, %mul3A_13 : i32
    %add3A_15 = arith.addi %mul3A_12, %mul3A_14 : i32
    "tpu.region"() ({
      %run_scoped3A = tpu.sem_alloc : memref<!tpu.dma_semaphore, #tpu.memory_space<semaphore_mem>>
      %dma_start3A = arith.constant 0 : i32
      %dma_start3A_16 = tpu.memref_slice %arg6[%add3A_15, %dma_start3A] : memref<20480x32xf32, #tpu.memory_space<hbm>> -> memref<640x32xf32, #tpu.memory_space<hbm>>
      %dma_start3A_17 = arith.constant 0 : i32
      %dma_start3A_18 = tpu.memref_slice %arg7[%mul3A_10, %dma_start3A_17] : memref<10240x32xf32, #tpu.memory_space<vmem_shared>> -> memref<640x32xf32, #tpu.memory_space<vmem_shared>>
      tpu.enqueue_dma source(%dma_start3A_18 : memref<640x32xf32, #tpu.memory_space<vmem_shared>>) target(%dma_start3A_16 : memref<640x32xf32, #tpu.memory_space<hbm>>) target_semaphore(%run_scoped3A : memref<!tpu.dma_semaphore, #tpu.memory_space<semaphore_mem>>)
      %dma_wait3A = arith.constant 0 : i32
      %dma_wait3A_19 = tpu.memref_slice %arg6[%add3A_15, %dma_wait3A] : memref<20480x32xf32, #tpu.memory_space<hbm>> -> memref<640x32xf32, #tpu.memory_space<hbm>>
      %dma_wait3A_20 = arith.constant 0 : i32
      %dma_wait3A_21 = tpu.memref_slice %arg7[%mul3A_10, %dma_wait3A_20] : memref<10240x32xf32, #tpu.memory_space<vmem_shared>> -> memref<640x32xf32, #tpu.memory_space<vmem_shared>>
      tpu.wait_dma2 semaphore(%run_scoped3A : memref<!tpu.dma_semaphore, #tpu.memory_space<semaphore_mem>>) src(%dma_wait3A_21 : memref<640x32xf32, #tpu.memory_space<vmem_shared>>) dst(%dma_wait3A_19 : memref<640x32xf32, #tpu.memory_space<hbm>>)
      tpu.yield
    }) : () -> ()
    return
  }
}

module attributes {stable_mosaic.version = 14 : i64} {
  func.func @_tc1_body(%arg0: i32, %arg1: memref<1x1024x128xf32, #tpu.memory_space<vmem>>, %arg2: memref<1x1024x128xf32, #tpu.memory_space<vmem>>, %arg3: memref<1024xf32, #tpu.memory_space<vmem>>, %arg4: memref<1024xf32, #tpu.memory_space<vmem>>, %arg5: memref<1024x128xf32, #tpu.memory_space<vmem>>, %arg6: memref<128x128xf32, #tpu.memory_space<vmem>>, %arg7: memref<1x128xf32, #tpu.memory_space<vmem>>, %arg8: memref<128x128xf32, #tpu.memory_space<vmem>>, %arg9: memref<32x128xf32, #tpu.memory_space<vmem>>, %arg10: memref<1024x128xf32, #tpu.memory_space<vmem>>, %arg11: memref<1024x32xf32, #tpu.memory_space<vmem>>) attributes {dimension_semantics = [#tpu.dimension_semantics<arbitrary>], iteration_bounds = array<i64: 10>, scalar_prefetch = 0 : i64, scratch_operands = 0 : i64, tpu.core_type = #tpu.core_type<tc>, window_params = [{transform_indices = @transform_0, window_bounds = array<i64: 1, 1024, 128>}, {transform_indices = @transform_1, window_bounds = array<i64: 1, 1024, 128>}, {transform_indices = @transform_2, window_bounds = array<i64: 1024>}, {transform_indices = @transform_3, window_bounds = array<i64: 1024>}, {transform_indices = @transform_4, window_bounds = array<i64: 1024, 128>}, {pipeline_mode = #tpu.pipeline_mode<synchronous>, transform_indices = @transform_5, window_bounds = array<i64: 128, 128>}, {pipeline_mode = #tpu.pipeline_mode<synchronous>, transform_indices = @transform_6, window_bounds = array<i64: 1, 128>}, {pipeline_mode = #tpu.pipeline_mode<synchronous>, transform_indices = @transform_7, window_bounds = array<i64: 128, 128>}, {pipeline_mode = #tpu.pipeline_mode<synchronous>, transform_indices = @transform_8, window_bounds = array<i64: 32, 128>}, {transform_indices = @transform_9, window_bounds = array<i64: 1024, 128>}, {transform_indices = @transform_10, window_bounds = array<i64: 1024, 32>}]} {
    %get3A = arith.constant 0 : index
    %get3A_0 = arith.constant 0 : index
    %get3A_1 = arith.constant 0 : index
    %get3A_2 = vector.load %arg1[%get3A, %get3A_0, %get3A_1] : memref<1x1024x128xf32, #tpu.memory_space<vmem>>, vector<1x1024x128xf32>
    %get3A_3 = vector.shape_cast %get3A_2 : vector<1x1024x128xf32> to vector<1024x128xf32>
    %get3A_4 = arith.constant 0 : index
    %get3A_5 = arith.constant 0 : index
    %get3A_6 = arith.constant 0 : index
    %get3A_7 = vector.load %arg2[%get3A_4, %get3A_5, %get3A_6] : memref<1x1024x128xf32, #tpu.memory_space<vmem>>, vector<1x1024x128xf32>
    %get3A_8 = vector.shape_cast %get3A_7 : vector<1x1024x128xf32> to vector<1024x128xf32>
    %add3A = arith.addf %get3A_3, %get3A_8 : vector<1024x128xf32>
    %get3A_9 = arith.constant 0 : index
    %get3A_10 = vector.load %arg3[%get3A_9] : memref<1024xf32, #tpu.memory_space<vmem>>, vector<1024xf32>
    %get3A_11 = arith.constant 0 : index
    %get3A_12 = vector.load %arg4[%get3A_11] : memref<1024xf32, #tpu.memory_space<vmem>>, vector<1024xf32>
    %add3A_13 = arith.addf %get3A_10, %get3A_12 : vector<1024xf32>
    %max3A = arith.constant 1.000000e+00 : f32
    %max3A_14 = vector.broadcast %max3A : f32 to vector<1024xf32>
    %max3A_15 = arith.maximumf %add3A_13, %max3A_14 : vector<1024xf32>
    %broadcast_in_dim3A = vector.shape_cast %max3A_15 : vector<1024xf32> to vector<1024x1xf32>
    %div3A = vector.broadcast %broadcast_in_dim3A : vector<1024x1xf32> to vector<1024x128xf32>
    %div3A_16 = arith.divf %add3A, %div3A : vector<1024x128xf32>
    %get3A_17 = arith.constant 0 : index
    %get3A_18 = arith.constant 0 : index
    %get3A_19 = vector.load %arg6[%get3A_17, %get3A_18] : memref<128x128xf32, #tpu.memory_space<vmem>>, vector<128x128xf32>
    %dot_general3A = arith.constant dense<0.000000e+00> : vector<1024x128xf32>
    %dot_general3A_20 = tpu.matmul %div3A_16, %get3A_19, %dot_general3A {dimension_numbers = #tpu.dot_dimension_numbers<[1], [1], [0], [0], [0, 0, 1, 0], [], []>, transpose_lhs_hint = false} : vector<1024x128xf32>, vector<128x128xf32>, vector<1024x128xf32> -> vector<1024x128xf32>
    %get3A_21 = arith.constant 0 : index
    %get3A_22 = arith.constant 0 : index
    %get3A_23 = vector.load %arg7[%get3A_21, %get3A_22] : memref<1x128xf32, #tpu.memory_space<vmem>>, vector<1x128xf32>
    %add3A_24 = vector.broadcast %get3A_23 : vector<1x128xf32> to vector<1024x128xf32>
    %add3A_25 = arith.addf %dot_general3A_20, %add3A_24 : vector<1024x128xf32>
    %get3A_26 = arith.constant 0 : index
    %get3A_27 = arith.constant 0 : index
    %get3A_28 = vector.load %arg5[%get3A_26, %get3A_27] : memref<1024x128xf32, #tpu.memory_space<vmem>>, vector<1024x128xf32>
    %get3A_29 = arith.constant 0 : index
    %get3A_30 = arith.constant 0 : index
    %get3A_31 = vector.load %arg8[%get3A_29, %get3A_30] : memref<128x128xf32, #tpu.memory_space<vmem>>, vector<128x128xf32>
    %dot_general3A_32 = arith.constant dense<0.000000e+00> : vector<1024x128xf32>
    %dot_general3A_33 = tpu.matmul %get3A_28, %get3A_31, %dot_general3A_32 {dimension_numbers = #tpu.dot_dimension_numbers<[1], [1], [0], [0], [0, 0, 1, 0], [], []>, transpose_lhs_hint = false} : vector<1024x128xf32>, vector<128x128xf32>, vector<1024x128xf32> -> vector<1024x128xf32>
    %add3A_34 = arith.addf %add3A_25, %dot_general3A_33 : vector<1024x128xf32>
    %max3A_35 = arith.constant 0.000000e+00 : f32
    %max3A_36 = vector.broadcast %max3A_35 : f32 to vector<1024x128xf32>
    %max3A_37 = arith.maximumf %add3A_34, %max3A_36 : vector<1024x128xf32>
    %swap3A = arith.constant 0 : index
    %swap3A_38 = arith.constant 0 : index
    %swap3A_39 = vector.load %arg10[%swap3A, %swap3A_38] : memref<1024x128xf32, #tpu.memory_space<vmem>>, vector<1024x128xf32>
    tpu.vector_store %arg10[%swap3A, %swap3A_38], %max3A_37 {strides = array<i32>} : memref<1024x128xf32, #tpu.memory_space<vmem>>, vector<1024x128xf32>,
    %get3A_40 = arith.constant 0 : index
    %get3A_41 = arith.constant 0 : index
    %get3A_42 = vector.load %arg9[%get3A_40, %get3A_41] : memref<32x128xf32, #tpu.memory_space<vmem>>, vector<32x128xf32>
    %dot_general3A_43 = arith.constant dense<0.000000e+00> : vector<1024x32xf32>
    %dot_general3A_44 = tpu.matmul %max3A_37, %get3A_42, %dot_general3A_43 {dimension_numbers = #tpu.dot_dimension_numbers<[1], [1], [0], [0], [0, 0, 1, 0], [], []>, transpose_lhs_hint = false} : vector<1024x128xf32>, vector<32x128xf32>, vector<1024x32xf32> -> vector<1024x32xf32>
    %swap3A_45 = arith.constant 0 : index
    %swap3A_46 = arith.constant 0 : index
    %swap3A_47 = vector.load %arg11[%swap3A_45, %swap3A_46] : memref<1024x32xf32, #tpu.memory_space<vmem>>, vector<1024x32xf32>
    tpu.vector_store %arg11[%swap3A_45, %swap3A_46], %dot_general3A_44 {strides = array<i32>} : memref<1024x32xf32, #tpu.memory_space<vmem>>, vector<1024x32xf32>,
    return
  }
  func.func @transform_0(%arg0: i32) -> (i32, i32, i32) {
    %c0_i32 = arith.constant 0 : i32
    %c0_i32_0 = arith.constant 0 : i32
    %c0_i32_1 = arith.constant 0 : i32
    return %c0_i32, %arg0, %c0_i32_0 : i32, i32, i32
  }
  func.func @transform_1(%arg0: i32) -> (i32, i32, i32) {
    %c1_i32 = arith.constant 1 : i32
    %c0_i32 = arith.constant 0 : i32
    %c0_i32_0 = arith.constant 0 : i32
    return %c1_i32, %arg0, %c0_i32 : i32, i32, i32
  }
  func.func @transform_2(%arg0: i32) -> i32 {
    %c0_i32 = arith.constant 0 : i32
    return %arg0 : i32
  }
  func.func @transform_3(%arg0: i32) -> i32 {
    %add3A = arith.constant 10 : i32
    %add3A_0 = arith.addi %add3A, %arg0 : i32
    %c0_i32 = arith.constant 0 : i32
    return %add3A_0 : i32
  }
  func.func @transform_4(%arg0: i32) -> (i32, i32) {
    %c0_i32 = arith.constant 0 : i32
    %c0_i32_0 = arith.constant 0 : i32
    return %arg0, %c0_i32 : i32, i32
  }
  func.func @transform_5(%arg0: i32) -> (i32, i32) {
    %c0_i32 = arith.constant 0 : i32
    %c0_i32_0 = arith.constant 0 : i32
    %c0_i32_1 = arith.constant 0 : i32
    return %c0_i32, %c0_i32_0 : i32, i32
  }
  func.func @transform_6(%arg0: i32) -> (i32, i32) {
    %c0_i32 = arith.constant 0 : i32
    %c0_i32_0 = arith.constant 0 : i32
    %c0_i32_1 = arith.constant 0 : i32
    return %c0_i32, %c0_i32_0 : i32, i32
  }
  func.func @transform_7(%arg0: i32) -> (i32, i32) {
    %c0_i32 = arith.constant 0 : i32
    %c0_i32_0 = arith.constant 0 : i32
    %c0_i32_1 = arith.constant 0 : i32
    return %c0_i32, %c0_i32_0 : i32, i32
  }
  func.func @transform_8(%arg0: i32) -> (i32, i32) {
    %c0_i32 = arith.constant 0 : i32
    %c0_i32_0 = arith.constant 0 : i32
    %c0_i32_1 = arith.constant 0 : i32
    return %c0_i32, %c0_i32_0 : i32, i32
  }
  func.func @transform_9(%arg0: i32) -> (i32, i32) {
    %c0_i32 = arith.constant 0 : i32
    %c0_i32_0 = arith.constant 0 : i32
    return %arg0, %c0_i32 : i32, i32
  }
  func.func @transform_10(%arg0: i32) -> (i32, i32) {
    %c0_i32 = arith.constant 0 : i32
    %c0_i32_0 = arith.constant 0 : i32
    return %arg0, %c0_i32 : i32, i32
  }
}

module attributes {stable_mosaic.version = 14 : i64} {
  func.func @_tc2_body(%arg0: i32, %arg1: memref<1x1024x32xf32, #tpu.memory_space<vmem>>, %arg2: memref<1x1024x32xf32, #tpu.memory_space<vmem>>, %arg3: memref<1024xf32, #tpu.memory_space<vmem>>, %arg4: memref<1024xf32, #tpu.memory_space<vmem>>, %arg5: memref<1024x128xf32, #tpu.memory_space<vmem>>, %arg6: memref<32x128xf32, #tpu.memory_space<vmem>>, %arg7: memref<1x32xf32, #tpu.memory_space<vmem>>, %arg8: memref<16x32xf32, #tpu.memory_space<vmem>>, %arg9: memref<1x16xf32, #tpu.memory_space<vmem>>, %arg10: memref<1x16xf32, #tpu.memory_space<vmem>>, %arg11: memref<1x32xf32, #tpu.memory_space<vmem>>) attributes {dimension_semantics = [#tpu.dimension_semantics<arbitrary>], iteration_bounds = array<i64: 10>, scalar_prefetch = 0 : i64, scratch_operands = 1 : i64, tpu.core_type = #tpu.core_type<tc>, window_params = [{transform_indices = @transform_0, window_bounds = array<i64: 1, 1024, 32>}, {transform_indices = @transform_1, window_bounds = array<i64: 1, 1024, 32>}, {transform_indices = @transform_2, window_bounds = array<i64: 1024>}, {transform_indices = @transform_3, window_bounds = array<i64: 1024>}, {transform_indices = @transform_4, window_bounds = array<i64: 1024, 128>}, {pipeline_mode = #tpu.pipeline_mode<synchronous>, transform_indices = @transform_5, window_bounds = array<i64: 32, 128>}, {pipeline_mode = #tpu.pipeline_mode<synchronous>, transform_indices = @transform_6, window_bounds = array<i64: 1, 32>}, {pipeline_mode = #tpu.pipeline_mode<synchronous>, transform_indices = @transform_7, window_bounds = array<i64: 16, 32>}, {pipeline_mode = #tpu.pipeline_mode<synchronous>, transform_indices = @transform_8, window_bounds = array<i64: 1, 16>}, {pipeline_mode = #tpu.pipeline_mode<synchronous>, transform_indices = @transform_9, window_bounds = array<i64: 1, 16>}]} {
    %get3A = arith.constant 0 : index
    %get3A_0 = arith.constant 0 : index
    %get3A_1 = arith.constant 0 : index
    %get3A_2 = vector.load %arg1[%get3A, %get3A_0, %get3A_1] : memref<1x1024x32xf32, #tpu.memory_space<vmem>>, vector<1x1024x32xf32>
    %get3A_3 = vector.shape_cast %get3A_2 : vector<1x1024x32xf32> to vector<1024x32xf32>
    %get3A_4 = arith.constant 0 : index
    %get3A_5 = arith.constant 0 : index
    %get3A_6 = arith.constant 0 : index
    %get3A_7 = vector.load %arg2[%get3A_4, %get3A_5, %get3A_6] : memref<1x1024x32xf32, #tpu.memory_space<vmem>>, vector<1x1024x32xf32>
    %get3A_8 = vector.shape_cast %get3A_7 : vector<1x1024x32xf32> to vector<1024x32xf32>
    %add3A = arith.addf %get3A_3, %get3A_8 : vector<1024x32xf32>
    %get3A_9 = arith.constant 0 : index
    %get3A_10 = vector.load %arg3[%get3A_9] : memref<1024xf32, #tpu.memory_space<vmem>>, vector<1024xf32>
    %get3A_11 = arith.constant 0 : index
    %get3A_12 = vector.load %arg4[%get3A_11] : memref<1024xf32, #tpu.memory_space<vmem>>, vector<1024xf32>
    %add3A_13 = arith.addf %get3A_10, %get3A_12 : vector<1024xf32>
    %max3A = arith.constant 1.000000e+00 : f32
    %max3A_14 = vector.broadcast %max3A : f32 to vector<1024xf32>
    %max3A_15 = arith.maximumf %add3A_13, %max3A_14 : vector<1024xf32>
    %broadcast_in_dim3A = vector.shape_cast %max3A_15 : vector<1024xf32> to vector<1024x1xf32>
    %div3A = vector.broadcast %broadcast_in_dim3A : vector<1024x1xf32> to vector<1024x32xf32>
    %div3A_16 = arith.divf %add3A, %div3A : vector<1024x32xf32>
    %get3A_17 = arith.constant 0 : index
    %get3A_18 = arith.constant 0 : index
    %get3A_19 = vector.load %arg7[%get3A_17, %get3A_18] : memref<1x32xf32, #tpu.memory_space<vmem>>, vector<1x32xf32>
    %add3A_20 = vector.broadcast %get3A_19 : vector<1x32xf32> to vector<1024x32xf32>
    %add3A_21 = arith.addf %div3A_16, %add3A_20 : vector<1024x32xf32>
    %get3A_22 = arith.constant 0 : index
    %get3A_23 = arith.constant 0 : index
    %get3A_24 = vector.load %arg5[%get3A_22, %get3A_23] : memref<1024x128xf32, #tpu.memory_space<vmem>>, vector<1024x128xf32>
    %get3A_25 = arith.constant 0 : index
    %get3A_26 = arith.constant 0 : index
    %get3A_27 = vector.load %arg6[%get3A_25, %get3A_26] : memref<32x128xf32, #tpu.memory_space<vmem>>, vector<32x128xf32>
    %dot_general3A = arith.constant dense<0.000000e+00> : vector<1024x32xf32>
    %dot_general3A_28 = tpu.matmul %get3A_24, %get3A_27, %dot_general3A {dimension_numbers = #tpu.dot_dimension_numbers<[1], [1], [0], [0], [0, 0, 1, 0], [], []>, transpose_lhs_hint = false} : vector<1024x128xf32>, vector<32x128xf32>, vector<1024x32xf32> -> vector<1024x32xf32>
    %add3A_29 = arith.addf %add3A_21, %dot_general3A_28 : vector<1024x32xf32>
    %max3A_30 = arith.constant 0.000000e+00 : f32
    %max3A_31 = vector.broadcast %max3A_30 : f32 to vector<1024x32xf32>
    %max3A_32 = arith.maximumf %add3A_29, %max3A_31 : vector<1024x32xf32>
    %mul3A = arith.constant 1024 : i32
    %mul3A_33 = arith.muli %arg0, %mul3A : i32
    %iota3A = tpu.iota {dimensions = array<i32: 0>} : vector<1024x1xi32>
    %add3A_34 = vector.broadcast %mul3A_33 : i32 to vector<1024x1xi32>
    %add3A_35 = arith.addi %add3A_34, %iota3A : vector<1024x1xi32>
    %lt3A = arith.constant 10000 : i32
    %lt3A_36 = vector.broadcast %lt3A : i32 to vector<1024x1xi32>
    %lt3A_37 = arith.cmpi slt, %add3A_35, %lt3A_36 : vector<1024x1xi32>
    %jit3A = arith.constant 0.000000e+00 : f32
    %broadcast_in_dim3A_38 = vector.shape_cast %lt3A_37 : vector<1024x1xi1> to vector<1024x1xi1>
    %broadcast_in_dim3A_39 = vector.broadcast %broadcast_in_dim3A_38 : vector<1024x1xi1> to vector<1024x32xi1>
    %broadcast_in_dim3A_40 = vector.broadcast %jit3A : f32 to vector<1024x32xf32>
    %select_n3A = arith.select %broadcast_in_dim3A_39, %max3A_32, %broadcast_in_dim3A_40 : vector<1024x32xi1>, vector<1024x32xf32>
    %reduce_sum3A = arith.constant dense<0.000000e+00> : vector<32xf32>
    %reduce_sum3A_41 = vector.multi_reduction <add>, %select_n3A, %reduce_sum3A [0] : vector<1024x32xf32> to vector<32xf32>
    %broadcast_in_dim3A_42 = vector.shape_cast %reduce_sum3A_41 : vector<32xf32> to vector<1x32xf32>
    %eq3A = arith.constant 0 : i32
    %eq3A_43 = arith.cmpi eq, %arg0, %eq3A : i32
    %convert_element_type3A = arith.extui %eq3A_43 : i1 to i32
    %cond3A = arith.constant 0 : i32
    %cond3A_44 = arith.cmpi ne, %convert_element_type3A, %cond3A : i32
    scf.if %cond3A_44 {
      %swap3A = arith.constant 0 : index
      %swap3A_54 = arith.constant 0 : index
      %swap3A_55 = vector.load %arg11[%swap3A, %swap3A_54] : memref<1x32xf32, #tpu.memory_space<vmem>>, vector<1x32xf32>
      tpu.vector_store %arg11[%swap3A, %swap3A_54], %broadcast_in_dim3A_42 {strides = array<i32>} : memref<1x32xf32, #tpu.memory_space<vmem>>, vector<1x32xf32>,
    } else {
    }
    %gt3A = arith.constant 0 : i32
    %gt3A_45 = arith.cmpi sgt, %arg0, %gt3A : i32
    %convert_element_type3A_46 = arith.extui %gt3A_45 : i1 to i32
    %cond3A_47 = arith.constant 0 : i32
    %cond3A_48 = arith.cmpi ne, %convert_element_type3A_46, %cond3A_47 : i32
    scf.if %cond3A_48 {
      %get3A_54 = arith.constant 0 : index
      %get3A_55 = arith.constant 0 : index
      %get3A_56 = vector.load %arg11[%get3A_54, %get3A_55] : memref<1x32xf32, #tpu.memory_space<vmem>>, vector<1x32xf32>
      %add3A_57 = arith.addf %get3A_56, %broadcast_in_dim3A_42 : vector<1x32xf32>
      %swap3A = arith.constant 0 : index
      %swap3A_58 = arith.constant 0 : index
      %swap3A_59 = vector.load %arg11[%swap3A, %swap3A_58] : memref<1x32xf32, #tpu.memory_space<vmem>>, vector<1x32xf32>
      tpu.vector_store %arg11[%swap3A, %swap3A_58], %add3A_57 {strides = array<i32>} : memref<1x32xf32, #tpu.memory_space<vmem>>, vector<1x32xf32>,
    } else {
    }
    %eq3A_49 = arith.constant 9 : i32
    %eq3A_50 = arith.cmpi eq, %arg0, %eq3A_49 : i32
    %convert_element_type3A_51 = arith.extui %eq3A_50 : i1 to i32
    %cond3A_52 = arith.constant 0 : i32
    %cond3A_53 = arith.cmpi ne, %convert_element_type3A_51, %cond3A_52 : i32
    scf.if %cond3A_53 {
      %get3A_54 = arith.constant 0 : index
      %get3A_55 = arith.constant 0 : index
      %get3A_56 = vector.load %arg11[%get3A_54, %get3A_55] : memref<1x32xf32, #tpu.memory_space<vmem>>, vector<1x32xf32>
      %div3A_57 = arith.constant 1.000000e+04 : f32
      %div3A_58 = vector.broadcast %div3A_57 : f32 to vector<1x32xf32>
      %div3A_59 = arith.divf %get3A_56, %div3A_58 : vector<1x32xf32>
      %get3A_60 = arith.constant 0 : index
      %get3A_61 = arith.constant 0 : index
      %get3A_62 = vector.load %arg8[%get3A_60, %get3A_61] : memref<16x32xf32, #tpu.memory_space<vmem>>, vector<16x32xf32>
      %dot_general3A_63 = arith.constant dense<0.000000e+00> : vector<1x16xf32>
      %dot_general3A_64 = tpu.matmul %div3A_59, %get3A_62, %dot_general3A_63 {dimension_numbers = #tpu.dot_dimension_numbers<[1], [1], [0], [0], [0, 0, 1, 0], [], []>, transpose_lhs_hint = false} : vector<1x32xf32>, vector<16x32xf32>, vector<1x16xf32> -> vector<1x16xf32>
      %get3A_65 = arith.constant 0 : index
      %get3A_66 = arith.constant 0 : index
      %get3A_67 = vector.load %arg9[%get3A_65, %get3A_66] : memref<1x16xf32, #tpu.memory_space<vmem>>, vector<1x16xf32>
      %add3A_68 = arith.addf %dot_general3A_64, %get3A_67 : vector<1x16xf32>
      %reduce_max3A = vector.shape_cast %add3A_68 : vector<1x16xf32> to vector<1x1x16xf32>
      %reduce_max3A_69 = arith.constant dense<0xFF800000> : vector<1xf32>
      %reduce_max3A_70 = vector.multi_reduction <maximumf>, %reduce_max3A, %reduce_max3A_69 [1, 2] : vector<1x1x16xf32> to vector<1xf32>
      %reduce_max3A_71 = vector.shape_cast %reduce_max3A_70 : vector<1xf32> to vector<1x1x1xf32>
      %reduce_max3A_72 = vector.extract %reduce_max3A_71[0, 0, 0] : f32 from vector<1x1x1xf32>
      %sub3A = vector.broadcast %reduce_max3A_72 : f32 to vector<1x16xf32>
      %sub3A_73 = arith.subf %add3A_68, %sub3A : vector<1x16xf32>
      %exp3A = math.exp %sub3A_73 : vector<1x16xf32>
      %reduce_sum3A_74 = vector.shape_cast %exp3A : vector<1x16xf32> to vector<1x1x16xf32>
      %reduce_sum3A_75 = arith.constant dense<0.000000e+00> : vector<1xf32>
      %reduce_sum3A_76 = vector.multi_reduction <add>, %reduce_sum3A_74, %reduce_sum3A_75 [1, 2] : vector<1x1x16xf32> to vector<1xf32>
      %reduce_sum3A_77 = vector.shape_cast %reduce_sum3A_76 : vector<1xf32> to vector<1x1x1xf32>
      %reduce_sum3A_78 = vector.extract %reduce_sum3A_77[0, 0, 0] : f32 from vector<1x1x1xf32>
      %div3A_79 = vector.broadcast %reduce_sum3A_78 : f32 to vector<1x16xf32>
      %div3A_80 = arith.divf %exp3A, %div3A_79 : vector<1x16xf32>
      %swap3A = arith.constant 0 : index
      %swap3A_81 = arith.constant 0 : index
      %swap3A_82 = vector.load %arg10[%swap3A, %swap3A_81] : memref<1x16xf32, #tpu.memory_space<vmem>>, vector<1x16xf32>
      tpu.vector_store %arg10[%swap3A, %swap3A_81], %div3A_80 {strides = array<i32>} : memref<1x16xf32, #tpu.memory_space<vmem>>, vector<1x16xf32>,
    } else {
    }
    return
  }
  func.func @transform_0(%arg0: i32) -> (i32, i32, i32) {
    %c0_i32 = arith.constant 0 : i32
    %c0_i32_0 = arith.constant 0 : i32
    %c0_i32_1 = arith.constant 0 : i32
    return %c0_i32, %arg0, %c0_i32_0 : i32, i32, i32
  }
  func.func @transform_1(%arg0: i32) -> (i32, i32, i32) {
    %c1_i32 = arith.constant 1 : i32
    %c0_i32 = arith.constant 0 : i32
    %c0_i32_0 = arith.constant 0 : i32
    return %c1_i32, %arg0, %c0_i32 : i32, i32, i32
  }
  func.func @transform_2(%arg0: i32) -> i32 {
    %c0_i32 = arith.constant 0 : i32
    return %arg0 : i32
  }
  func.func @transform_3(%arg0: i32) -> i32 {
    %add3A = arith.constant 10 : i32
    %add3A_0 = arith.addi %add3A, %arg0 : i32
    %c0_i32 = arith.constant 0 : i32
    return %add3A_0 : i32
  }
  func.func @transform_4(%arg0: i32) -> (i32, i32) {
    %c0_i32 = arith.constant 0 : i32
    %c0_i32_0 = arith.constant 0 : i32
    return %arg0, %c0_i32 : i32, i32
  }
  func.func @transform_5(%arg0: i32) -> (i32, i32) {
    %c0_i32 = arith.constant 0 : i32
    %c0_i32_0 = arith.constant 0 : i32
    %c0_i32_1 = arith.constant 0 : i32
    return %c0_i32, %c0_i32_0 : i32, i32
  }
  func.func @transform_6(%arg0: i32) -> (i32, i32) {
    %c0_i32 = arith.constant 0 : i32
    %c0_i32_0 = arith.constant 0 : i32
    %c0_i32_1 = arith.constant 0 : i32
    return %c0_i32, %c0_i32_0 : i32, i32
  }
  func.func @transform_7(%arg0: i32) -> (i32, i32) {
    %c0_i32 = arith.constant 0 : i32
    %c0_i32_0 = arith.constant 0 : i32
    %c0_i32_1 = arith.constant 0 : i32
    return %c0_i32, %c0_i32_0 : i32, i32
  }
  func.func @transform_8(%arg0: i32) -> (i32, i32) {
    %c0_i32 = arith.constant 0 : i32
    %c0_i32_0 = arith.constant 0 : i32
    %c0_i32_1 = arith.constant 0 : i32
    return %c0_i32, %c0_i32_0 : i32, i32
  }
  func.func @transform_9(%arg0: i32) -> (i32, i32) {
    %c0_i32 = arith.constant 0 : i32
    %c0_i32_0 = arith.constant 0 : i32
    %c0_i32_1 = arith.constant 0 : i32
    return %c0_i32, %c0_i32_0 : i32, i32
  }
}

</mosaic_0001>

<sc_bundles>
// kernel: kernel.6.cloned.1.call-start
scs
__scs_entry_jumppad:
0x0: {  	(pc) =	sbr.rel $0x88, $3  }
0x1: {  	(tag) =	ssettag $0x0;
	lr =	simm.s32 $0x1  }
0x2: {  	[smem:$0x3F97] =	sst lr;
	_ =	strace $0xD0000000  }
0x3: {  	_ = 	snop  }
0x4: {  	_ = 	snop  }
0x5: {  	_ = 	snop  }
0x6: {  	_ = 	snop  }
0x7: {  	_ = 	snop  }
__scs_overlays_trampoline_lowered:
0x8: {  	[smem:$0x3FA6] =	sst s0  }
0x9: {  	[smem:$0x3FA7] =	sst s1  }
0xa: {  	[smem:$0x3FA8] =	sst s2  }
0xb: {  	[smem:$0x3FA9] =	sst s3  }
0xc: {  	[smem:$0x3FAA] =	sst s4  }
0xd: {  	[smem:$0x3FAB] =	sst s5  }
0xe: {  	[smem:$0x3FAC] =	sst s6  }
0xf: {  	[smem:$0x3FAD] =	sst s7  }
0x10: {  	[smem:$0x3FAE] =	sst s8  }
0x11: {  	[smem:$0x3FAF] =	sst s9;
	s0 =	simm.s32 @!p0 $0x0  }
0x12: {  	s1 =	sld [smem:$0x3F95];
	s0 =	simm.s32 @p0 $0x1  }
0x13: {  	[smem:$0x3FB0] =	sst s0;
	s0 =	simm.s32 @!p1 $0x0  }
0x14: {  	s2 =	sld [smem:$0x3F94];
	s0 =	simm.s32 @p1 $0x1  }
0x15: {  	[smem:$0x3FB1] =	sst s0;
	s0 =	simm.s32 @!p2 $0x0  }
0x16: {  	s3 =	sld [smem:$0x3FDB];
	s0 =	simm.s32 @p2 $0x1  }
0x17: {  	s4 =	simm.s32 $0x1BF5;
	[smem:$0x3FB3] =	sst s0  }
0x18: {  	s0 =	sld [smem:$0x3F96];
	_ =	swait.ge [sflag:s4], $0x0  }
0x19: {  	s7 =	sld [smem:$0x3F97]  }
0x1a: {  	s8 =	sadd.s32 $0xFFFFE003, lr  }
0x1b: {  	s9 =	sadd.s32 $0xFFFFFEF7, lr;
	s5 =	simm.s32 $0xFFFFFFFF;
	p2 =	slt.u32 s8, $0xFFFFF086  }
0x1c: {  	p1 =	slt.u32 s9, $0xF7A;
	s5 =	simm.s32 @!p2 $0x0  }
0x1d: {  	s5 =	simm.s32 @p1 $0x1;
	p0 =	seq.s32 s7, s2  }
0x1e: {  	s7 =	smul.u32 @!p0 $0xF7A, s2;
	p2 =	seq.s32 @!p0 s5, $0x0  }
0x1f: {  	s9 =	smul.u32 $0xF7A, s1;
	s8 =	simm.s32 @!p0 $0x1BF5;
	p2 =	por !p2, p0  }
0x20: {  	[sflag:s8] =	ssyncset.s32 @!p0 $0xFFFFF086;
	s6 =	sadd.s32 @!p0 s3, s7;
	s7 =	simm.s32 @!p0 $0x108  }
0x21: {  	s3 =	sadd.s32 s3, s9;
	s6 =	sadd.s32 @!p0 $0x88, s6;
	s7 =	simm.s32 @p2 $0x1082  }
0x22: {  	[simem:s7], [sflag:s8] =	dma.local @!p0 [hbm:s6], $0xF7A  }
0x23: {  	s9 =	sor.u32 $0xD0000000, s2;
	s6 =	simm.s32 $0x108;
	_ =	swait.ge @!p0 [sflag:s8], $0x0  }
0x24: {  	s3 =	sadd.s32 $0x88, s3;
	s6 =	simm.s32 @!p1 $0x1082;
	[sflag:s4] =	ssyncset.s32 $0xFFFFF086  }
0x25: {  	[simem:s6], [sflag:s4] =	dma.local [hbm:s3], $0xF7A  }
0x26: {  	[smem:$0x3F97] =	sst s1;
	(tag) =	ssettag s2;
	_ =	strace s9  }
0x27: {  	s1 =	sld [smem:$0x3FA7]  }
0x28: {  	s2 =	sld [smem:$0x3FA8]  }
0x29: {  	s4 =	sld [smem:$0x3FAA]  }
0x2a: {  	p0 =	seq.s32 s5, $0x0;
	s5 =	sld [smem:$0x3FAB]  }
0x2b: {  	s6 =	sld [smem:$0x3FAC]  }
0x2c: {  	s7 =	sld [smem:$0x3FAD]  }
0x2d: {  	s3 =	simm.s32 $0x108;
	s8 =	sld [smem:$0x3FAE]  }
0x2e: {  	s3 =	simm.s32 @!p0 $0x1082;
	s9 =	sld [smem:$0x3FAF]  }
0x2f: {  	lr =	sadd.s32 s0, s3;
	s0 =	sld [smem:$0x3FA6]  }
0x30: {  	s3 =	sld [smem:$0x3FA9]  }
0x31: {  	[smem:$0x3FB2] =	sst s10  }
0x32: {  	s10 =	sld [smem:$0x3FB0];
	_ =	sdelay $0x3  }
0x33: {  	p0 =	seq.s32 s10, $0x1;
	s10 =	sld [smem:$0x3FB2];
	_ =	sdelay $0x3  }
0x34: {  	[smem:$0x3FB2] =	sst s10  }
0x35: {  	s10 =	sld [smem:$0x3FB1];
	_ =	sdelay $0x3  }
0x36: {  	p1 =	seq.s32 s10, $0x1;
	s10 =	sld [smem:$0x3FB2];
	_ =	sdelay $0x3  }
0x37: {  	[smem:$0x3FB2] =	sst s10  }
0x38: {  	s10 =	sld [smem:$0x3FB3]  }
0x39: {  	_ = 	snop;
	(pc) =	sbr.ind lr, $3  }
0x3a: {  	_ = 	snop  }
0x3b: {  	_ = 	snop  }
0x3c: {  	p2 =	seq.s32 s10, $0x1;
	s10 =	sld [smem:$0x3FB2]  }
0x3d: {  	_ =	shalt  }
0x3e: {  	_ =	shalt  }
0x3f: {  	_ =	shalt  }
0x40: {  	_ =	shalt  }
0x41: {  	_ =	shalt  }
0x42: {  	_ =	shalt  }
0x43: {  	_ =	shalt  }
0x44: {  	_ =	shalt  }
0x45: {  	_ =	shalt  }
0x46: {  	_ =	shalt  }
0x47: {  	_ =	shalt  }
0x48: {  	_ =	shalt  }
0x49: {  	_ =	shalt  }
0x4a: {  	_ =	shalt  }
0x4b: {  	_ =	shalt  }
0x4c: {  	_ =	shalt  }
0x4d: {  	_ =	shalt  }
0x4e: {  	_ =	shalt  }
0x4f: {  	_ =	shalt  }
0x50: {  	_ =	shalt  }
0x51: {  	_ =	shalt  }
0x52: {  	_ =	shalt  }
0x53: {  	_ =	shalt  }
0x54: {  	_ =	shalt  }
0x55: {  	_ =	shalt  }
0x56: {  	_ =	shalt  }
0x57: {  	_ =	shalt  }
0x58: {  	_ =	shalt  }
0x59: {  	_ =	shalt  }
0x5a: {  	_ =	shalt  }
0x5b: {  	_ =	shalt  }
0x5c: {  	_ =	shalt  }
0x5d: {  	_ =	shalt  }
0x5e: {  	_ =	shalt  }
0x5f: {  	_ =	shalt  }
0x60: {  	_ =	shalt  }
0x61: {  	_ =	shalt  }
0x62: {  	_ =	shalt  }
0x63: {  	_ =	shalt  }
0x64: {  	_ =	shalt  }
0x65: {  	_ =	shalt  }
0x66: {  	_ =	shalt  }
0x67: {  	_ =	shalt  }
0x68: {  	_ =	shalt  }
0x69: {  	_ =	shalt  }
0x6a: {  	_ =	shalt  }
0x6b: {  	_ =	shalt  }
0x6c: {  	_ =	shalt  }
0x6d: {  	_ =	shalt  }
0x6e: {  	_ =	shalt  }
0x6f: {  	_ =	shalt  }
0x70: {  	_ =	shalt  }
0x71: {  	_ =	shalt  }
0x72: {  	_ =	shalt  }
0x73: {  	_ =	shalt  }
0x74: {  	_ =	shalt  }
0x75: {  	_ =	shalt  }
0x76: {  	_ =	shalt  }
0x77: {  	_ =	shalt  }
0x78: {  	_ =	shalt  }
0x79: {  	_ =	shalt  }
0x7a: {  	_ =	shalt  }
0x7b: {  	_ =	shalt  }
0x7c: {  	_ =	shalt  }
0x7d: {  	_ =	shalt  }
0x7e: {  	_ =	shalt  }
0x7f: {  	_ =	shalt  }
0x80: {  	_ =	shalt  }
0x81: {  	_ =	shalt  }
0x82: {  	_ =	shalt  }
0x83: {  	_ =	shalt  }
0x84: {  	_ =	shalt  }
0x85: {  	_ =	shalt  }
0x86: {  	_ =	shalt  }
0x87: {  	_ =	shalt  }
.Lfunc_end0:
.L_simem_size_0:
called_computation_lowered:
.L_overlay_start_0:
0x88: {  	s2 =	sld [smem:$0x3FD9]  }
0x89: {  	s3 =	sld [smem:$0x3FFE];
	_ =	sdelay $0x1  }
0x8a: {  	s1 =	srdreg.scid  }
0x8b: {  	s0 =	sand.u32 $0x1, s1  }
0x8c: {  	s16 =	sshll.u32 s0, $0xA;
	s2 =	sadd.s32 s3, s2  }
0x8d: {  	s2 =	sadd.s32 s2, s16  }
0x8e: {  	[smem:$0x3FBE] =	sst s2  }
0x8f: {  	_ = 	snop  }
0x90: {  	(tm) =	ssettm $0x1  }
0x91: {  	s17 =	sld [smem:$0x3FFB];
	_ =	sdelay $0x3  }
0x92: {  	_ =	strace s17  }
0x93: {  	s2 =	sld [smem:$0x3FFC];
	_ =	sdelay $0x3  }
0x94: {  	_ =	strace s2  }
0x95: {  	s2 =	sld [smem:$0x3FFD];
	_ =	sdelay $0x3  }
0x96: {  	_ =	strace s2  }
0x97: {  	_ =	strace $0x8FFFFFFF  }
0x98: {  	s18 =	sld [smem:$0x3FDB];
	_ =	sdelay $0x1  }
0x99: {  	s19 =	simm.s32 $_scs_section_size  }
0x9a: {  	s4 =	simm.s32 $_size__tile_overlayer_lowered;
	s5 =	simm.s32 $_tile_overlayer_lowered  }
0x9b: {  	s22 =	simm.s32 $0x1BFF;
	s21 =	sshll.u32 s5, $0x1;
	s2 =	sadd.s32 s19, s18  }
0x9c: {  	s6 =	simm.s32 $0x0;
	s20 =	sshll.u32 s4, $0x1;
	s4 =	sadd.s32 s21, s2  }
0x9d: {  	[timem:s6], [sflag:s22] =	dma.local [hbm:s4], s20  }
0x9e: {  	_ =	swait.ge [sflag:s22], s20  }
0x9f: {  	s3 =	ssub.s32 $0x0, s20;
	[sflag:s22] =	ssyncset.done $0x0  }
0xa0: {  	[sflag:s22] =	ssyncadd.s32 s3;
	_ =	sdelay $0x1  }
0xa1: {  	s23 =	simm.s32 $0x1B8B  }
0xa2: {  	_ =	swait.ge [sflag:s23], $0x1  }
0xa3: {  	[sflag:s23] =	ssyncset.done $0x0  }
0xa4: {  	s25 =	simm.s32 $0x1B8E;
	s24 =	sld [smem:$0x3FFE];
	[sflag:s23] =	ssyncadd.s32 $0xFFFFFFFF  }
0xa5: {  	s26 =	simm.s32 $execute0_lowered;
	[smem:$0x3FD2] =	sst s25  }
0xa6: {  	s4 =	sshll.u32 s26, $0x1;
	_ =	strace $0x80000046;
	[dreg:$0x1] =	wrdreg $0xFFFFFFFF  }
0xa7: {  	s28 =	simm.s32 $_size_execute0_lowered;
	s2 =	sadd.s32 s2, s4;
	[dreg:$0x0] =	wrdreg $0x0  }
0xa8: {  	s4 =	sshll.u32 s28, $0x1;
	[dreg:$0x2] =	wrdreg s2  }
0xa9: {  	[dreg:$0x3] =	wrdreg s4  }
0xaa: {  	[dreg:$0x4] =	wrdreg $0xC0  }
0xab: {  	_ =	task [dreg:s6], $0x5FFFF  }
0xac: {  	[dreg:$0x1] =	wrdreg $0xFFFFFFFF  }
0xad: {  	[dreg:$0x0] =	wrdreg $0x60  }
0xae: {  	[dreg:$0x2] =	wrdreg s24  }
0xaf: {  	[dreg:$0x3] =	wrdreg $0x0  }
0xb0: {  	[dreg:$0x4] =	wrdreg $0x142000  }
0xb1: {  	[dreg:$0x5] =	wrdreg $0x9  }
0xb2: {  	_ =	task.clear_ibuf [dreg:s6], $0x6FFFF;
	_ =	strace $0x90000046  }
0xb3: {  	s29 =	simm.s32 $0x9;
	_ =	strace $0x80000048  }
0xb4: {  	_ =	swait.ge [sflag:s29], $0x1  }
0xb5: {  	[sflag:s29] =	ssyncadd.s32 $0xFFFFFFFF  }
0xb6: {  	_ =	strace $0x90000048  }
0xb7: {  	_ =	sfence  }
0xb8: {  	s30 =	sld [smem:$0x0];
	_ =	sdelay $0x2  }
0xb9: {  	s31 =	sshll.u32 s1, $0xD;
	s1 =	sshrl.u32 s1, $0x2  }
0xba: {  	s3 =	sand.u32 $0x4000, s31;
	s1 =	sadd.s32 s1, s30  }
0xbb: {  	s0 =	sor.u32 s3, s0;
	s1 =	sshll.u32 s1, $0x11  }
0xbc: {  	s0 =	sor.u32 s1, s0  }
0xbd: {  	s0 =	sadd.s32 $0x8F2B, s0  }
0xbe: {  	[sflag:s0] =	ssyncadd.remote.s32 $0x1  }
0xbf: {  	_ =	sfence.sel $0xFFFF  }
0xc0: {  	[dreg:$0x0] =	wrdreg $0xFFFFFFFF;
	(pc) =	sbr.abs _section_cstart, $3  }
0xc1: {  	[dreg:$0x1] =	wrdreg $0xFFFFFFFF  }
0xc2: {  	_ =	task.clear_ibuf [dreg:s6], $0x2FFFF;
	_ =	strace $0x9FFFFFFF  }
0xc3: {  	(tm) =	ssettm $0x7FFFFFFF  }
tec
execute0_lowered:
.L_overlay_start_1:
0x0: {  	(tag) =	ssettag $0x1  }
0x1: {  	s0 =	rddreg [dreg:$0x0];
	s1 =	srdreg.scid  }
0x2: {  	s2 =	rddreg [dreg:$0x1];
	s12 =	stileid.u32  }
0x3: {  	s3 =	rddreg [dreg:$0x2];
	s4 =	simm.s32 $0x0;
	s20 =	simm.s32 $0x1FA00  }
0x4: {  	s21 =	simm.s32 $0x1FA80;
	s22 =	simm.s32 $0x1FB00;
	s28 =	simm.s32 $0x5  }
0x5: {  	s29 =	simm.s32 $0x16D80;
	s30 =	simm.s32 $0x16E00;
	s6 =	smul.u32 $0x2800, s12  }
0x6: {  	s31 =	simm.s32 $0x16E80;
	s1 =	sand.u32 $0x1, s1;
	s7 =	smul.u32 $0x280, s12  }
0x7: {  	[smem:$0x7FF] =	sst s4;
	s9 =	sadd.s32 $0x3DC00, s0;
	s23 =	sadd.s32 $0x40400, s0  }
0x8: {  	s26 =	smul.u32 $0x50000, s12;
	_ =	strace $0x80000047;
	[dreg:$0xd] =	wrdreg s9  }
0x9: {  	s24 =	sadd.s32 $0x40A00, s0;
	s11 =	smul.u32 $0xA000, s12;
	[dreg:$0xe] =	wrdreg s23  }
0xa: {  	s14 =	sshll.u32 s12, $0x6;
	s5 =	smul.u32 $0x28000, s1;
	[dreg:$0xf] =	wrdreg s24  }
0xb: {  	s12 =	simm.s32 $0x17100;
	s8 =	smul.u32 $0x2800, s1;
	[dreg:$0x6] =	wrdreg s20  }
0xc: {  	s1 =	ssub.s32 $0x2, s1;
	s9 =	sor.u32 $0x1C06, s14;
	[dreg:$0x7] =	wrdreg s21  }
0xd: {  	s20 =	simm.s32 $0x80;
	s21 =	simm.s32 $0x17980;
	[dreg:$0x8] =	wrdreg s22  }
0xe: {  	s23 =	simm.s32 $0x1FB80;
	s22 =	simm.s32 $0x1B980;
	s24 =	simm.s32 $0x1FC00  }
0xf: {  	s14 =	simm.s32 $0x1FD80;
	s10 =	sshrl.u32 s1, $0x1;
	[dreg:$0x10] =	wrdreg s9  }
0x10: {  	s13 =	sshrl.u32 s26, $0x2;
	s15 =	sshrl.u32 s11, $0x2;
	[dreg:$0x9] =	wrdreg s23  }
0x11: {  	s23 =	simm.s32 $0x2;
	[dreg:$0xa] =	wrdreg s24;
	s24 =	simm.s32 $0x4  }
0x12: {  	s26 =	simm.s32 $0x1FD00;
	s11 =	simm.s32 $0x17080;
	s9 =	simm.s32 $0x0  }
0x13: {  	s6 =	sadd.s32 s6, s5;
	s5 =	sadd.s32 $0x1C00, s0;
	s7 =	sadd.s32 s7, s8  }
0x14: {  	s1 =	ssub.s32 s1, s10;
	s10 =	sadd.s32 s15, s3;
	s15 =	simm.s32 $0x6  }
0x15: {  	[dreg:$0xc] =	wrdreg s26;
	s26 =	simm.s32 $0x16D00;
	s6 =	sshrl.u32 s6, $0x3  }
0x16: {  	s25 =	sshll.u32 s7, $0x4;
	s7 =	sshrl.u32 s7, $0x3;
	s17 =	smax.u32 s1, $0x1  }
0x17: {  	[dreg:$0x11] =	wrdreg s10;
	s19 =	sshrl.u32 s10, $0x3;
	s1 =	simm.s32 $0x16F00  }
0x18: {  	s6 =	sadd.s32 s6, s0;
	s8 =	sadd.s32 s25, s0;
	[dreg:$0x14] =	wrdreg s17  }
0x19: {  	s0 =	sadd.s32 s7, s0;
	[dreg:$0x16] =	wrdreg s19;
	s25 =	simm.s32 $0x1FC80  }
0x1a: {  	s7 =	sadd.s32 s13, s2;
	s8 =	sadd.s32 $0x41600, s8;
	[dreg:$0xb] =	wrdreg s25  }
0x1b: {  	s17 =	simm.s32 $0x17180;
	s16 =	sadd.s32 $0x33C00, s6;
	[dreg:$0x12] =	wrdreg s8  }
0x1c: {  	vm0 =	vmmov $0x1;
	vm1 =	vmmov $0x3;
	vm2 =	vmmov $0x7;
	s19 =	simm.s32 $0x16C80;
	s0 =	sadd.s32 $0x40C00, s0;
	[dreg:$0x4] =	wrdreg s16  }
0x1d: {  	vm3 =	vmmov $0xf;
	vm4 =	vmmov $0x1f;
	vm5 =	vmmov $0x3f;
	s13 =	simm.s32 $0x1;
	s6 =	sadd.s32 $0x29C00, s6;
	[dreg:$0x13] =	wrdreg s0  }
0x1e: {  	vm6 =	vmmov $0x7f;
	vm7 =	vmmov $0xff;
	vm8 =	vmmov $0x1ff;
	s18 =	sshrl.u32 s7, $0x3;
	s25 =	simm.s32 $0x3;
	[dreg:$0x5] =	wrdreg s6  }
0x1f: {  	vm9 =	vmmov $0x3ff;
	vm10 =	vmmov $0x7ff;
	vm11 =	vmmov $0xfff;
	s7 =	simm.s32 $0x17000;
	[dreg:$0x15] =	wrdreg s18;
	s18 =	simm.s32 $0x1F980  }
0x20: {  	vm12 =	vmmov $0x1fff;
	vm13 =	vmmov $0x3fff;
	vm14 =	vmmov $0x7fff;
	s0 =	simm.s32 $0x16F80;
	s8 =	simm.s32 $0x1FE00;
	s16 =	simm.s32 $0x14000  }
.LBB2_1:
0x21: {  	[dreg:$0x17] =	wrdreg s9  }
0x22: {  	s6 =	rddreg [dreg:$0xd]  }
0x23: {  	s9 =	rddreg [dreg:$0x10]  }
0x24: {  	s10 =	rddreg [dreg:$0x15]  }
0x25: {  	[spmem:s10], [sflag:s9] =	dma.local [hbm:s6], $0x2800  }
0x26: {  	_ =	swait.ge [sflag:s15], $0x2800  }
0x27: {  	[sflag:s15] =	ssyncset.done $0x0;
	s6 =	rddreg [dreg:$0xe]  }
0x28: {  	s10 =	rddreg [dreg:$0x16];
	[sflag:s15] =	ssyncadd.s32 $0xFFFFD800  }
0x29: {  	[spmem:s10], [sflag:s9] =	dma.local [hbm:s6], $0x500  }
0x2a: {  	_ =	swait.ge [sflag:s15], $0x500  }
0x2b: {  	[sflag:s15] =	ssyncset.done $0x0  }
0x2c: {  	s9 =	rddreg [dreg:$0xf];
	[sflag:s15] =	ssyncadd.s32 $0xFFFFFB00  }
0x2d: {  	[tilespmem:s17], [sflag:$0x6] =	stream.linear.gather [hbm4b:s9+s4], $0x800, $0x38;
	[tilespmem:$0x1FE80] =	vst v63  }
0x2e: {  	_ =	swait.ge [sflag:s15], $0x800  }
0x2f: {  	[sflag:s15] =	ssyncset.done $0x0  }
0x30: {  	[sflag:s15] =	ssyncadd.s32 $0xFFFFF800  }
0x31: {  	[bflag:$0x0] =	sbarrier.arrive $0xFFFF  }
0x32: {  	s10 =	rddreg [dreg:$0x5]  }
0x33: {  	s6 =	sadd.s32 $0x0, s10  }
0x34: {  	[tilespmem:s18], [sflag:$0x6] =	stream.linear.gather [hbm4b:s6+s4], $0x500, $0x38;
	[tilespmem:$0x1FE80] =	vst v63  }
0x35: {  	_ =	swait.ge [sflag:s15], $0x500  }
0x36: {  	s9 =	rddreg [dreg:$0x4];
	[sflag:s15] =	ssyncset.done $0x0  }
0x37: {  	[sflag:s15] =	ssyncadd.s32 $0xFFFFFB00;
	s6 =	sadd.s32 $0x0, s9  }
0x38: {  	[tilespmem:s19], [sflag:$0x6] =	stream.linear.gather [hbm4b:s6+s4], $0x500, $0x38;
	[tilespmem:$0x1FE80] =	vst v63  }
0x39: {  	_ =	swait.ge [sflag:s15], $0x500  }
0x3a: {  	[sflag:s15] =	ssyncset.done $0x0  }
0x3b: {  	[sflag:s15] =	ssyncadd.s32 $0xFFFFFB00  }
0x3c: {  	[tilespmem:s21], [sflag:$0x2] =	stream.indirect.gather [hbm4b:s5+s20], $0x80, s18, s20, $0xb8;
	[tilespmem:$0x1FE80] =	vst v63  }
0x3d: {  	s10 =	rddreg [dreg:$0x6]  }
0x3e: {  	[tilespmem:s22], [sflag:$0x3] =	stream.indirect.gather [hbm4b:s5+s20], $0x80, s10, s20, $0xb8;
	[tilespmem:$0x1FE80] =	vst v63  }
0x3f: {  	_ =	swait.ge [sflag:s23], $0x4000  }
0x40: {  	[sflag:s23] =	ssyncset.done $0x0  }
0x41: {  	[sflag:s23] =	ssyncadd.s32 $0xFFFFC000  }
0x42: {  	[spmem:s2] =	stream.indirect.scatter.add.f32 [tilespmem:s21], [sflag:$0x4], $0x80, s19, s20, $0xb8;
	[tilespmem:$0x1FE80] =	vst v63  }
0x43: {  	_ = 	snop  }
0x44: {  	[spmem:s3] =	stream.indirect.scatter.add.f32 [tilespmem:s17], [sflag:$0x1], $0x10, s19, s20, $0xb8;
	[tilespmem:$0x1FE80] =	vst v63  }
0x45: {  	_ =	swait.ge [sflag:s24], $0x4000  }
0x46: {  	[sflag:s24] =	ssyncset.done $0x0  }
0x47: {  	s9 =	rddreg [dreg:$0x7];
	[sflag:s24] =	ssyncadd.s32 $0xFFFFC000  }
0x48: {  	[tilespmem:s21], [sflag:$0x2] =	stream.indirect.gather [hbm4b:s5+s20], $0x80, s9, s20, $0xb8;
	[tilespmem:$0x1FE80] =	vst v63  }
0x49: {  	_ =	swait.ge [sflag:s25], $0x4000  }
0x4a: {  	[sflag:s25] =	ssyncset.done $0x0  }
0x4b: {  	[sflag:s25] =	ssyncadd.s32 $0xFFFFC000  }
0x4c: {  	[spmem:s2] =	stream.indirect.scatter.add.f32 [tilespmem:s22], [sflag:$0x5], $0x80, s26, s20, $0xb8;
	[tilespmem:$0x1FE80] =	vst v63  }
0x4d: {  	_ = 	snop  }
0x4e: {  	[spmem:s3] =	stream.indirect.scatter.add.f32 [tilespmem:s17], [sflag:$0x1], $0x10, s26, s20, $0xb8;
	[tilespmem:$0x1FE80] =	vst v63  }
0x4f: {  	_ =	swait.ge [sflag:s28], $0x4000  }
0x50: {  	[sflag:s28] =	ssyncset.done $0x0  }
0x51: {  	s10 =	rddreg [dreg:$0x8];
	[sflag:s28] =	ssyncadd.s32 $0xFFFFC000  }
0x52: {  	[tilespmem:s22], [sflag:$0x3] =	stream.indirect.gather [hbm4b:s5+s20], $0x80, s10, s20, $0xb8;
	[tilespmem:$0x1FE80] =	vst v63  }
0x53: {  	_ =	swait.ge [sflag:s23], $0x4000  }
0x54: {  	[sflag:s23] =	ssyncset.done $0x0  }
0x55: {  	[sflag:s23] =	ssyncadd.s32 $0xFFFFC000  }
0x56: {  	[spmem:s2] =	stream.indirect.scatter.add.f32 [tilespmem:s21], [sflag:$0x4], $0x80, s29, s20, $0xb8;
	[tilespmem:$0x1FE80] =	vst v63  }
0x57: {  	_ = 	snop  }
0x58: {  	[spmem:s3] =	stream.indirect.scatter.add.f32 [tilespmem:s17], [sflag:$0x1], $0x10, s29, s20, $0xb8;
	[tilespmem:$0x1FE80] =	vst v63  }
0x59: {  	_ =	swait.ge [sflag:s24], $0x4000  }
0x5a: {  	[sflag:s24] =	ssyncset.done $0x0  }
0x5b: {  	s9 =	rddreg [dreg:$0x9];
	[sflag:s24] =	ssyncadd.s32 $0xFFFFC000  }
0x5c: {  	[tilespmem:s21], [sflag:$0x2] =	stream.indirect.gather [hbm4b:s5+s20], $0x80, s9, s20, $0xb8;
	[tilespmem:$0x1FE80] =	vst v63  }
0x5d: {  	_ =	swait.ge [sflag:s25], $0x4000  }
0x5e: {  	[sflag:s25] =	ssyncset.done $0x0  }
0x5f: {  	[sflag:s25] =	ssyncadd.s32 $0xFFFFC000  }
0x60: {  	[spmem:s2] =	stream.indirect.scatter.add.f32 [tilespmem:s22], [sflag:$0x5], $0x80, s30, s20, $0xb8;
	[tilespmem:$0x1FE80] =	vst v63  }
0x61: {  	_ = 	snop  }
0x62: {  	[spmem:s3] =	stream.indirect.scatter.add.f32 [tilespmem:s17], [sflag:$0x1], $0x10, s30, s20, $0xb8;
	[tilespmem:$0x1FE80] =	vst v63  }
0x63: {  	_ =	swait.ge [sflag:s28], $0x4000  }
0x64: {  	[sflag:s28] =	ssyncset.done $0x0  }
0x65: {  	s10 =	rddreg [dreg:$0xa];
	[sflag:s28] =	ssyncadd.s32 $0xFFFFC000  }
0x66: {  	[tilespmem:s22], [sflag:$0x3] =	stream.indirect.gather [hbm4b:s5+s20], $0x80, s10, s20, $0xb8;
	[tilespmem:$0x1FE80] =	vst v63  }
0x67: {  	_ =	swait.ge [sflag:s23], $0x4000  }
0x68: {  	[sflag:s23] =	ssyncset.done $0x0  }
0x69: {  	[sflag:s23] =	ssyncadd.s32 $0xFFFFC000  }
0x6a: {  	[spmem:s2] =	stream.indirect.scatter.add.f32 [tilespmem:s21], [sflag:$0x4], $0x80, s31, s20, $0xb8;
	[tilespmem:$0x1FE80] =	vst v63  }
0x6b: {  	_ = 	snop  }
0x6c: {  	[spmem:s3] =	stream.indirect.scatter.add.f32 [tilespmem:s17], [sflag:$0x1], $0x10, s31, s20, $0xb8;
	[tilespmem:$0x1FE80] =	vst v63  }
0x6d: {  	_ =	swait.ge [sflag:s24], $0x4000  }
0x6e: {  	[sflag:s24] =	ssyncset.done $0x0  }
0x6f: {  	s9 =	rddreg [dreg:$0xb];
	[sflag:s24] =	ssyncadd.s32 $0xFFFFC000  }
0x70: {  	[tilespmem:s21], [sflag:$0x2] =	stream.indirect.gather [hbm4b:s5+s20], $0x80, s9, s20, $0xb8;
	[tilespmem:$0x1FE80] =	vst v63  }
0x71: {  	_ =	swait.ge [sflag:s25], $0x4000  }
0x72: {  	[sflag:s25] =	ssyncset.done $0x0  }
0x73: {  	[sflag:s25] =	ssyncadd.s32 $0xFFFFC000  }
0x74: {  	[spmem:s2] =	stream.indirect.scatter.add.f32 [tilespmem:s22], [sflag:$0x5], $0x80, s1, s20, $0xb8;
	[tilespmem:$0x1FE80] =	vst v63  }
0x75: {  	_ = 	snop  }
0x76: {  	[spmem:s3] =	stream.indirect.scatter.add.f32 [tilespmem:s17], [sflag:$0x1], $0x10, s1, s20, $0xb8;
	[tilespmem:$0x1FE80] =	vst v63  }
0x77: {  	_ =	swait.ge [sflag:s28], $0x4000  }
0x78: {  	[sflag:s28] =	ssyncset.done $0x0  }
0x79: {  	s10 =	rddreg [dreg:$0xc];
	[sflag:s28] =	ssyncadd.s32 $0xFFFFC000  }
0x7a: {  	[tilespmem:s22], [sflag:$0x3] =	stream.indirect.gather [hbm4b:s5+s20], $0x80, s10, s20, $0xb8;
	[tilespmem:$0x1FE80] =	vst v63  }
0x7b: {  	_ =	swait.ge [sflag:s23], $0x4000  }
0x7c: {  	[sflag:s23] =	ssyncset.done $0x0  }
0x7d: {  	[sflag:s23] =	ssyncadd.s32 $0xFFFFC000  }
0x7e: {  	[spmem:s2] =	stream.indirect.scatter.add.f32 [tilespmem:s21], [sflag:$0x4], $0x80, s0, s20, $0xb8;
	[tilespmem:$0x1FE80] =	vst v63  }
0x7f: {  	_ = 	snop  }
0x80: {  	[spmem:s3] =	stream.indirect.scatter.add.f32 [tilespmem:s17], [sflag:$0x1], $0x10, s0, s20, $0xb8;
	[tilespmem:$0x1FE80] =	vst v63  }
0x81: {  	_ =	swait.ge [sflag:s24], $0x4000  }
0x82: {  	[sflag:s24] =	ssyncset.done $0x0  }
0x83: {  	[sflag:s24] =	ssyncadd.s32 $0xFFFFC000  }
0x84: {  	[tilespmem:s21], [sflag:$0x2] =	stream.indirect.gather [hbm4b:s5+s20], $0x80, s14, s20, $0xb8;
	[tilespmem:$0x1FE80] =	vst v63  }
0x85: {  	_ =	swait.ge [sflag:s25], $0x4000  }
0x86: {  	[sflag:s25] =	ssyncset.done $0x0  }
0x87: {  	[sflag:s25] =	ssyncadd.s32 $0xFFFFC000  }
0x88: {  	[spmem:s2] =	stream.indirect.scatter.add.f32 [tilespmem:s22], [sflag:$0x5], $0x80, s7, s20, $0xb8;
	[tilespmem:$0x1FE80] =	vst v63  }
0x89: {  	_ = 	snop  }
0x8a: {  	[spmem:s3] =	stream.indirect.scatter.add.f32 [tilespmem:s17], [sflag:$0x1], $0x10, s7, s20, $0xb8;
	[tilespmem:$0x1FE80] =	vst v63  }
0x8b: {  	_ =	swait.ge [sflag:s28], $0x4000  }
0x8c: {  	[sflag:s28] =	ssyncset.done $0x0  }
0x8d: {  	[sflag:s28] =	ssyncadd.s32 $0xFFFFC000  }
0x8e: {  	[tilespmem:s22], [sflag:$0x3] =	stream.indirect.gather [hbm4b:s5+s20], $0x80, s8, s20, $0xb8;
	[tilespmem:$0x1FE80] =	vst v63  }
0x8f: {  	_ =	swait.ge [sflag:s23], $0x4000  }
0x90: {  	[sflag:s23] =	ssyncset.done $0x0  }
0x91: {  	[sflag:s23] =	ssyncadd.s32 $0xFFFFC000  }
0x92: {  	[spmem:s2] =	stream.indirect.scatter.add.f32 [tilespmem:s21], [sflag:$0x4], $0x80, s11, s20, $0xb8;
	[tilespmem:$0x1FE80] =	vst v63  }
0x93: {  	_ = 	snop  }
0x94: {  	[spmem:s3] =	stream.indirect.scatter.add.f32 [tilespmem:s17], [sflag:$0x1], $0x10, s11, s20, $0xb8;
	[tilespmem:$0x1FE80] =	vst v63  }
0x95: {  	_ =	swait.ge [sflag:s25], $0x4000  }
0x96: {  	[sflag:s25] =	ssyncset.done $0x0  }
0x97: {  	[sflag:s25] =	ssyncadd.s32 $0xFFFFC000  }
0x98: {  	[spmem:s2] =	stream.indirect.scatter.add.f32 [tilespmem:s22], [sflag:$0x5], $0x80, s12, s20, $0xb8;
	[tilespmem:$0x1FE80] =	vst v63  }
0x99: {  	_ = 	snop  }
0x9a: {  	[spmem:s3] =	stream.indirect.scatter.add.f32 [tilespmem:s17], [sflag:$0x1], $0x10, s12, s20, $0xb8;
	[tilespmem:$0x1FE80] =	vst v63  }
0x9b: {  	_ =	swait.ge [sflag:s24], $0x4000  }
0x9c: {  	[sflag:s24] =	ssyncset.done $0x0  }
0x9d: {  	[sflag:s24] =	ssyncadd.s32 $0xFFFFC000  }
0x9e: {  	_ =	swait.ge [sflag:s28], $0x4000  }
0x9f: {  	[sflag:s28] =	ssyncset.done $0x0  }
0xa0: {  	[sflag:s28] =	ssyncadd.s32 $0xFFFFC000  }
0xa1: {  	_ =	swait.ge [sflag:s13], $0x800  }
0xa2: {  	[sflag:s13] =	ssyncset.done $0x0  }
0xa3: {  	[sflag:s13] =	ssyncadd.s32 $0xFFFFF800  }
0xa4: {  	_ =	swait.ge [sflag:s13], $0x800  }
0xa5: {  	[sflag:s13] =	ssyncset.done $0x0  }
0xa6: {  	[sflag:s13] =	ssyncadd.s32 $0xFFFFF800  }
0xa7: {  	_ =	swait.ge [sflag:s13], $0x800  }
0xa8: {  	[sflag:s13] =	ssyncset.done $0x0  }
0xa9: {  	[sflag:s13] =	ssyncadd.s32 $0xFFFFF800  }
0xaa: {  	_ =	swait.ge [sflag:s13], $0x800  }
0xab: {  	[sflag:s13] =	ssyncset.done $0x0  }
0xac: {  	[sflag:s13] =	ssyncadd.s32 $0xFFFFF800  }
0xad: {  	_ =	swait.ge [sflag:s13], $0x800  }
0xae: {  	[sflag:s13] =	ssyncset.done $0x0  }
0xaf: {  	[sflag:s13] =	ssyncadd.s32 $0xFFFFF800  }
0xb0: {  	_ =	swait.ge [sflag:s13], $0x800  }
0xb1: {  	[sflag:s13] =	ssyncset.done $0x0  }
0xb2: {  	[sflag:s13] =	ssyncadd.s32 $0xFFFFF800  }
0xb3: {  	_ =	swait.ge [sflag:s13], $0x800  }
0xb4: {  	[sflag:s13] =	ssyncset.done $0x0  }
0xb5: {  	[sflag:s13] =	ssyncadd.s32 $0xFFFFF800  }
0xb6: {  	_ =	swait.ge [sflag:s13], $0x800  }
0xb7: {  	[sflag:s13] =	ssyncset.done $0x0  }
0xb8: {  	[sflag:s13] =	ssyncadd.s32 $0xFFFFF800  }
0xb9: {  	_ =	swait.ge [sflag:s13], $0x800  }
0xba: {  	[sflag:s13] =	ssyncset.done $0x0  }
0xbb: {  	[sflag:s13] =	ssyncadd.s32 $0xFFFFF800  }
0xbc: {  	s9 =	simm.s32 $0x140;
	_ =	swait.ge [sflag:s13], $0x800  }
0xbd: {  	s10 =	simm.s32 $0xA0;
	s6 =	rddreg [dreg:$0x5];
	[sflag:s13] =	ssyncset.done $0x0  }
.LBB2_2:
0xbe: {  	[sflag:s13] =	ssyncadd.s32 $0xFFFFF800;
	s6 =	sadd.s32 s10, s6  }
0xbf: {  	[tilespmem:s18], [sflag:$0x6] =	stream.linear.gather [hbm4b:s6+s4], $0x500, $0x38;
	[tilespmem:$0x1FE80] =	vst v63  }
0xc0: {  	_ =	swait.ge [sflag:s15], $0x500  }
0xc1: {  	s6 =	rddreg [dreg:$0x4];
	[sflag:s15] =	ssyncset.done $0x0  }
0xc2: {  	[sflag:s15] =	ssyncadd.s32 $0xFFFFFB00;
	s6 =	sadd.s32 s10, s6  }
0xc3: {  	[tilespmem:s19], [sflag:$0x6] =	stream.linear.gather [hbm4b:s6+s4], $0x500, $0x38;
	[tilespmem:$0x1FE80] =	vst v63  }
0xc4: {  	_ =	swait.ge [sflag:s15], $0x500  }
0xc5: {  	[sflag:s15] =	ssyncset.done $0x0  }
0xc6: {  	[sflag:s15] =	ssyncadd.s32 $0xFFFFFB00  }
0xc7: {  	[tilespmem:s21], [sflag:$0x2] =	stream.indirect.gather [hbm4b:s5+s20], $0x80, s18, s20, $0xb8;
	[tilespmem:$0x1FE80] =	vst v63  }
0xc8: {  	s6 =	rddreg [dreg:$0x6]  }
0xc9: {  	[tilespmem:s22], [sflag:$0x3] =	stream.indirect.gather [hbm4b:s5+s20], $0x80, s6, s20, $0xb8;
	[tilespmem:$0x1FE80] =	vst v63  }
0xca: {  	_ =	swait.ge [sflag:s23], $0x4000  }
0xcb: {  	[sflag:s23] =	ssyncset.done $0x0  }
0xcc: {  	[sflag:s23] =	ssyncadd.s32 $0xFFFFC000  }
0xcd: {  	[spmem:s2] =	stream.indirect.scatter.add.f32 [tilespmem:s21], [sflag:$0x4], $0x80, s19, s20, $0xb8;
	[tilespmem:$0x1FE80] =	vst v63  }
0xce: {  	_ = 	snop  }
0xcf: {  	[spmem:s3] =	stream.indirect.scatter.add.f32 [tilespmem:s17], [sflag:$0x1], $0x10, s19, s20, $0xb8;
	[tilespmem:$0x1FE80] =	vst v63  }
0xd0: {  	_ =	swait.ge [sflag:s24], $0x4000  }
0xd1: {  	[sflag:s24] =	ssyncset.done $0x0  }
0xd2: {  	s6 =	rddreg [dreg:$0x7];
	[sflag:s24] =	ssyncadd.s32 $0xFFFFC000  }
0xd3: {  	[tilespmem:s21], [sflag:$0x2] =	stream.indirect.gather [hbm4b:s5+s20], $0x80, s6, s20, $0xb8;
	[tilespmem:$0x1FE80] =	vst v63  }
0xd4: {  	_ =	swait.ge [sflag:s25], $0x4000  }
0xd5: {  	[sflag:s25] =	ssyncset.done $0x0  }
0xd6: {  	[sflag:s25] =	ssyncadd.s32 $0xFFFFC000  }
0xd7: {  	[spmem:s2] =	stream.indirect.scatter.add.f32 [tilespmem:s22], [sflag:$0x5], $0x80, s26, s20, $0xb8;
	[tilespmem:$0x1FE80] =	vst v63  }
0xd8: {  	_ = 	snop  }
0xd9: {  	[spmem:s3] =	stream.indirect.scatter.add.f32 [tilespmem:s17], [sflag:$0x1], $0x10, s26, s20, $0xb8;
	[tilespmem:$0x1FE80] =	vst v63  }
0xda: {  	_ =	swait.ge [sflag:s28], $0x4000  }
0xdb: {  	[sflag:s28] =	ssyncset.done $0x0  }
0xdc: {  	s6 =	rddreg [dreg:$0x8];
	[sflag:s28] =	ssyncadd.s32 $0xFFFFC000  }
0xdd: {  	[tilespmem:s22], [sflag:$0x3] =	stream.indirect.gather [hbm4b:s5+s20], $0x80, s6, s20, $0xb8;
	[tilespmem:$0x1FE80] =	vst v63  }
0xde: {  	_ =	swait.ge [sflag:s23], $0x4000  }
0xdf: {  	[sflag:s23] =	ssyncset.done $0x0  }
0xe0: {  	[sflag:s23] =	ssyncadd.s32 $0xFFFFC000  }
0xe1: {  	[spmem:s2] =	stream.indirect.scatter.add.f32 [tilespmem:s21], [sflag:$0x4], $0x80, s29, s20, $0xb8;
	[tilespmem:$0x1FE80] =	vst v63  }
0xe2: {  	_ = 	snop  }
0xe3: {  	[spmem:s3] =	stream.indirect.scatter.add.f32 [tilespmem:s17], [sflag:$0x1], $0x10, s29, s20, $0xb8;
	[tilespmem:$0x1FE80] =	vst v63  }
0xe4: {  	_ =	swait.ge [sflag:s24], $0x4000  }
0xe5: {  	[sflag:s24] =	ssyncset.done $0x0  }
0xe6: {  	s6 =	rddreg [dreg:$0x9];
	[sflag:s24] =	ssyncadd.s32 $0xFFFFC000  }
0xe7: {  	[tilespmem:s21], [sflag:$0x2] =	stream.indirect.gather [hbm4b:s5+s20], $0x80, s6, s20, $0xb8;
	[tilespmem:$0x1FE80] =	vst v63  }
0xe8: {  	_ =	swait.ge [sflag:s25], $0x4000  }
0xe9: {  	[sflag:s25] =	ssyncset.done $0x0  }
0xea: {  	[sflag:s25] =	ssyncadd.s32 $0xFFFFC000  }
0xeb: {  	[spmem:s2] =	stream.indirect.scatter.add.f32 [tilespmem:s22], [sflag:$0x5], $0x80, s30, s20, $0xb8;
	[tilespmem:$0x1FE80] =	vst v63  }
0xec: {  	_ = 	snop  }
0xed: {  	[spmem:s3] =	stream.indirect.scatter.add.f32 [tilespmem:s17], [sflag:$0x1], $0x10, s30, s20, $0xb8;
	[tilespmem:$0x1FE80] =	vst v63  }
0xee: {  	_ =	swait.ge [sflag:s28], $0x4000  }
0xef: {  	[sflag:s28] =	ssyncset.done $0x0  }
0xf0: {  	s6 =	rddreg [dreg:$0xa];
	[sflag:s28] =	ssyncadd.s32 $0xFFFFC000  }
0xf1: {  	[tilespmem:s22], [sflag:$0x3] =	stream.indirect.gather [hbm4b:s5+s20], $0x80, s6, s20, $0xb8;
	[tilespmem:$0x1FE80] =	vst v63  }
0xf2: {  	_ =	swait.ge [sflag:s23], $0x4000  }
0xf3: {  	[sflag:s23] =	ssyncset.done $0x0  }
0xf4: {  	[sflag:s23] =	ssyncadd.s32 $0xFFFFC000  }
0xf5: {  	[spmem:s2] =	stream.indirect.scatter.add.f32 [tilespmem:s21], [sflag:$0x4], $0x80, s31, s20, $0xb8;
	[tilespmem:$0x1FE80] =	vst v63  }
0xf6: {  	_ = 	snop  }
0xf7: {  	[spmem:s3] =	stream.indirect.scatter.add.f32 [tilespmem:s17], [sflag:$0x1], $0x10, s31, s20, $0xb8;
	[tilespmem:$0x1FE80] =	vst v63  }
0xf8: {  	_ =	swait.ge [sflag:s24], $0x4000  }
0xf9: {  	[sflag:s24] =	ssyncset.done $0x0  }
0xfa: {  	s6 =	rddreg [dreg:$0xb];
	[sflag:s24] =	ssyncadd.s32 $0xFFFFC000  }
0xfb: {  	[tilespmem:s21], [sflag:$0x2] =	stream.indirect.gather [hbm4b:s5+s20], $0x80, s6, s20, $0xb8;
	[tilespmem:$0x1FE80] =	vst v63  }
0xfc: {  	_ =	swait.ge [sflag:s25], $0x4000  }
0xfd: {  	[sflag:s25] =	ssyncset.done $0x0  }
0xfe: {  	[sflag:s25] =	ssyncadd.s32 $0xFFFFC000  }
0xff: {  	[spmem:s2] =	stream.indirect.scatter.add.f32 [tilespmem:s22], [sflag:$0x5], $0x80, s1, s20, $0xb8;
	[tilespmem:$0x1FE80] =	vst v63  }
0x100: {  	_ = 	snop  }
0x101: {  	[spmem:s3] =	stream.indirect.scatter.add.f32 [tilespmem:s17], [sflag:$0x1], $0x10, s1, s20, $0xb8;
	[tilespmem:$0x1FE80] =	vst v63  }
0x102: {  	_ =	swait.ge [sflag:s28], $0x4000  }
0x103: {  	[sflag:s28] =	ssyncset.done $0x0  }
0x104: {  	s6 =	rddreg [dreg:$0xc];
	[sflag:s28] =	ssyncadd.s32 $0xFFFFC000  }
0x105: {  	[tilespmem:s22], [sflag:$0x3] =	stream.indirect.gather [hbm4b:s5+s20], $0x80, s6, s20, $0xb8;
	[tilespmem:$0x1FE80] =	vst v63  }
0x106: {  	_ =	swait.ge [sflag:s23], $0x4000  }
0x107: {  	[sflag:s23] =	ssyncset.done $0x0  }
0x108: {  	[sflag:s23] =	ssyncadd.s32 $0xFFFFC000  }
0x109: {  	[spmem:s2] =	stream.indirect.scatter.add.f32 [tilespmem:s21], [sflag:$0x4], $0x80, s0, s20, $0xb8;
	[tilespmem:$0x1FE80] =	vst v63  }
0x10a: {  	_ = 	snop  }
0x10b: {  	[spmem:s3] =	stream.indirect.scatter.add.f32 [tilespmem:s17], [sflag:$0x1], $0x10, s0, s20, $0xb8;
	[tilespmem:$0x1FE80] =	vst v63  }
0x10c: {  	_ =	swait.ge [sflag:s24], $0x4000  }
0x10d: {  	s14 =	smov.u32 s9;
	[sflag:s24] =	ssyncset.done $0x0  }
0x10e: {  	s10 =	smov.u32 s14;
	s14 =	simm.s32 $0x1FD80;
	[sflag:s24] =	ssyncadd.s32 $0xFFFFC000  }
0x10f: {  	[tilespmem:s21], [sflag:$0x2] =	stream.indirect.gather [hbm4b:s5+s20], $0x80, s14, s20, $0xb8;
	[tilespmem:$0x1FE80] =	vst v63  }
0x110: {  	_ =	swait.ge [sflag:s25], $0x4000  }
0x111: {  	[sflag:s25] =	ssyncset.done $0x0  }
0x112: {  	[sflag:s25] =	ssyncadd.s32 $0xFFFFC000  }
0x113: {  	[spmem:s2] =	stream.indirect.scatter.add.f32 [tilespmem:s22], [sflag:$0x5], $0x80, s7, s20, $0xb8;
	[tilespmem:$0x1FE80] =	vst v63  }
0x114: {  	_ = 	snop  }
0x115: {  	[spmem:s3] =	stream.indirect.scatter.add.f32 [tilespmem:s17], [sflag:$0x1], $0x10, s7, s20, $0xb8;
	[tilespmem:$0x1FE80] =	vst v63  }
0x116: {  	_ =	swait.ge [sflag:s28], $0x4000  }
0x117: {  	[sflag:s28] =	ssyncset.done $0x0  }
0x118: {  	[sflag:s28] =	ssyncadd.s32 $0xFFFFC000  }
0x119: {  	[tilespmem:s22], [sflag:$0x3] =	stream.indirect.gather [hbm4b:s5+s20], $0x80, s8, s20, $0xb8;
	[tilespmem:$0x1FE80] =	vst v63  }
0x11a: {  	_ =	swait.ge [sflag:s23], $0x4000  }
0x11b: {  	[sflag:s23] =	ssyncset.done $0x0  }
0x11c: {  	[sflag:s23] =	ssyncadd.s32 $0xFFFFC000  }
0x11d: {  	[spmem:s2] =	stream.indirect.scatter.add.f32 [tilespmem:s21], [sflag:$0x4], $0x80, s11, s20, $0xb8;
	[tilespmem:$0x1FE80] =	vst v63  }
0x11e: {  	_ = 	snop  }
0x11f: {  	[spmem:s3] =	stream.indirect.scatter.add.f32 [tilespmem:s17], [sflag:$0x1], $0x10, s11, s20, $0xb8;
	[tilespmem:$0x1FE80] =	vst v63  }
0x120: {  	_ =	swait.ge [sflag:s25], $0x4000  }
0x121: {  	[sflag:s25] =	ssyncset.done $0x0  }
0x122: {  	[sflag:s25] =	ssyncadd.s32 $0xFFFFC000  }
0x123: {  	[spmem:s2] =	stream.indirect.scatter.add.f32 [tilespmem:s22], [sflag:$0x5], $0x80, s12, s20, $0xb8;
	[tilespmem:$0x1FE80] =	vst v63  }
0x124: {  	_ = 	snop  }
0x125: {  	[spmem:s3] =	stream.indirect.scatter.add.f32 [tilespmem:s17], [sflag:$0x1], $0x10, s12, s20, $0xb8;
	[tilespmem:$0x1FE80] =	vst v63  }
0x126: {  	_ =	swait.ge [sflag:s24], $0x4000  }
0x127: {  	[sflag:s24] =	ssyncset.done $0x0  }
0x128: {  	[sflag:s24] =	ssyncadd.s32 $0xFFFFC000  }
0x129: {  	_ =	swait.ge [sflag:s28], $0x4000  }
0x12a: {  	[sflag:s28] =	ssyncset.done $0x0  }
0x12b: {  	[sflag:s28] =	ssyncadd.s32 $0xFFFFC000  }
0x12c: {  	_ =	swait.ge [sflag:s13], $0x800  }
0x12d: {  	[sflag:s13] =	ssyncset.done $0x0  }
0x12e: {  	[sflag:s13] =	ssyncadd.s32 $0xFFFFF800  }
0x12f: {  	_ =	swait.ge [sflag:s13], $0x800  }
0x130: {  	[sflag:s13] =	ssyncset.done $0x0  }
0x131: {  	[sflag:s13] =	ssyncadd.s32 $0xFFFFF800  }
0x132: {  	_ =	swait.ge [sflag:s13], $0x800  }
0x133: {  	[sflag:s13] =	ssyncset.done $0x0  }
0x134: {  	[sflag:s13] =	ssyncadd.s32 $0xFFFFF800  }
0x135: {  	_ =	swait.ge [sflag:s13], $0x800  }
0x136: {  	[sflag:s13] =	ssyncset.done $0x0  }
0x137: {  	[sflag:s13] =	ssyncadd.s32 $0xFFFFF800  }
0x138: {  	_ =	swait.ge [sflag:s13], $0x800  }
0x139: {  	[sflag:s13] =	ssyncset.done $0x0  }
0x13a: {  	[sflag:s13] =	ssyncadd.s32 $0xFFFFF800  }
0x13b: {  	_ =	swait.ge [sflag:s13], $0x800  }
0x13c: {  	[sflag:s13] =	ssyncset.done $0x0  }
0x13d: {  	[sflag:s13] =	ssyncadd.s32 $0xFFFFF800  }
0x13e: {  	_ =	swait.ge [sflag:s13], $0x800  }
0x13f: {  	[sflag:s13] =	ssyncset.done $0x0  }
0x140: {  	[sflag:s13] =	ssyncadd.s32 $0xFFFFF800  }
0x141: {  	_ =	swait.ge [sflag:s13], $0x800  }
0x142: {  	[sflag:s13] =	ssyncset.done $0x0  }
0x143: {  	p0 =	sne.s32 s9, $0x460;
	[sflag:s13] =	ssyncadd.s32 $0xFFFFF800  }
.Ltmp0:
0x144: {  	_ =	swait.ge [sflag:s13], $0x800;
	(pc) =	sbr.rel @p0 .LBB2_2-.Ltmp0, $4  }
0x145: {  	[sflag:s13] =	ssyncset.done $0x0  }
0x146: {  	[sflag:s13] =	ssyncadd.s32 $0xFFFFF800  }
0x147: {  	_ =	swait.ge [sflag:s13], $0x800  }
0x148: {  	s9 =	sadd.s32 $0xA0, s9;
	s6 =	rddreg [dreg:$0x5];
	[sflag:s13] =	ssyncset.done $0x0  }
0x149: {  	[sflag:s13] =	ssyncadd.s32 $0xFFFFF800;
	s6 =	sadd.s32 s10, s6  }
0x14a: {  	[tilespmem:s18], [sflag:$0x6] =	stream.linear.gather [hbm4b:s6+s4], $0x500, $0x38;
	[tilespmem:$0x1FE80] =	vst v63  }
0x14b: {  	_ =	swait.ge [sflag:s15], $0x500  }
0x14c: {  	s9 =	rddreg [dreg:$0x4];
	[sflag:s15] =	ssyncset.done $0x0  }
0x14d: {  	[sflag:s15] =	ssyncadd.s32 $0xFFFFFB00;
	s6 =	sadd.s32 s10, s9  }
0x14e: {  	[tilespmem:s19], [sflag:$0x6] =	stream.linear.gather [hbm4b:s6+s4], $0x500, $0x38;
	[tilespmem:$0x1FE80] =	vst v63  }
0x14f: {  	_ =	swait.ge [sflag:s15], $0x500  }
0x150: {  	[sflag:s15] =	ssyncset.done $0x0  }
0x151: {  	[sflag:s15] =	ssyncadd.s32 $0xFFFFFB00  }
0x152: {  	[tilespmem:s21], [sflag:$0x2] =	stream.indirect.gather [hbm4b:s5+s20], $0x80, s18, s20, $0xb8;
	[tilespmem:$0x1FE80] =	vst v63  }
0x153: {  	s9 =	rddreg [dreg:$0x6]  }
0x154: {  	[tilespmem:s22], [sflag:$0x3] =	stream.indirect.gather [hbm4b:s5+s20], $0x80, s9, s20, $0xb8;
	[tilespmem:$0x1FE80] =	vst v63  }
0x155: {  	_ =	swait.ge [sflag:s23], $0x4000  }
0x156: {  	[sflag:s23] =	ssyncset.done $0x0  }
0x157: {  	[sflag:s23] =	ssyncadd.s32 $0xFFFFC000  }
0x158: {  	[spmem:s2] =	stream.indirect.scatter.add.f32 [tilespmem:s21], [sflag:$0x4], $0x80, s19, s20, $0xb8;
	[tilespmem:$0x1FE80] =	vst v63  }
0x159: {  	_ = 	snop  }
0x15a: {  	[spmem:s3] =	stream.indirect.scatter.add.f32 [tilespmem:s17], [sflag:$0x1], $0x10, s19, s20, $0xb8;
	[tilespmem:$0x1FE80] =	vst v63  }
0x15b: {  	_ =	swait.ge [sflag:s24], $0x4000  }
0x15c: {  	[sflag:s24] =	ssyncset.done $0x0  }
0x15d: {  	s10 =	rddreg [dreg:$0x7];
	[sflag:s24] =	ssyncadd.s32 $0xFFFFC000  }
0x15e: {  	[tilespmem:s21], [sflag:$0x2] =	stream.indirect.gather [hbm4b:s5+s20], $0x80, s10, s20, $0xb8;
	[tilespmem:$0x1FE80] =	vst v63  }
0x15f: {  	_ =	swait.ge [sflag:s25], $0x4000  }
0x160: {  	[sflag:s25] =	ssyncset.done $0x0  }
0x161: {  	[sflag:s25] =	ssyncadd.s32 $0xFFFFC000  }
0x162: {  	[spmem:s2] =	stream.indirect.scatter.add.f32 [tilespmem:s22], [sflag:$0x5], $0x80, s26, s20, $0xb8;
	[tilespmem:$0x1FE80] =	vst v63  }
0x163: {  	_ = 	snop  }
0x164: {  	[spmem:s3] =	stream.indirect.scatter.add.f32 [tilespmem:s17], [sflag:$0x1], $0x10, s26, s20, $0xb8;
	[tilespmem:$0x1FE80] =	vst v63  }
0x165: {  	_ =	swait.ge [sflag:s28], $0x4000  }
0x166: {  	[sflag:s28] =	ssyncset.done $0x0  }
0x167: {  	s9 =	rddreg [dreg:$0x8];
	[sflag:s28] =	ssyncadd.s32 $0xFFFFC000  }
0x168: {  	[tilespmem:s22], [sflag:$0x3] =	stream.indirect.gather [hbm4b:s5+s20], $0x80, s9, s20, $0xb8;
	[tilespmem:$0x1FE80] =	vst v63  }
0x169: {  	_ =	swait.ge [sflag:s23], $0x4000  }
0x16a: {  	[sflag:s23] =	ssyncset.done $0x0  }
0x16b: {  	[sflag:s23] =	ssyncadd.s32 $0xFFFFC000  }
0x16c: {  	[spmem:s2] =	stream.indirect.scatter.add.f32 [tilespmem:s21], [sflag:$0x4], $0x80, s29, s20, $0xb8;
	[tilespmem:$0x1FE80] =	vst v63  }
0x16d: {  	_ = 	snop  }
0x16e: {  	[spmem:s3] =	stream.indirect.scatter.add.f32 [tilespmem:s17], [sflag:$0x1], $0x10, s29, s20, $0xb8;
	[tilespmem:$0x1FE80] =	vst v63  }
0x16f: {  	_ =	swait.ge [sflag:s24], $0x4000  }
0x170: {  	[sflag:s24] =	ssyncset.done $0x0  }
0x171: {  	s10 =	rddreg [dreg:$0x9];
	[sflag:s24] =	ssyncadd.s32 $0xFFFFC000  }
0x172: {  	[tilespmem:s21], [sflag:$0x2] =	stream.indirect.gather [hbm4b:s5+s20], $0x80, s10, s20, $0xb8;
	[tilespmem:$0x1FE80] =	vst v63  }
0x173: {  	_ =	swait.ge [sflag:s25], $0x4000  }
0x174: {  	[sflag:s25] =	ssyncset.done $0x0  }
0x175: {  	[sflag:s25] =	ssyncadd.s32 $0xFFFFC000  }
0x176: {  	[spmem:s2] =	stream.indirect.scatter.add.f32 [tilespmem:s22], [sflag:$0x5], $0x80, s30, s20, $0xb8;
	[tilespmem:$0x1FE80] =	vst v63  }
0x177: {  	_ = 	snop  }
0x178: {  	[spmem:s3] =	stream.indirect.scatter.add.f32 [tilespmem:s17], [sflag:$0x1], $0x10, s30, s20, $0xb8;
	[tilespmem:$0x1FE80] =	vst v63  }
0x179: {  	_ =	swait.ge [sflag:s28], $0x4000  }
0x17a: {  	[sflag:s28] =	ssyncset.done $0x0  }
0x17b: {  	s9 =	rddreg [dreg:$0xa];
	[sflag:s28] =	ssyncadd.s32 $0xFFFFC000  }
0x17c: {  	[tilespmem:s22], [sflag:$0x3] =	stream.indirect.gather [hbm4b:s5+s20], $0x80, s9, s20, $0xb8;
	[tilespmem:$0x1FE80] =	vst v63  }
0x17d: {  	_ =	swait.ge [sflag:s23], $0x4000  }
0x17e: {  	[sflag:s23] =	ssyncset.done $0x0  }
0x17f: {  	[sflag:s23] =	ssyncadd.s32 $0xFFFFC000  }
0x180: {  	[spmem:s2] =	stream.indirect.scatter.add.f32 [tilespmem:s21], [sflag:$0x4], $0x80, s31, s20, $0xb8;
	[tilespmem:$0x1FE80] =	vst v63  }
0x181: {  	_ = 	snop  }
0x182: {  	[spmem:s3] =	stream.indirect.scatter.add.f32 [tilespmem:s17], [sflag:$0x1], $0x10, s31, s20, $0xb8;
	[tilespmem:$0x1FE80] =	vst v63  }
0x183: {  	_ =	swait.ge [sflag:s24], $0x4000  }
0x184: {  	[sflag:s24] =	ssyncset.done $0x0  }
0x185: {  	s10 =	rddreg [dreg:$0xb];
	[sflag:s24] =	ssyncadd.s32 $0xFFFFC000  }
0x186: {  	[tilespmem:s21], [sflag:$0x2] =	stream.indirect.gather [hbm4b:s5+s20], $0x80, s10, s20, $0xb8;
	[tilespmem:$0x1FE80] =	vst v63  }
0x187: {  	_ =	swait.ge [sflag:s25], $0x4000  }
0x188: {  	[sflag:s25] =	ssyncset.done $0x0  }
0x189: {  	[sflag:s25] =	ssyncadd.s32 $0xFFFFC000  }
0x18a: {  	[spmem:s2] =	stream.indirect.scatter.add.f32 [tilespmem:s22], [sflag:$0x5], $0x80, s1, s20, $0xb8;
	[tilespmem:$0x1FE80] =	vst v63  }
0x18b: {  	_ = 	snop  }
0x18c: {  	[spmem:s3] =	stream.indirect.scatter.add.f32 [tilespmem:s17], [sflag:$0x1], $0x10, s1, s20, $0xb8;
	[tilespmem:$0x1FE80] =	vst v63  }
0x18d: {  	_ =	swait.ge [sflag:s28], $0x4000  }
0x18e: {  	[sflag:s28] =	ssyncset.done $0x0  }
0x18f: {  	s9 =	rddreg [dreg:$0xc];
	[sflag:s28] =	ssyncadd.s32 $0xFFFFC000  }
0x190: {  	[tilespmem:s22], [sflag:$0x3] =	stream.indirect.gather [hbm4b:s5+s20], $0x80, s9, s20, $0xb8;
	[tilespmem:$0x1FE80] =	vst v63  }
0x191: {  	_ =	swait.ge [sflag:s23], $0x4000  }
0x192: {  	[sflag:s23] =	ssyncset.done $0x0  }
0x193: {  	[sflag:s23] =	ssyncadd.s32 $0xFFFFC000  }
0x194: {  	[spmem:s2] =	stream.indirect.scatter.add.f32 [tilespmem:s21], [sflag:$0x4], $0x80, s0, s20, $0xb8;
	[tilespmem:$0x1FE80] =	vst v63  }
0x195: {  	_ = 	snop  }
0x196: {  	[spmem:s3] =	stream.indirect.scatter.add.f32 [tilespmem:s17], [sflag:$0x1], $0x10, s0, s20, $0xb8;
	[tilespmem:$0x1FE80] =	vst v63  }
0x197: {  	_ =	swait.ge [sflag:s24], $0x4000  }
0x198: {  	[sflag:s24] =	ssyncset.done $0x0  }
0x199: {  	[sflag:s24] =	ssyncadd.s32 $0xFFFFC000  }
0x19a: {  	[tilespmem:s21], [sflag:$0x2] =	stream.indirect.gather [hbm4b:s5+s20], $0x80, s14, s20, $0xb8;
	[tilespmem:$0x1FE80] =	vst v63  }
0x19b: {  	_ =	swait.ge [sflag:s25], $0x4000  }
0x19c: {  	[sflag:s25] =	ssyncset.done $0x0  }
0x19d: {  	[sflag:s25] =	ssyncadd.s32 $0xFFFFC000  }
0x19e: {  	[spmem:s2] =	stream.indirect.scatter.add.f32 [tilespmem:s22], [sflag:$0x5], $0x80, s7, s20, $0xb8;
	[tilespmem:$0x1FE80] =	vst v63  }
0x19f: {  	_ = 	snop  }
0x1a0: {  	[spmem:s3] =	stream.indirect.scatter.add.f32 [tilespmem:s17], [sflag:$0x1], $0x10, s7, s20, $0xb8;
	[tilespmem:$0x1FE80] =	vst v63  }
0x1a1: {  	_ =	swait.ge [sflag:s28], $0x4000  }
0x1a2: {  	[sflag:s28] =	ssyncset.done $0x0  }
0x1a3: {  	[sflag:s28] =	ssyncadd.s32 $0xFFFFC000  }
0x1a4: {  	[tilespmem:s22], [sflag:$0x3] =	stream.indirect.gather [hbm4b:s5+s20], $0x80, s8, s20, $0xb8;
	[tilespmem:$0x1FE80] =	vst v63  }
0x1a5: {  	_ =	swait.ge [sflag:s23], $0x4000  }
0x1a6: {  	[sflag:s23] =	ssyncset.done $0x0  }
0x1a7: {  	[sflag:s23] =	ssyncadd.s32 $0xFFFFC000  }
0x1a8: {  	[spmem:s2] =	stream.indirect.scatter.add.f32 [tilespmem:s21], [sflag:$0x4], $0x80, s11, s20, $0xb8;
	[tilespmem:$0x1FE80] =	vst v63  }
0x1a9: {  	_ = 	snop  }
0x1aa: {  	[spmem:s3] =	stream.indirect.scatter.add.f32 [tilespmem:s17], [sflag:$0x1], $0x10, s11, s20, $0xb8;
	[tilespmem:$0x1FE80] =	vst v63  }
0x1ab: {  	_ =	swait.ge [sflag:s25], $0x4000  }
0x1ac: {  	[sflag:s25] =	ssyncset.done $0x0  }
0x1ad: {  	[sflag:s25] =	ssyncadd.s32 $0xFFFFC000  }
0x1ae: {  	[spmem:s2] =	stream.indirect.scatter.add.f32 [tilespmem:s22], [sflag:$0x5], $0x80, s12, s20, $0xb8;
	[tilespmem:$0x1FE80] =	vst v63  }
0x1af: {  	_ = 	snop  }
0x1b0: {  	[spmem:s3] =	stream.indirect.scatter.add.f32 [tilespmem:s17], [sflag:$0x1], $0x10, s12, s20, $0xb8;
	[tilespmem:$0x1FE80] =	vst v63  }
0x1b1: {  	_ =	swait.ge [sflag:s24], $0x4000  }
0x1b2: {  	[sflag:s24] =	ssyncset.done $0x0  }
0x1b3: {  	[sflag:s24] =	ssyncadd.s32 $0xFFFFC000  }
0x1b4: {  	_ =	swait.ge [sflag:s28], $0x4000  }
0x1b5: {  	[sflag:s28] =	ssyncset.done $0x0  }
0x1b6: {  	[sflag:s28] =	ssyncadd.s32 $0xFFFFC000  }
0x1b7: {  	_ =	swait.ge [sflag:s13], $0x800  }
0x1b8: {  	[sflag:s13] =	ssyncset.done $0x0  }
0x1b9: {  	[sflag:s13] =	ssyncadd.s32 $0xFFFFF800  }
0x1ba: {  	_ =	swait.ge [sflag:s13], $0x800  }
0x1bb: {  	[sflag:s13] =	ssyncset.done $0x0  }
0x1bc: {  	[sflag:s13] =	ssyncadd.s32 $0xFFFFF800  }
0x1bd: {  	_ =	swait.ge [sflag:s13], $0x800  }
0x1be: {  	[sflag:s13] =	ssyncset.done $0x0  }
0x1bf: {  	[sflag:s13] =	ssyncadd.s32 $0xFFFFF800  }
0x1c0: {  	_ =	swait.ge [sflag:s13], $0x800  }
0x1c1: {  	[sflag:s13] =	ssyncset.done $0x0  }
0x1c2: {  	[sflag:s13] =	ssyncadd.s32 $0xFFFFF800  }
0x1c3: {  	_ =	swait.ge [sflag:s13], $0x800  }
0x1c4: {  	[sflag:s13] =	ssyncset.done $0x0  }
0x1c5: {  	[sflag:s13] =	ssyncadd.s32 $0xFFFFF800  }
0x1c6: {  	_ =	swait.ge [sflag:s13], $0x800  }
0x1c7: {  	[sflag:s13] =	ssyncset.done $0x0  }
0x1c8: {  	[sflag:s13] =	ssyncadd.s32 $0xFFFFF800  }
0x1c9: {  	_ =	swait.ge [sflag:s13], $0x800  }
0x1ca: {  	[sflag:s13] =	ssyncset.done $0x0  }
0x1cb: {  	[sflag:s13] =	ssyncadd.s32 $0xFFFFF800  }
0x1cc: {  	_ =	swait.ge [sflag:s13], $0x800  }
0x1cd: {  	[sflag:s13] =	ssyncset.done $0x0  }
0x1ce: {  	[sflag:s13] =	ssyncadd.s32 $0xFFFFF800  }
0x1cf: {  	_ =	swait.ge [sflag:s13], $0x800  }
0x1d0: {  	[sflag:s13] =	ssyncset.done $0x0  }
0x1d1: {  	[sflag:s13] =	ssyncadd.s32 $0xFFFFF800  }
0x1d2: {  	_ =	swait.ge [sflag:s13], $0x800  }
0x1d3: {  	[sflag:s13] =	ssyncset.done $0x0  }
0x1d4: {  	[sflag:s13] =	ssyncadd.s32 $0xFFFFF800  }
0x1d5: {  	[bflag:$0x0] =	sbarrier.arrive $0xFFFF  }
0x1d6: {  	s10 =	rddreg [dreg:$0x10]  }
0x1d7: {  	s9 =	rddreg [dreg:$0x12]  }
0x1d8: {  	s14 =	rddreg [dreg:$0x15]  }
0x1d9: {  	[hbm:s9], [sflag:s10] =	dma.local [spmem:s14], $0x2800  }
0x1da: {  	_ =	swait.ge [sflag:s15], $0x2800  }
0x1db: {  	[sflag:s15] =	ssyncset.done $0x0  }
0x1dc: {  	s10 =	rddreg [dreg:$0x11];
	[sflag:s15] =	ssyncadd.s32 $0xFFFFD800  }
0x1dd: {  	[tilespmem:s16], [sflag:$0x6] =	stream.linear.gather [spmem:s10], $0x200, $0x38;
	[tilespmem:$0x1FE80] =	vst v63  }
0x1de: {  	_ =	swait.ge [sflag:s15], $0x200  }
0x1df: {  	[sflag:s15] =	ssyncset.done $0x0  }
0x1e0: {  	[sflag:s15] =	ssyncadd.s32 $0xFFFFFE00  }
0x1e1: {  	v0 =	vld [tilespmem:$0x14000]  }
0x1e2: {  	v1 =	vld [tilespmem:$0x14010]  }
0x1e3: {  	v2 =	vld [tilespmem:$0x14020]  }
0x1e4: {  	v3 =	vld [tilespmem:$0x14030]  }
0x1e5: {  	v4 =	vld [tilespmem:$0x14040]  }
0x1e6: {  	v5 =	vld [tilespmem:$0x14050]  }
0x1e7: {  	v0 =	vsel vm0, v0, v1;
	v1 =	vld [tilespmem:$0x14060]  }
0x1e8: {  	v0 =	vsel vm1, v0, v2;
	v2 =	vld [tilespmem:$0x14070]  }
0x1e9: {  	v0 =	vsel vm2, v0, v3;
	v3 =	vld [tilespmem:$0x14080]  }
0x1ea: {  	v0 =	vsel vm3, v0, v4;
	v4 =	vld [tilespmem:$0x14090]  }
0x1eb: {  	v0 =	vsel vm4, v0, v5;
	v5 =	vld [tilespmem:$0x140A0]  }
0x1ec: {  	v0 =	vsel vm5, v0, v1;
	v1 =	vld [tilespmem:$0x140B0]  }
0x1ed: {  	v0 =	vsel vm6, v0, v2;
	v2 =	vld [tilespmem:$0x140C0]  }
0x1ee: {  	v0 =	vsel vm7, v0, v3;
	v3 =	vld [tilespmem:$0x140D0]  }
0x1ef: {  	v0 =	vsel vm8, v0, v4;
	v4 =	vld [tilespmem:$0x140E0]  }
0x1f0: {  	v0 =	vsel vm9, v0, v5;
	v5 =	vld [tilespmem:$0x140F0]  }
0x1f1: {  	v0 =	vsel vm10, v0, v1  }
0x1f2: {  	v0 =	vsel vm11, v0, v2  }
0x1f3: {  	v0 =	vsel vm12, v0, v3  }
0x1f4: {  	v0 =	vsel vm13, v0, v4  }
0x1f5: {  	s14 =	simm.s32 $0x0;
	v0 =	vsel vm14, v0, v5  }
0x1f6: {  	[tilespmem:s14+$0x16A00] =	vst v0  }
0x1f7: {  	v0 =	vld [tilespmem:$0x14100]  }
0x1f8: {  	v1 =	vld [tilespmem:$0x14110]  }
0x1f9: {  	v2 =	vld [tilespmem:$0x14120]  }
0x1fa: {  	v3 =	vld [tilespmem:$0x14130]  }
0x1fb: {  	v4 =	vld [tilespmem:$0x14140]  }
0x1fc: {  	v5 =	vld [tilespmem:$0x14150]  }
0x1fd: {  	v0 =	vsel vm0, v0, v1;
	v1 =	vld [tilespmem:$0x14160]  }
0x1fe: {  	v0 =	vsel vm1, v0, v2;
	v2 =	vld [tilespmem:$0x14170]  }
0x1ff: {  	v0 =	vsel vm2, v0, v3;
	v3 =	vld [tilespmem:$0x14180]  }
0x200: {  	v0 =	vsel vm3, v0, v4;
	v4 =	vld [tilespmem:$0x14190]  }
0x201: {  	v0 =	vsel vm4, v0, v5;
	v5 =	vld [tilespmem:$0x141A0]  }
0x202: {  	v6 =	vld [tilespmem:$0x141B0];
	v0 =	vsel vm5, v0, v1  }
0x203: {  	v1 =	vsel vm6, v0, v2  }
0x204: {  	v0 =	vld [tilespmem:$0x141C0];
	v2 =	vsel vm7, v1, v3  }
0x205: {  	v1 =	vld [tilespmem:$0x141D0];
	v3 =	vsel vm8, v2, v4  }
0x206: {  	v2 =	vld [tilespmem:$0x141E0];
	v4 =	vsel vm9, v3, v5  }
0x207: {  	s9 =	simm.s32 $0x80;
	v3 =	vld [tilespmem:$0x141F0];
	v4 =	vsel vm10, v4, v6  }
.LBB2_4:
0x208: {  	p0 =	sne.s32 s9, $0x980  }
0x209: {  	s10 =	sadd.s32 $0x200, s10;
	s6 =	smov.u32 s9;
	s9 =	sadd.s32 $0x80, s9  }
0x20a: {  	v0 =	vsel vm11, v4, v0  }
0x20b: {  	v0 =	vsel vm12, v0, v1  }
0x20c: {  	v0 =	vsel vm13, v0, v2  }
0x20d: {  	v0 =	vsel vm14, v0, v3  }
0x20e: {  	[tilespmem:s14+$0x16A10] =	vst v0  }
0x20f: {  	[tilespmem:s16], [sflag:$0x6] =	stream.linear.gather [spmem:s10], $0x200, $0x38;
	[tilespmem:$0x1FE80] =	vst v63  }
0x210: {  	_ =	swait.ge [sflag:s15], $0x200  }
0x211: {  	[sflag:s15] =	ssyncset.done $0x0  }
0x212: {  	[sflag:s15] =	ssyncadd.s32 $0xFFFFFE00  }
0x213: {  	v0 =	vld [tilespmem:$0x14000]  }
0x214: {  	v1 =	vld [tilespmem:$0x14010]  }
0x215: {  	v2 =	vld [tilespmem:$0x14020]  }
0x216: {  	v3 =	vld [tilespmem:$0x14030]  }
0x217: {  	v4 =	vld [tilespmem:$0x14040]  }
0x218: {  	v5 =	vld [tilespmem:$0x14050]  }
0x219: {  	v0 =	vsel vm0, v0, v1;
	v1 =	vld [tilespmem:$0x14060]  }
0x21a: {  	v0 =	vsel vm1, v0, v2;
	v2 =	vld [tilespmem:$0x14070]  }
0x21b: {  	v0 =	vsel vm2, v0, v3;
	v3 =	vld [tilespmem:$0x14080]  }
0x21c: {  	v0 =	vsel vm3, v0, v4;
	v4 =	vld [tilespmem:$0x14090]  }
0x21d: {  	v0 =	vsel vm4, v0, v5;
	v5 =	vld [tilespmem:$0x140A0]  }
0x21e: {  	v0 =	vsel vm5, v0, v1;
	v1 =	vld [tilespmem:$0x140B0]  }
0x21f: {  	v0 =	vsel vm6, v0, v2;
	v2 =	vld [tilespmem:$0x140C0]  }
0x220: {  	v0 =	vsel vm7, v0, v3;
	v3 =	vld [tilespmem:$0x140D0]  }
0x221: {  	v0 =	vsel vm8, v0, v4;
	v4 =	vld [tilespmem:$0x140E0]  }
0x222: {  	v0 =	vsel vm9, v0, v5;
	v5 =	vld [tilespmem:$0x140F0]  }
0x223: {  	v0 =	vsel vm10, v0, v1  }
0x224: {  	v0 =	vsel vm11, v0, v2  }
0x225: {  	v0 =	vsel vm12, v0, v3  }
0x226: {  	v0 =	vsel vm13, v0, v4  }
0x227: {  	s14 =	sshra.s32 s6, $0x2;
	v0 =	vsel vm14, v0, v5  }
0x228: {  	[tilespmem:s14+$0x16A00] =	vst v0  }
0x229: {  	v0 =	vld [tilespmem:$0x14100]  }
0x22a: {  	v1 =	vld [tilespmem:$0x14110]  }
0x22b: {  	v2 =	vld [tilespmem:$0x14120]  }
0x22c: {  	v3 =	vld [tilespmem:$0x14130]  }
0x22d: {  	v4 =	vld [tilespmem:$0x14140]  }
0x22e: {  	v5 =	vld [tilespmem:$0x14150]  }
0x22f: {  	v0 =	vsel vm0, v0, v1;
	v1 =	vld [tilespmem:$0x14160]  }
0x230: {  	v0 =	vsel vm1, v0, v2;
	v2 =	vld [tilespmem:$0x14170]  }
0x231: {  	v0 =	vsel vm2, v0, v3;
	v3 =	vld [tilespmem:$0x14180]  }
0x232: {  	v0 =	vsel vm3, v0, v4;
	v4 =	vld [tilespmem:$0x14190]  }
0x233: {  	v0 =	vsel vm4, v0, v5;
	v5 =	vld [tilespmem:$0x141A0]  }
0x234: {  	v0 =	vsel vm5, v0, v1;
	v6 =	vld [tilespmem:$0x141B0]  }
.Ltmp1:
0x235: {  	v1 =	vsel vm6, v0, v2;
	v0 =	vld [tilespmem:$0x141C0];
	(pc) =	sbr.rel @p0 .LBB2_4-.Ltmp1, $4  }
0x236: {  	v2 =	vsel vm7, v1, v3;
	v1 =	vld [tilespmem:$0x141D0]  }
0x237: {  	v3 =	vsel vm8, v2, v4;
	v2 =	vld [tilespmem:$0x141E0]  }
0x238: {  	v4 =	vsel vm9, v3, v5;
	v3 =	vld [tilespmem:$0x141F0]  }
0x239: {  	v4 =	vsel vm10, v4, v6  }
0x23a: {  	v0 =	vsel vm11, v4, v0  }
0x23b: {  	v0 =	vsel vm12, v0, v1  }
0x23c: {  	v0 =	vsel vm13, v0, v2  }
0x23d: {  	v0 =	vsel vm14, v0, v3  }
0x23e: {  	s6 =	rddreg [dreg:$0x13];
	s9 =	simm.s32 $0x16A00;
	[tilespmem:s14+$0x16A10] =	vst v0  }
0x23f: {  	[hbm4b:s6+s4] =	stream.linear.scatter [tilespmem:s9], [sflag:$0x6], $0x280, $0x38;
	[tilespmem:$0x1FE80] =	vst v63  }
0x240: {  	_ =	swait.ge [sflag:s15], $0x280  }
0x241: {  	s10 =	rddreg [dreg:$0x17]  }
0x242: {  	s14 =	rddreg [dreg:$0x14];
	s9 =	sadd.s32 $0x1, s10  }
0x243: {  	p0 =	sne.s32 s9, s14  }
.Ltmp2:
0x244: {  	_ = 	snop;
	(pc) =	sbr.rel @p0 .LBB2_1-.Ltmp2, $3  }
0x245: {  	_ =	sdelay $0x1  }
0x246: {  	[sflag:s15] =	ssyncset.done $0x0  }
0x247: {  	[sflag:s15] =	ssyncadd.s32 $0xFFFFFD80;
	s14 =	simm.s32 $0x1FD80  }
0x248: {  	_ =	sfence.sel $0x180000  }
0x249: {  	[bflag:$0x0] =	sbarrier.arrive $0xFFFF  }
0x24a: {  	_ =	strace $0x90000047  }
0x24b: {  	s0 =	stileid.u32;
	[bflag:$0x2] =	sbarrier.arrive $0xFFFF  }
0x24c: {  	p0 =	sne.s32 s0, $0x0;
	s0 =	rddreg [dreg:$0x3]  }
0x24d: {  	s0 =	sadd.s32 @!p0 $0x100000, s0  }
0x24e: {  	[sflag:s0] =	ssyncadd.tile.s32 @!p0 $0x1;
	_ =	shalt  }
.Lfunc_end2:
_tile_overlayer_lowered:
.L_overlay_start_2:
0x24f: {  	(tag) =	ssettag $0x2  }
0x250: {  	s0 =	rddreg [dreg:$0x0];
	s2 =	stileid.u32  }
0x251: {  	s1 =	rddreg [dreg:$0x1];
	p0 =	sne.s32 s2, $0x0  }
0x252: {  	s3 =	rddreg [dreg:$0x2];
	[bflag:$0x3] =	sbarrier.arrive $0xFFFF;
	s2 =	simm.s32 @!p0 $0x1C06  }
0x253: {  	[timem:s3], [sflag:s2] =	dma.local @!p0 [hbm:s0], s1  }
0x254: {  	s0 =	simm.s32 @!p0 $0x6  }
0x255: {  	_ =	swait.ge @!p0 [sflag:s0], s1  }
0x256: {  	s1 =	ssub.s32 @!p0 $0x0, s1;
	[sflag:s0] =	ssyncset.done @!p0 $0x0  }
0x257: {  	[sflag:s0] =	ssyncadd.s32 @!p0 s1  }
0x258: {  	[bflag:$0x3] =	sbarrier.arrive $0xFFFF  }
0x259: {  	_ =	shalt  }

// kernel: kernel.9.cloned.1.call-start
scs
__scs_entry_jumppad:
0x0: {  	(pc) =	sbr.rel $0x88, $3  }
0x1: {  	(tag) =	ssettag $0x0;
	lr =	simm.s32 $0x1  }
0x2: {  	[smem:$0x3F97] =	sst lr;
	_ =	strace $0xD0000000  }
0x3: {  	_ = 	snop  }
0x4: {  	_ = 	snop  }
0x5: {  	_ = 	snop  }
0x6: {  	_ = 	snop  }
0x7: {  	_ = 	snop  }
__scs_overlays_trampoline_lowered:
0x8: {  	[smem:$0x3FA6] =	sst s0  }
0x9: {  	[smem:$0x3FA7] =	sst s1  }
0xa: {  	[smem:$0x3FA8] =	sst s2  }
0xb: {  	[smem:$0x3FA9] =	sst s3  }
0xc: {  	[smem:$0x3FAA] =	sst s4  }
0xd: {  	[smem:$0x3FAB] =	sst s5  }
0xe: {  	[smem:$0x3FAC] =	sst s6  }
0xf: {  	[smem:$0x3FAD] =	sst s7  }
0x10: {  	[smem:$0x3FAE] =	sst s8  }
0x11: {  	[smem:$0x3FAF] =	sst s9;
	s0 =	simm.s32 @!p0 $0x0  }
0x12: {  	s1 =	sld [smem:$0x3F95];
	s0 =	simm.s32 @p0 $0x1  }
0x13: {  	[smem:$0x3FB0] =	sst s0;
	s0 =	simm.s32 @!p1 $0x0  }
0x14: {  	s2 =	sld [smem:$0x3F94];
	s0 =	simm.s32 @p1 $0x1  }
0x15: {  	[smem:$0x3FB1] =	sst s0;
	s0 =	simm.s32 @!p2 $0x0  }
0x16: {  	s3 =	sld [smem:$0x3FDB];
	s0 =	simm.s32 @p2 $0x1  }
0x17: {  	s4 =	simm.s32 $0x1BF5;
	[smem:$0x3FB3] =	sst s0  }
0x18: {  	s0 =	sld [smem:$0x3F96];
	_ =	swait.ge [sflag:s4], $0x0  }
0x19: {  	s7 =	sld [smem:$0x3F97]  }
0x1a: {  	s8 =	sadd.s32 $0xFFFFE003, lr  }
0x1b: {  	s9 =	sadd.s32 $0xFFFFFEF7, lr;
	s5 =	simm.s32 $0xFFFFFFFF;
	p2 =	slt.u32 s8, $0xFFFFF086  }
0x1c: {  	p1 =	slt.u32 s9, $0xF7A;
	s5 =	simm.s32 @!p2 $0x0  }
0x1d: {  	s5 =	simm.s32 @p1 $0x1;
	p0 =	seq.s32 s7, s2  }
0x1e: {  	s7 =	smul.u32 @!p0 $0xF7A, s2;
	p2 =	seq.s32 @!p0 s5, $0x0  }
0x1f: {  	s9 =	smul.u32 $0xF7A, s1;
	s8 =	simm.s32 @!p0 $0x1BF5;
	p2 =	por !p2, p0  }
0x20: {  	[sflag:s8] =	ssyncset.s32 @!p0 $0xFFFFF086;
	s6 =	sadd.s32 @!p0 s3, s7;
	s7 =	simm.s32 @!p0 $0x108  }
0x21: {  	s3 =	sadd.s32 s3, s9;
	s6 =	sadd.s32 @!p0 $0x88, s6;
	s7 =	simm.s32 @p2 $0x1082  }
0x22: {  	[simem:s7], [sflag:s8] =	dma.local @!p0 [hbm:s6], $0xF7A  }
0x23: {  	s9 =	sor.u32 $0xD0000000, s2;
	s6 =	simm.s32 $0x108;
	_ =	swait.ge @!p0 [sflag:s8], $0x0  }
0x24: {  	s3 =	sadd.s32 $0x88, s3;
	s6 =	simm.s32 @!p1 $0x1082;
	[sflag:s4] =	ssyncset.s32 $0xFFFFF086  }
0x25: {  	[simem:s6], [sflag:s4] =	dma.local [hbm:s3], $0xF7A  }
0x26: {  	[smem:$0x3F97] =	sst s1;
	(tag) =	ssettag s2;
	_ =	strace s9  }
0x27: {  	s1 =	sld [smem:$0x3FA7]  }
0x28: {  	s2 =	sld [smem:$0x3FA8]  }
0x29: {  	s4 =	sld [smem:$0x3FAA]  }
0x2a: {  	p0 =	seq.s32 s5, $0x0;
	s5 =	sld [smem:$0x3FAB]  }
0x2b: {  	s6 =	sld [smem:$0x3FAC]  }
0x2c: {  	s7 =	sld [smem:$0x3FAD]  }
0x2d: {  	s3 =	simm.s32 $0x108;
	s8 =	sld [smem:$0x3FAE]  }
0x2e: {  	s3 =	simm.s32 @!p0 $0x1082;
	s9 =	sld [smem:$0x3FAF]  }
0x2f: {  	lr =	sadd.s32 s0, s3;
	s0 =	sld [smem:$0x3FA6]  }
0x30: {  	s3 =	sld [smem:$0x3FA9]  }
0x31: {  	[smem:$0x3FB2] =	sst s10  }
0x32: {  	s10 =	sld [smem:$0x3FB0];
	_ =	sdelay $0x3  }
0x33: {  	p0 =	seq.s32 s10, $0x1;
	s10 =	sld [smem:$0x3FB2];
	_ =	sdelay $0x3  }
0x34: {  	[smem:$0x3FB2] =	sst s10  }
0x35: {  	s10 =	sld [smem:$0x3FB1];
	_ =	sdelay $0x3  }
0x36: {  	p1 =	seq.s32 s10, $0x1;
	s10 =	sld [smem:$0x3FB2];
	_ =	sdelay $0x3  }
0x37: {  	[smem:$0x3FB2] =	sst s10  }
0x38: {  	s10 =	sld [smem:$0x3FB3]  }
0x39: {  	_ = 	snop;
	(pc) =	sbr.ind lr, $3  }
0x3a: {  	_ = 	snop  }
0x3b: {  	_ = 	snop  }
0x3c: {  	p2 =	seq.s32 s10, $0x1;
	s10 =	sld [smem:$0x3FB2]  }
0x3d: {  	_ =	shalt  }
0x3e: {  	_ =	shalt  }
0x3f: {  	_ =	shalt  }
0x40: {  	_ =	shalt  }
0x41: {  	_ =	shalt  }
0x42: {  	_ =	shalt  }
0x43: {  	_ =	shalt  }
0x44: {  	_ =	shalt  }
0x45: {  	_ =	shalt  }
0x46: {  	_ =	shalt  }
0x47: {  	_ =	shalt  }
0x48: {  	_ =	shalt  }
0x49: {  	_ =	shalt  }
0x4a: {  	_ =	shalt  }
0x4b: {  	_ =	shalt  }
0x4c: {  	_ =	shalt  }
0x4d: {  	_ =	shalt  }
0x4e: {  	_ =	shalt  }
0x4f: {  	_ =	shalt  }
0x50: {  	_ =	shalt  }
0x51: {  	_ =	shalt  }
0x52: {  	_ =	shalt  }
0x53: {  	_ =	shalt  }
0x54: {  	_ =	shalt  }
0x55: {  	_ =	shalt  }
0x56: {  	_ =	shalt  }
0x57: {  	_ =	shalt  }
0x58: {  	_ =	shalt  }
0x59: {  	_ =	shalt  }
0x5a: {  	_ =	shalt  }
0x5b: {  	_ =	shalt  }
0x5c: {  	_ =	shalt  }
0x5d: {  	_ =	shalt  }
0x5e: {  	_ =	shalt  }
0x5f: {  	_ =	shalt  }
0x60: {  	_ =	shalt  }
0x61: {  	_ =	shalt  }
0x62: {  	_ =	shalt  }
0x63: {  	_ =	shalt  }
0x64: {  	_ =	shalt  }
0x65: {  	_ =	shalt  }
0x66: {  	_ =	shalt  }
0x67: {  	_ =	shalt  }
0x68: {  	_ =	shalt  }
0x69: {  	_ =	shalt  }
0x6a: {  	_ =	shalt  }
0x6b: {  	_ =	shalt  }
0x6c: {  	_ =	shalt  }
0x6d: {  	_ =	shalt  }
0x6e: {  	_ =	shalt  }
0x6f: {  	_ =	shalt  }
0x70: {  	_ =	shalt  }
0x71: {  	_ =	shalt  }
0x72: {  	_ =	shalt  }
0x73: {  	_ =	shalt  }
0x74: {  	_ =	shalt  }
0x75: {  	_ =	shalt  }
0x76: {  	_ =	shalt  }
0x77: {  	_ =	shalt  }
0x78: {  	_ =	shalt  }
0x79: {  	_ =	shalt  }
0x7a: {  	_ =	shalt  }
0x7b: {  	_ =	shalt  }
0x7c: {  	_ =	shalt  }
0x7d: {  	_ =	shalt  }
0x7e: {  	_ =	shalt  }
0x7f: {  	_ =	shalt  }
0x80: {  	_ =	shalt  }
0x81: {  	_ =	shalt  }
0x82: {  	_ =	shalt  }
0x83: {  	_ =	shalt  }
0x84: {  	_ =	shalt  }
0x85: {  	_ =	shalt  }
0x86: {  	_ =	shalt  }
0x87: {  	_ =	shalt  }
.Lfunc_end0:
.L_simem_size_0:
called_computation.1_lowered:
.L_overlay_start_0:
0x88: {  	s2 =	sld [smem:$0x3FD9]  }
0x89: {  	s3 =	sld [smem:$0x3FFE];
	_ =	sdelay $0x1  }
0x8a: {  	s1 =	srdreg.scid  }
0x8b: {  	s0 =	sand.u32 $0x1, s1  }
0x8c: {  	s16 =	sshll.u32 s0, $0xA;
	s2 =	sadd.s32 s3, s2  }
0x8d: {  	s2 =	sadd.s32 s2, s16  }
0x8e: {  	[smem:$0x3FBE] =	sst s2  }
0x8f: {  	_ = 	snop  }
0x90: {  	(tm) =	ssettm $0x1  }
0x91: {  	s17 =	sld [smem:$0x3FFB];
	_ =	sdelay $0x3  }
0x92: {  	_ =	strace s17  }
0x93: {  	s2 =	sld [smem:$0x3FFC];
	_ =	sdelay $0x3  }
0x94: {  	_ =	strace s2  }
0x95: {  	s2 =	sld [smem:$0x3FFD];
	_ =	sdelay $0x3  }
0x96: {  	_ =	strace s2  }
0x97: {  	_ =	strace $0x8FFFFFFF  }
0x98: {  	s18 =	sld [smem:$0x3FDB];
	_ =	sdelay $0x1  }
0x99: {  	s19 =	simm.s32 $_scs_section_size  }
0x9a: {  	s4 =	simm.s32 $_size__tile_overlayer_lowered;
	s5 =	simm.s32 $_tile_overlayer_lowered  }
0x9b: {  	s22 =	simm.s32 $0x1BFF;
	s21 =	sshll.u32 s5, $0x1;
	s2 =	sadd.s32 s19, s18  }
0x9c: {  	s6 =	simm.s32 $0x0;
	s20 =	sshll.u32 s4, $0x1;
	s4 =	sadd.s32 s21, s2  }
0x9d: {  	[timem:s6], [sflag:s22] =	dma.local [hbm:s4], s20  }
0x9e: {  	_ =	swait.ge [sflag:s22], s20  }
0x9f: {  	s3 =	ssub.s32 $0x0, s20;
	[sflag:s22] =	ssyncset.done $0x0  }
0xa0: {  	[sflag:s22] =	ssyncadd.s32 s3;
	_ =	sdelay $0x1  }
0xa1: {  	s23 =	simm.s32 $0x1B8B  }
0xa2: {  	_ =	swait.ge [sflag:s23], $0x1  }
0xa3: {  	[sflag:s23] =	ssyncset.done $0x0  }
0xa4: {  	s25 =	simm.s32 $0x1B8E;
	s24 =	sld [smem:$0x3FFE];
	[sflag:s23] =	ssyncadd.s32 $0xFFFFFFFF  }
0xa5: {  	s26 =	simm.s32 $execute0_lowered;
	[smem:$0x3FD2] =	sst s25  }
0xa6: {  	s4 =	sshll.u32 s26, $0x1;
	_ =	strace $0x80000049;
	[dreg:$0x1] =	wrdreg $0xFFFFFFFF  }
0xa7: {  	s28 =	simm.s32 $_size_execute0_lowered;
	s2 =	sadd.s32 s2, s4;
	[dreg:$0x0] =	wrdreg $0x0  }
0xa8: {  	s4 =	sshll.u32 s28, $0x1;
	[dreg:$0x2] =	wrdreg s2  }
0xa9: {  	[dreg:$0x3] =	wrdreg s4  }
0xaa: {  	[dreg:$0x4] =	wrdreg $0xC0  }
0xab: {  	_ =	task [dreg:s6], $0x5FFFF  }
0xac: {  	[dreg:$0x1] =	wrdreg $0xFFFFFFFF  }
0xad: {  	[dreg:$0x0] =	wrdreg $0x60  }
0xae: {  	[dreg:$0x2] =	wrdreg s24  }
0xaf: {  	[dreg:$0x3] =	wrdreg $0x0  }
0xb0: {  	[dreg:$0x4] =	wrdreg $0x9  }
0xb1: {  	_ =	task.clear_ibuf [dreg:s6], $0x5FFFF;
	_ =	strace $0x90000049  }
0xb2: {  	s29 =	simm.s32 $0x9;
	_ =	strace $0x8000004B  }
0xb3: {  	_ =	swait.ge [sflag:s29], $0x1  }
0xb4: {  	[sflag:s29] =	ssyncadd.s32 $0xFFFFFFFF  }
0xb5: {  	_ =	strace $0x9000004B  }
0xb6: {  	_ =	sfence  }
0xb7: {  	s30 =	sld [smem:$0x0];
	_ =	sdelay $0x2  }
0xb8: {  	s31 =	sshll.u32 s1, $0xD;
	s1 =	sshrl.u32 s1, $0x2  }
0xb9: {  	s3 =	sand.u32 $0x4000, s31;
	s1 =	sadd.s32 s1, s30  }
0xba: {  	s0 =	sor.u32 s3, s0;
	s1 =	sshll.u32 s1, $0x11  }
0xbb: {  	s0 =	sor.u32 s1, s0  }
0xbc: {  	s0 =	sadd.s32 $0x8F2B, s0  }
0xbd: {  	[sflag:s0] =	ssyncadd.remote.s32 $0x1  }
0xbe: {  	_ =	sfence.sel $0xFFFF  }
0xbf: {  	[dreg:$0x0] =	wrdreg $0xFFFFFFFF;
	(pc) =	sbr.abs _section_cstart, $3  }
0xc0: {  	[dreg:$0x1] =	wrdreg $0xFFFFFFFF  }
0xc1: {  	_ =	task.clear_ibuf [dreg:s6], $0x2FFFF;
	_ =	strace $0x9FFFFFFF  }
0xc2: {  	(tm) =	ssettm $0x7FFFFFFF  }
0xc3: {  	_ =	shalt  }
tec
execute0_lowered:
.L_overlay_start_1:
0x0: {  	(tag) =	ssettag $0x1  }
0x1: {  	s0 =	srdreg.scid  }
0x2: {  	s1 =	rddreg [dreg:$0x0];
	s9 =	stileid.u32  }
0x3: {  	s2 =	rddreg [dreg:$0x1];
	s3 =	simm.s32 $0x0;
	s22 =	simm.s32 $0x9880  }
0x4: {  	s24 =	simm.s32 $0x9900;
	s25 =	simm.s32 $0x5080;
	s10 =	simm.s32 $0x9A00  }
0x5: {  	s11 =	simm.s32 $0x5180;
	s12 =	simm.s32 $0x9A80;
	s13 =	simm.s32 $0x5200  }
0x6: {  	s14 =	simm.s32 $0x9B00;
	[smem:$0x7FF] =	sst s3;
	s8 =	sadd.s32 $0xBC00, s1  }
0x7: {  	s5 =	smul.u32 $0x2800, s9;
	_ =	strace $0x8000004A;
	[dreg:$0x1b] =	wrdreg s8  }
0x8: {  	s15 =	simm.s32 $0x5280;
	s18 =	smul.u32 $0xA00, s9;
	[dreg:$0x5] =	wrdreg s22  }
0x9: {  	s16 =	simm.s32 $0x9B80;
	s21 =	smul.u32 $0x14000, s9;
	[dreg:$0x6] =	wrdreg s24  }
0xa: {  	s26 =	sshll.u32 s9, $0x6;
	s9 =	simm.s32 $0x5100;
	[dreg:$0x7] =	wrdreg s25  }
0xb: {  	s17 =	simm.s32 $0x5300;
	s28 =	simm.s32 $0x9E80;
	[dreg:$0x9] =	wrdreg s9  }
0xc: {  	s29 =	simm.s32 $0x5600;
	s0 =	sand.u32 $0x1, s0;
	[dreg:$0xa] =	wrdreg s10  }
0xd: {  	s30 =	simm.s32 $0x9F00;
	s4 =	smul.u32 $0x28000, s0;
	[dreg:$0xb] =	wrdreg s11  }
0xe: {  	s31 =	simm.s32 $0x5680;
	s7 =	smul.u32 $0xA000, s0;
	[dreg:$0xc] =	wrdreg s12  }
0xf: {  	s0 =	ssub.s32 $0x2, s0;
	s8 =	simm.s32 $0x9980;
	[dreg:$0xd] =	wrdreg s13  }
0x10: {  	s10 =	simm.s32 $0x9;
	s11 =	simm.s32 $0x9800;
	[dreg:$0xe] =	wrdreg s14  }
0x11: {  	s12 =	simm.s32 $0x5000;
	s13 =	simm.s32 $0x80;
	[dreg:$0xf] =	wrdreg s15  }
0x12: {  	s14 =	simm.s32 $0x5800;
	[dreg:$0x10] =	wrdreg s16;
	s15 =	simm.s32 $0x6800  }
0x13: {  	[dreg:$0x11] =	wrdreg s17;
	s16 =	simm.s32 $0x1;
	s17 =	simm.s32 $0x7800  }
0x14: {  	s22 =	simm.s32 $0x9D00;
	s24 =	simm.s32 $0x9D80;
	[dreg:$0x8] =	wrdreg s8  }
0x15: {  	s25 =	simm.s32 $0x5500;
	s9 =	simm.s32 $0x0;
	[dreg:$0x16] =	wrdreg s22  }
0x16: {  	s19 =	sshrl.u32 s0, $0x1;
	s23 =	sshrl.u32 s21, $0x2;
	[dreg:$0x18] =	wrdreg s24  }
0x17: {  	s21 =	simm.s32 $0x5400;
	s22 =	simm.s32 $0x4;
	[dreg:$0x19] =	wrdreg s25  }
0x18: {  	s24 =	simm.s32 $0x7;
	s25 =	simm.s32 $0x8;
	s4 =	sadd.s32 s5, s4  }
0x19: {  	s5 =	sadd.s32 s18, s7;
	s0 =	ssub.s32 s0, s19;
	s7 =	sor.u32 $0x1C09, s26  }
0x1a: {  	s18 =	simm.s32 $0x9C00;
	s19 =	simm.s32 $0x5380;
	[dreg:$0x15] =	wrdreg s21  }
0x1b: {  	s21 =	simm.s32 $0x5;
	s26 =	simm.s32 $0x9E00;
	[dreg:$0x12] =	wrdreg s18  }
0x1c: {  	s6 =	sshrl.u32 s4, $0x3;
	s4 =	sadd.s32 $0x1C00, s1;
	[dreg:$0x13] =	wrdreg s19  }
0x1d: {  	s0 =	smax.u32 s0, $0x1;
	s18 =	simm.s32 $0x2;
	[dreg:$0x1a] =	wrdreg s26  }
0x1e: {  	s19 =	simm.s32 $0x8800;
	[dreg:$0x1c] =	wrdreg s7;
	s6 =	sadd.s32 s6, s1  }
0x1f: {  	s26 =	simm.s32 $0x5580;
	[dreg:$0x1e] =	wrdreg s0;
	s20 =	sadd.s32 $0x33C00, s6  }
0x20: {  	s1 =	sadd.s32 s5, s1;
	s6 =	sadd.s32 $0x29C00, s6;
	[dreg:$0x3] =	wrdreg s20  }
0x21: {  	s0 =	simm.s32 $0x5700;
	s1 =	sadd.s32 $0xC600, s1;
	[dreg:$0x4] =	wrdreg s6  }
0x22: {  	s5 =	simm.s32 $0x5780;
	[dreg:$0x1d] =	wrdreg s1;
	s20 =	simm.s32 $0x9C80  }
0x23: {  	s6 =	sadd.s32 s23, s2;
	s23 =	simm.s32 $0x5480;
	[dreg:$0x14] =	wrdreg s20  }
0x24: {  	s1 =	simm.s32 $0x9F80;
	s8 =	sshrl.u32 s6, $0x3;
	[dreg:$0x17] =	wrdreg s23  }
0x25: {  	s20 =	simm.s32 $0x3;
	s23 =	simm.s32 $0x6;
	[dreg:$0x1f] =	wrdreg s8  }
.LBB2_1:
0x26: {  	[smem:$0x7FD] =	sst s9  }
0x27: {  	s6 =	rddreg [dreg:$0x1b]  }
0x28: {  	[spmem:s8], [sflag:s7] =	dma.local [hbm:s6], $0xA00  }
0x29: {  	_ =	swait.ge [sflag:s10], $0xA00  }
0x2a: {  	[sflag:s10] =	ssyncset.done $0x0  }
0x2b: {  	[sflag:s10] =	ssyncadd.s32 $0xFFFFF600  }
0x2c: {  	[bflag:$0x0] =	sbarrier.arrive $0xFFFF  }
0x2d: {  	s7 =	rddreg [dreg:$0x4]  }
0x2e: {  	s6 =	sadd.s32 $0x0, s7  }
0x2f: {  	[tilespmem:s11], [sflag:$0x9] =	stream.linear.gather [hbm4b:s6+s3], $0x800, $0x38;
	[tilespmem:$0xA000] =	vst v63  }
0x30: {  	_ =	swait.ge [sflag:s10], $0x800  }
0x31: {  	s8 =	rddreg [dreg:$0x3];
	[sflag:s10] =	ssyncset.done $0x0  }
0x32: {  	[sflag:s10] =	ssyncadd.s32 $0xFFFFF800;
	s6 =	sadd.s32 $0x0, s8  }
0x33: {  	[tilespmem:s12], [sflag:$0x9] =	stream.linear.gather [hbm4b:s6+s3], $0x800, $0x38;
	[tilespmem:$0xA000] =	vst v63  }
0x34: {  	_ =	swait.ge [sflag:s10], $0x800  }
0x35: {  	[sflag:s10] =	ssyncset.done $0x0  }
0x36: {  	[sflag:s10] =	ssyncadd.s32 $0xFFFFF800  }
0x37: {  	[tilespmem:s14], [sflag:$0x1] =	stream.indirect.gather [hbm4b:s4+s13], $0x20, s11, s13, $0xb8;
	[tilespmem:$0xA000] =	vst v63  }
0x38: {  	s9 =	rddreg [dreg:$0x5]  }
0x39: {  	[tilespmem:s15], [sflag:$0x2] =	stream.indirect.gather [hbm4b:s4+s13], $0x20, s9, s13, $0xb8;
	[tilespmem:$0xA000] =	vst v63  }
0x3a: {  	_ =	swait.ge [sflag:s16], $0x1000  }
0x3b: {  	[sflag:s16] =	ssyncset.done $0x0  }
0x3c: {  	[sflag:s16] =	ssyncadd.s32 $0xFFFFF000  }
0x3d: {  	[spmem:s2] =	stream.indirect.scatter.add.f32 [tilespmem:s14], [sflag:$0x5], $0x20, s12, s13, $0xb8;
	[tilespmem:$0xA000] =	vst v63  }
0x3e: {  	s7 =	rddreg [dreg:$0x6]  }
0x3f: {  	[tilespmem:s17], [sflag:$0x3] =	stream.indirect.gather [hbm4b:s4+s13], $0x20, s7, s13, $0xb8;
	[tilespmem:$0xA000] =	vst v63  }
0x40: {  	_ =	swait.ge [sflag:s18], $0x1000  }
0x41: {  	[sflag:s18] =	ssyncset.done $0x0  }
0x42: {  	s8 =	rddreg [dreg:$0x7];
	[sflag:s18] =	ssyncadd.s32 $0xFFFFF000  }
0x43: {  	[spmem:s2] =	stream.indirect.scatter.add.f32 [tilespmem:s15], [sflag:$0x6], $0x20, s8, s13, $0xb8;
	[tilespmem:$0xA000] =	vst v63  }
0x44: {  	s9 =	rddreg [dreg:$0x8]  }
0x45: {  	[tilespmem:s19], [sflag:$0x4] =	stream.indirect.gather [hbm4b:s4+s13], $0x20, s9, s13, $0xb8;
	[tilespmem:$0xA000] =	vst v63  }
0x46: {  	_ =	swait.ge [sflag:s20], $0x1000  }
0x47: {  	[sflag:s20] =	ssyncset.done $0x0  }
0x48: {  	s7 =	rddreg [dreg:$0x9];
	[sflag:s20] =	ssyncadd.s32 $0xFFFFF000  }
0x49: {  	[spmem:s2] =	stream.indirect.scatter.add.f32 [tilespmem:s17], [sflag:$0x7], $0x20, s7, s13, $0xb8;
	[tilespmem:$0xA000] =	vst v63  }
0x4a: {  	_ =	swait.ge [sflag:s21], $0x1000  }
0x4b: {  	[sflag:s21] =	ssyncset.done $0x0  }
0x4c: {  	s8 =	rddreg [dreg:$0xa];
	[sflag:s21] =	ssyncadd.s32 $0xFFFFF000  }
0x4d: {  	[tilespmem:s14], [sflag:$0x1] =	stream.indirect.gather [hbm4b:s4+s13], $0x20, s8, s13, $0xb8;
	[tilespmem:$0xA000] =	vst v63  }
0x4e: {  	_ =	swait.ge [sflag:s22], $0x1000  }
0x4f: {  	[sflag:s22] =	ssyncset.done $0x0  }
0x50: {  	s9 =	rddreg [dreg:$0xb];
	[sflag:s22] =	ssyncadd.s32 $0xFFFFF000  }
0x51: {  	[spmem:s2] =	stream.indirect.scatter.add.f32 [tilespmem:s19], [sflag:$0x8], $0x20, s9, s13, $0xb8;
	[tilespmem:$0xA000] =	vst v63  }
0x52: {  	_ =	swait.ge [sflag:s23], $0x1000  }
0x53: {  	[sflag:s23] =	ssyncset.done $0x0  }
0x54: {  	s7 =	rddreg [dreg:$0xc];
	[sflag:s23] =	ssyncadd.s32 $0xFFFFF000  }
0x55: {  	[tilespmem:s15], [sflag:$0x2] =	stream.indirect.gather [hbm4b:s4+s13], $0x20, s7, s13, $0xb8;
	[tilespmem:$0xA000] =	vst v63  }
0x56: {  	_ =	swait.ge [sflag:s16], $0x1000  }
0x57: {  	[sflag:s16] =	ssyncset.done $0x0  }
0x58: {  	s8 =	rddreg [dreg:$0xd];
	[sflag:s16] =	ssyncadd.s32 $0xFFFFF000  }
0x59: {  	[spmem:s2] =	stream.indirect.scatter.add.f32 [tilespmem:s14], [sflag:$0x5], $0x20, s8, s13, $0xb8;
	[tilespmem:$0xA000] =	vst v63  }
0x5a: {  	_ =	swait.ge [sflag:s24], $0x1000  }
0x5b: {  	[sflag:s24] =	ssyncset.done $0x0  }
0x5c: {  	s9 =	rddreg [dreg:$0xe];
	[sflag:s24] =	ssyncadd.s32 $0xFFFFF000  }
0x5d: {  	[tilespmem:s17], [sflag:$0x3] =	stream.indirect.gather [hbm4b:s4+s13], $0x20, s9, s13, $0xb8;
	[tilespmem:$0xA000] =	vst v63  }
0x5e: {  	_ =	swait.ge [sflag:s18], $0x1000  }
0x5f: {  	[sflag:s18] =	ssyncset.done $0x0  }
0x60: {  	s7 =	rddreg [dreg:$0xf];
	[sflag:s18] =	ssyncadd.s32 $0xFFFFF000  }
0x61: {  	[spmem:s2] =	stream.indirect.scatter.add.f32 [tilespmem:s15], [sflag:$0x6], $0x20, s7, s13, $0xb8;
	[tilespmem:$0xA000] =	vst v63  }
0x62: {  	_ =	swait.ge [sflag:s25], $0x1000  }
0x63: {  	[sflag:s25] =	ssyncset.done $0x0  }
0x64: {  	s8 =	rddreg [dreg:$0x10];
	[sflag:s25] =	ssyncadd.s32 $0xFFFFF000  }
0x65: {  	[tilespmem:s19], [sflag:$0x4] =	stream.indirect.gather [hbm4b:s4+s13], $0x20, s8, s13, $0xb8;
	[tilespmem:$0xA000] =	vst v63  }
0x66: {  	_ =	swait.ge [sflag:s20], $0x1000  }
0x67: {  	[sflag:s20] =	ssyncset.done $0x0  }
0x68: {  	s9 =	rddreg [dreg:$0x11];
	[sflag:s20] =	ssyncadd.s32 $0xFFFFF000  }
0x69: {  	[spmem:s2] =	stream.indirect.scatter.add.f32 [tilespmem:s17], [sflag:$0x7], $0x20, s9, s13, $0xb8;
	[tilespmem:$0xA000] =	vst v63  }
0x6a: {  	_ =	swait.ge [sflag:s21], $0x1000  }
0x6b: {  	[sflag:s21] =	ssyncset.done $0x0  }
0x6c: {  	s7 =	rddreg [dreg:$0x12];
	[sflag:s21] =	ssyncadd.s32 $0xFFFFF000  }
0x6d: {  	[tilespmem:s14], [sflag:$0x1] =	stream.indirect.gather [hbm4b:s4+s13], $0x20, s7, s13, $0xb8;
	[tilespmem:$0xA000] =	vst v63  }
0x6e: {  	_ =	swait.ge [sflag:s22], $0x1000  }
0x6f: {  	[sflag:s22] =	ssyncset.done $0x0  }
0x70: {  	s8 =	rddreg [dreg:$0x13];
	[sflag:s22] =	ssyncadd.s32 $0xFFFFF000  }
0x71: {  	[spmem:s2] =	stream.indirect.scatter.add.f32 [tilespmem:s19], [sflag:$0x8], $0x20, s8, s13, $0xb8;
	[tilespmem:$0xA000] =	vst v63  }
0x72: {  	_ =	swait.ge [sflag:s23], $0x1000  }
0x73: {  	[sflag:s23] =	ssyncset.done $0x0  }
0x74: {  	s9 =	rddreg [dreg:$0x14];
	[sflag:s23] =	ssyncadd.s32 $0xFFFFF000  }
0x75: {  	[tilespmem:s15], [sflag:$0x2] =	stream.indirect.gather [hbm4b:s4+s13], $0x20, s9, s13, $0xb8;
	[tilespmem:$0xA000] =	vst v63  }
0x76: {  	_ =	swait.ge [sflag:s16], $0x1000  }
0x77: {  	[sflag:s16] =	ssyncset.done $0x0  }
0x78: {  	s7 =	rddreg [dreg:$0x15];
	[sflag:s16] =	ssyncadd.s32 $0xFFFFF000  }
0x79: {  	[spmem:s2] =	stream.indirect.scatter.add.f32 [tilespmem:s14], [sflag:$0x5], $0x20, s7, s13, $0xb8;
	[tilespmem:$0xA000] =	vst v63  }
0x7a: {  	_ =	swait.ge [sflag:s24], $0x1000  }
0x7b: {  	[sflag:s24] =	ssyncset.done $0x0  }
0x7c: {  	s8 =	rddreg [dreg:$0x16];
	[sflag:s24] =	ssyncadd.s32 $0xFFFFF000  }
0x7d: {  	[tilespmem:s17], [sflag:$0x3] =	stream.indirect.gather [hbm4b:s4+s13], $0x20, s8, s13, $0xb8;
	[tilespmem:$0xA000] =	vst v63  }
0x7e: {  	_ =	swait.ge [sflag:s18], $0x1000  }
0x7f: {  	[sflag:s18] =	ssyncset.done $0x0  }
0x80: {  	s9 =	rddreg [dreg:$0x17];
	[sflag:s18] =	ssyncadd.s32 $0xFFFFF000  }
0x81: {  	[spmem:s2] =	stream.indirect.scatter.add.f32 [tilespmem:s15], [sflag:$0x6], $0x20, s9, s13, $0xb8;
	[tilespmem:$0xA000] =	vst v63  }
0x82: {  	_ =	swait.ge [sflag:s25], $0x1000  }
0x83: {  	[sflag:s25] =	ssyncset.done $0x0  }
0x84: {  	s7 =	rddreg [dreg:$0x18];
	[sflag:s25] =	ssyncadd.s32 $0xFFFFF000  }
0x85: {  	[tilespmem:s19], [sflag:$0x4] =	stream.indirect.gather [hbm4b:s4+s13], $0x20, s7, s13, $0xb8;
	[tilespmem:$0xA000] =	vst v63  }
0x86: {  	_ =	swait.ge [sflag:s20], $0x1000  }
0x87: {  	[sflag:s20] =	ssyncset.done $0x0  }
0x88: {  	s8 =	rddreg [dreg:$0x19];
	[sflag:s20] =	ssyncadd.s32 $0xFFFFF000  }
0x89: {  	[spmem:s2] =	stream.indirect.scatter.add.f32 [tilespmem:s17], [sflag:$0x7], $0x20, s8, s13, $0xb8;
	[tilespmem:$0xA000] =	vst v63  }
0x8a: {  	_ =	swait.ge [sflag:s21], $0x1000  }
0x8b: {  	[sflag:s21] =	ssyncset.done $0x0  }
0x8c: {  	s9 =	rddreg [dreg:$0x1a];
	[sflag:s21] =	ssyncadd.s32 $0xFFFFF000  }
0x8d: {  	[tilespmem:s14], [sflag:$0x1] =	stream.indirect.gather [hbm4b:s4+s13], $0x20, s9, s13, $0xb8;
	[tilespmem:$0xA000] =	vst v63  }
0x8e: {  	_ =	swait.ge [sflag:s22], $0x1000  }
0x8f: {  	[sflag:s22] =	ssyncset.done $0x0  }
0x90: {  	[sflag:s22] =	ssyncadd.s32 $0xFFFFF000  }
0x91: {  	[spmem:s2] =	stream.indirect.scatter.add.f32 [tilespmem:s19], [sflag:$0x8], $0x20, s26, s13, $0xb8;
	[tilespmem:$0xA000] =	vst v63  }
0x92: {  	_ =	swait.ge [sflag:s23], $0x1000  }
0x93: {  	[sflag:s23] =	ssyncset.done $0x0  }
0x94: {  	[sflag:s23] =	ssyncadd.s32 $0xFFFFF000  }
0x95: {  	[tilespmem:s15], [sflag:$0x2] =	stream.indirect.gather [hbm4b:s4+s13], $0x20, s28, s13, $0xb8;
	[tilespmem:$0xA000] =	vst v63  }
0x96: {  	_ =	swait.ge [sflag:s16], $0x1000  }
0x97: {  	[sflag:s16] =	ssyncset.done $0x0  }
0x98: {  	[sflag:s16] =	ssyncadd.s32 $0xFFFFF000  }
0x99: {  	[spmem:s2] =	stream.indirect.scatter.add.f32 [tilespmem:s14], [sflag:$0x5], $0x20, s29, s13, $0xb8;
	[tilespmem:$0xA000] =	vst v63  }
0x9a: {  	_ =	swait.ge [sflag:s24], $0x1000  }
0x9b: {  	[sflag:s24] =	ssyncset.done $0x0  }
0x9c: {  	[sflag:s24] =	ssyncadd.s32 $0xFFFFF000  }
0x9d: {  	[tilespmem:s17], [sflag:$0x3] =	stream.indirect.gather [hbm4b:s4+s13], $0x20, s30, s13, $0xb8;
	[tilespmem:$0xA000] =	vst v63  }
0x9e: {  	_ =	swait.ge [sflag:s18], $0x1000  }
0x9f: {  	[sflag:s18] =	ssyncset.done $0x0  }
0xa0: {  	[sflag:s18] =	ssyncadd.s32 $0xFFFFF000  }
0xa1: {  	[spmem:s2] =	stream.indirect.scatter.add.f32 [tilespmem:s15], [sflag:$0x6], $0x20, s31, s13, $0xb8;
	[tilespmem:$0xA000] =	vst v63  }
0xa2: {  	_ =	swait.ge [sflag:s25], $0x1000  }
0xa3: {  	[sflag:s25] =	ssyncset.done $0x0  }
0xa4: {  	[sflag:s25] =	ssyncadd.s32 $0xFFFFF000  }
0xa5: {  	[tilespmem:s19], [sflag:$0x4] =	stream.indirect.gather [hbm4b:s4+s13], $0x20, s1, s13, $0xb8;
	[tilespmem:$0xA000] =	vst v63  }
0xa6: {  	_ =	swait.ge [sflag:s20], $0x1000  }
0xa7: {  	[sflag:s20] =	ssyncset.done $0x0  }
0xa8: {  	[sflag:s20] =	ssyncadd.s32 $0xFFFFF000  }
0xa9: {  	[spmem:s2] =	stream.indirect.scatter.add.f32 [tilespmem:s17], [sflag:$0x7], $0x20, s0, s13, $0xb8;
	[tilespmem:$0xA000] =	vst v63  }
0xaa: {  	_ =	swait.ge [sflag:s22], $0x1000  }
0xab: {  	[sflag:s22] =	ssyncset.done $0x0  }
0xac: {  	[sflag:s22] =	ssyncadd.s32 $0xFFFFF000  }
0xad: {  	[spmem:s2] =	stream.indirect.scatter.add.f32 [tilespmem:s19], [sflag:$0x8], $0x20, s5, s13, $0xb8;
	[tilespmem:$0xA000] =	vst v63  }
0xae: {  	_ =	swait.ge [sflag:s21], $0x1000  }
0xaf: {  	[sflag:s21] =	ssyncset.done $0x0  }
0xb0: {  	[sflag:s21] =	ssyncadd.s32 $0xFFFFF000  }
0xb1: {  	_ =	swait.ge [sflag:s23], $0x1000  }
0xb2: {  	[sflag:s23] =	ssyncset.done $0x0  }
0xb3: {  	[sflag:s23] =	ssyncadd.s32 $0xFFFFF000  }
0xb4: {  	_ =	swait.ge [sflag:s24], $0x1000  }
0xb5: {  	[sflag:s24] =	ssyncset.done $0x0  }
0xb6: {  	[sflag:s24] =	ssyncadd.s32 $0xFFFFF000  }
0xb7: {  	s6 =	simm.s32 $0x200;
	_ =	swait.ge [sflag:s25], $0x1000  }
0xb8: {  	s8 =	simm.s32 $0x100;
	s9 =	rddreg [dreg:$0x4];
	[sflag:s25] =	ssyncset.done $0x0  }
.LBB2_2:
0xb9: {  	[sflag:s25] =	ssyncadd.s32 $0xFFFFF000;
	s9 =	sadd.s32 s8, s9  }
0xba: {  	[tilespmem:s11], [sflag:$0x9] =	stream.linear.gather [hbm4b:s9+s3], $0x800, $0x38;
	[tilespmem:$0xA000] =	vst v63  }
0xbb: {  	_ =	swait.ge [sflag:s10], $0x800  }
0xbc: {  	s9 =	rddreg [dreg:$0x3];
	[sflag:s10] =	ssyncset.done $0x0  }
0xbd: {  	[sflag:s10] =	ssyncadd.s32 $0xFFFFF800;
	s9 =	sadd.s32 s8, s9  }
0xbe: {  	[tilespmem:s12], [sflag:$0x9] =	stream.linear.gather [hbm4b:s9+s3], $0x800, $0x38;
	[tilespmem:$0xA000] =	vst v63  }
0xbf: {  	_ =	swait.ge [sflag:s10], $0x800  }
0xc0: {  	[sflag:s10] =	ssyncset.done $0x0  }
0xc1: {  	[sflag:s10] =	ssyncadd.s32 $0xFFFFF800  }
0xc2: {  	[tilespmem:s14], [sflag:$0x1] =	stream.indirect.gather [hbm4b:s4+s13], $0x20, s11, s13, $0xb8;
	[tilespmem:$0xA000] =	vst v63  }
0xc3: {  	s9 =	rddreg [dreg:$0x5]  }
0xc4: {  	[tilespmem:s15], [sflag:$0x2] =	stream.indirect.gather [hbm4b:s4+s13], $0x20, s9, s13, $0xb8;
	[tilespmem:$0xA000] =	vst v63  }
0xc5: {  	_ =	swait.ge [sflag:s16], $0x1000  }
0xc6: {  	[sflag:s16] =	ssyncset.done $0x0  }
0xc7: {  	[sflag:s16] =	ssyncadd.s32 $0xFFFFF000  }
0xc8: {  	[spmem:s2] =	stream.indirect.scatter.add.f32 [tilespmem:s14], [sflag:$0x5], $0x20, s12, s13, $0xb8;
	[tilespmem:$0xA000] =	vst v63  }
0xc9: {  	s9 =	rddreg [dreg:$0x6]  }
0xca: {  	[tilespmem:s17], [sflag:$0x3] =	stream.indirect.gather [hbm4b:s4+s13], $0x20, s9, s13, $0xb8;
	[tilespmem:$0xA000] =	vst v63  }
0xcb: {  	_ =	swait.ge [sflag:s18], $0x1000  }
0xcc: {  	s7 =	smov.u32 s6;
	[sflag:s18] =	ssyncset.done $0x0  }
0xcd: {  	s8 =	smov.u32 s7;
	s7 =	rddreg [dreg:$0x7];
	[sflag:s18] =	ssyncadd.s32 $0xFFFFF000  }
0xce: {  	[spmem:s2] =	stream.indirect.scatter.add.f32 [tilespmem:s15], [sflag:$0x6], $0x20, s7, s13, $0xb8;
	[tilespmem:$0xA000] =	vst v63  }
0xcf: {  	s9 =	rddreg [dreg:$0x8]  }
0xd0: {  	[tilespmem:s19], [sflag:$0x4] =	stream.indirect.gather [hbm4b:s4+s13], $0x20, s9, s13, $0xb8;
	[tilespmem:$0xA000] =	vst v63  }
0xd1: {  	_ =	swait.ge [sflag:s20], $0x1000  }
0xd2: {  	[sflag:s20] =	ssyncset.done $0x0  }
0xd3: {  	s9 =	rddreg [dreg:$0x9];
	[sflag:s20] =	ssyncadd.s32 $0xFFFFF000  }
0xd4: {  	[spmem:s2] =	stream.indirect.scatter.add.f32 [tilespmem:s17], [sflag:$0x7], $0x20, s9, s13, $0xb8;
	[tilespmem:$0xA000] =	vst v63  }
0xd5: {  	_ =	swait.ge [sflag:s21], $0x1000  }
0xd6: {  	[sflag:s21] =	ssyncset.done $0x0  }
0xd7: {  	s9 =	rddreg [dreg:$0xa];
	[sflag:s21] =	ssyncadd.s32 $0xFFFFF000  }
0xd8: {  	[tilespmem:s14], [sflag:$0x1] =	stream.indirect.gather [hbm4b:s4+s13], $0x20, s9, s13, $0xb8;
	[tilespmem:$0xA000] =	vst v63  }
0xd9: {  	_ =	swait.ge [sflag:s22], $0x1000  }
0xda: {  	[sflag:s22] =	ssyncset.done $0x0  }
0xdb: {  	s9 =	rddreg [dreg:$0xb];
	[sflag:s22] =	ssyncadd.s32 $0xFFFFF000  }
0xdc: {  	[spmem:s2] =	stream.indirect.scatter.add.f32 [tilespmem:s19], [sflag:$0x8], $0x20, s9, s13, $0xb8;
	[tilespmem:$0xA000] =	vst v63  }
0xdd: {  	_ =	swait.ge [sflag:s23], $0x1000  }
0xde: {  	[sflag:s23] =	ssyncset.done $0x0  }
0xdf: {  	s9 =	rddreg [dreg:$0xc];
	[sflag:s23] =	ssyncadd.s32 $0xFFFFF000  }
0xe0: {  	[tilespmem:s15], [sflag:$0x2] =	stream.indirect.gather [hbm4b:s4+s13], $0x20, s9, s13, $0xb8;
	[tilespmem:$0xA000] =	vst v63  }
0xe1: {  	_ =	swait.ge [sflag:s16], $0x1000  }
0xe2: {  	[sflag:s16] =	ssyncset.done $0x0  }
0xe3: {  	s9 =	rddreg [dreg:$0xd];
	[sflag:s16] =	ssyncadd.s32 $0xFFFFF000  }
0xe4: {  	[spmem:s2] =	stream.indirect.scatter.add.f32 [tilespmem:s14], [sflag:$0x5], $0x20, s9, s13, $0xb8;
	[tilespmem:$0xA000] =	vst v63  }
0xe5: {  	_ =	swait.ge [sflag:s24], $0x1000  }
0xe6: {  	[sflag:s24] =	ssyncset.done $0x0  }
0xe7: {  	s9 =	rddreg [dreg:$0xe];
	[sflag:s24] =	ssyncadd.s32 $0xFFFFF000  }
0xe8: {  	[tilespmem:s17], [sflag:$0x3] =	stream.indirect.gather [hbm4b:s4+s13], $0x20, s9, s13, $0xb8;
	[tilespmem:$0xA000] =	vst v63  }
0xe9: {  	_ =	swait.ge [sflag:s18], $0x1000  }
0xea: {  	[sflag:s18] =	ssyncset.done $0x0  }
0xeb: {  	s9 =	rddreg [dreg:$0xf];
	[sflag:s18] =	ssyncadd.s32 $0xFFFFF000  }
0xec: {  	[spmem:s2] =	stream.indirect.scatter.add.f32 [tilespmem:s15], [sflag:$0x6], $0x20, s9, s13, $0xb8;
	[tilespmem:$0xA000] =	vst v63  }
0xed: {  	_ =	swait.ge [sflag:s25], $0x1000  }
0xee: {  	[sflag:s25] =	ssyncset.done $0x0  }
0xef: {  	s9 =	rddreg [dreg:$0x10];
	[sflag:s25] =	ssyncadd.s32 $0xFFFFF000  }
0xf0: {  	[tilespmem:s19], [sflag:$0x4] =	stream.indirect.gather [hbm4b:s4+s13], $0x20, s9, s13, $0xb8;
	[tilespmem:$0xA000] =	vst v63  }
0xf1: {  	_ =	swait.ge [sflag:s20], $0x1000  }
0xf2: {  	[sflag:s20] =	ssyncset.done $0x0  }
0xf3: {  	s9 =	rddreg [dreg:$0x11];
	[sflag:s20] =	ssyncadd.s32 $0xFFFFF000  }
0xf4: {  	[spmem:s2] =	stream.indirect.scatter.add.f32 [tilespmem:s17], [sflag:$0x7], $0x20, s9, s13, $0xb8;
	[tilespmem:$0xA000] =	vst v63  }
0xf5: {  	_ =	swait.ge [sflag:s21], $0x1000  }
0xf6: {  	[sflag:s21] =	ssyncset.done $0x0  }
0xf7: {  	s9 =	rddreg [dreg:$0x12];
	[sflag:s21] =	ssyncadd.s32 $0xFFFFF000  }
0xf8: {  	[tilespmem:s14], [sflag:$0x1] =	stream.indirect.gather [hbm4b:s4+s13], $0x20, s9, s13, $0xb8;
	[tilespmem:$0xA000] =	vst v63  }
0xf9: {  	_ =	swait.ge [sflag:s22], $0x1000  }
0xfa: {  	[sflag:s22] =	ssyncset.done $0x0  }
0xfb: {  	s9 =	rddreg [dreg:$0x13];
	[sflag:s22] =	ssyncadd.s32 $0xFFFFF000  }
0xfc: {  	[spmem:s2] =	stream.indirect.scatter.add.f32 [tilespmem:s19], [sflag:$0x8], $0x20, s9, s13, $0xb8;
	[tilespmem:$0xA000] =	vst v63  }
0xfd: {  	_ =	swait.ge [sflag:s23], $0x1000  }
0xfe: {  	[sflag:s23] =	ssyncset.done $0x0  }
0xff: {  	s9 =	rddreg [dreg:$0x14];
	[sflag:s23] =	ssyncadd.s32 $0xFFFFF000  }
0x100: {  	[tilespmem:s15], [sflag:$0x2] =	stream.indirect.gather [hbm4b:s4+s13], $0x20, s9, s13, $0xb8;
	[tilespmem:$0xA000] =	vst v63  }
0x101: {  	_ =	swait.ge [sflag:s16], $0x1000  }
0x102: {  	[sflag:s16] =	ssyncset.done $0x0  }
0x103: {  	s9 =	rddreg [dreg:$0x15];
	[sflag:s16] =	ssyncadd.s32 $0xFFFFF000  }
0x104: {  	[spmem:s2] =	stream.indirect.scatter.add.f32 [tilespmem:s14], [sflag:$0x5], $0x20, s9, s13, $0xb8;
	[tilespmem:$0xA000] =	vst v63  }
0x105: {  	_ =	swait.ge [sflag:s24], $0x1000  }
0x106: {  	[sflag:s24] =	ssyncset.done $0x0  }
0x107: {  	s9 =	rddreg [dreg:$0x16];
	[sflag:s24] =	ssyncadd.s32 $0xFFFFF000  }
0x108: {  	[tilespmem:s17], [sflag:$0x3] =	stream.indirect.gather [hbm4b:s4+s13], $0x20, s9, s13, $0xb8;
	[tilespmem:$0xA000] =	vst v63  }
0x109: {  	_ =	swait.ge [sflag:s18], $0x1000  }
0x10a: {  	[sflag:s18] =	ssyncset.done $0x0  }
0x10b: {  	s9 =	rddreg [dreg:$0x17];
	[sflag:s18] =	ssyncadd.s32 $0xFFFFF000  }
0x10c: {  	[spmem:s2] =	stream.indirect.scatter.add.f32 [tilespmem:s15], [sflag:$0x6], $0x20, s9, s13, $0xb8;
	[tilespmem:$0xA000] =	vst v63  }
0x10d: {  	_ =	swait.ge [sflag:s25], $0x1000  }
0x10e: {  	[sflag:s25] =	ssyncset.done $0x0  }
0x10f: {  	s9 =	rddreg [dreg:$0x18];
	[sflag:s25] =	ssyncadd.s32 $0xFFFFF000  }
0x110: {  	[tilespmem:s19], [sflag:$0x4] =	stream.indirect.gather [hbm4b:s4+s13], $0x20, s9, s13, $0xb8;
	[tilespmem:$0xA000] =	vst v63  }
0x111: {  	_ =	swait.ge [sflag:s20], $0x1000  }
0x112: {  	[sflag:s20] =	ssyncset.done $0x0  }
0x113: {  	s9 =	rddreg [dreg:$0x19];
	[sflag:s20] =	ssyncadd.s32 $0xFFFFF000  }
0x114: {  	[spmem:s2] =	stream.indirect.scatter.add.f32 [tilespmem:s17], [sflag:$0x7], $0x20, s9, s13, $0xb8;
	[tilespmem:$0xA000] =	vst v63  }
0x115: {  	_ =	swait.ge [sflag:s21], $0x1000  }
0x116: {  	[sflag:s21] =	ssyncset.done $0x0  }
0x117: {  	s9 =	rddreg [dreg:$0x1a];
	[sflag:s21] =	ssyncadd.s32 $0xFFFFF000  }
0x118: {  	[tilespmem:s14], [sflag:$0x1] =	stream.indirect.gather [hbm4b:s4+s13], $0x20, s9, s13, $0xb8;
	[tilespmem:$0xA000] =	vst v63  }
0x119: {  	_ =	swait.ge [sflag:s22], $0x1000  }
0x11a: {  	[sflag:s22] =	ssyncset.done $0x0  }
0x11b: {  	[sflag:s22] =	ssyncadd.s32 $0xFFFFF000  }
0x11c: {  	[spmem:s2] =	stream.indirect.scatter.add.f32 [tilespmem:s19], [sflag:$0x8], $0x20, s26, s13, $0xb8;
	[tilespmem:$0xA000] =	vst v63  }
0x11d: {  	_ =	swait.ge [sflag:s23], $0x1000  }
0x11e: {  	[sflag:s23] =	ssyncset.done $0x0  }
0x11f: {  	[sflag:s23] =	ssyncadd.s32 $0xFFFFF000  }
0x120: {  	[tilespmem:s15], [sflag:$0x2] =	stream.indirect.gather [hbm4b:s4+s13], $0x20, s28, s13, $0xb8;
	[tilespmem:$0xA000] =	vst v63  }
0x121: {  	_ =	swait.ge [sflag:s16], $0x1000  }
0x122: {  	[sflag:s16] =	ssyncset.done $0x0  }
0x123: {  	[sflag:s16] =	ssyncadd.s32 $0xFFFFF000  }
0x124: {  	[spmem:s2] =	stream.indirect.scatter.add.f32 [tilespmem:s14], [sflag:$0x5], $0x20, s29, s13, $0xb8;
	[tilespmem:$0xA000] =	vst v63  }
0x125: {  	_ =	swait.ge [sflag:s24], $0x1000  }
0x126: {  	[sflag:s24] =	ssyncset.done $0x0  }
0x127: {  	[sflag:s24] =	ssyncadd.s32 $0xFFFFF000  }
0x128: {  	[tilespmem:s17], [sflag:$0x3] =	stream.indirect.gather [hbm4b:s4+s13], $0x20, s30, s13, $0xb8;
	[tilespmem:$0xA000] =	vst v63  }
0x129: {  	_ =	swait.ge [sflag:s18], $0x1000  }
0x12a: {  	[sflag:s18] =	ssyncset.done $0x0  }
0x12b: {  	[sflag:s18] =	ssyncadd.s32 $0xFFFFF000  }
0x12c: {  	[spmem:s2] =	stream.indirect.scatter.add.f32 [tilespmem:s15], [sflag:$0x6], $0x20, s31, s13, $0xb8;
	[tilespmem:$0xA000] =	vst v63  }
0x12d: {  	_ =	swait.ge [sflag:s25], $0x1000  }
0x12e: {  	[sflag:s25] =	ssyncset.done $0x0  }
0x12f: {  	[sflag:s25] =	ssyncadd.s32 $0xFFFFF000  }
0x130: {  	[tilespmem:s19], [sflag:$0x4] =	stream.indirect.gather [hbm4b:s4+s13], $0x20, s1, s13, $0xb8;
	[tilespmem:$0xA000] =	vst v63  }
0x131: {  	_ =	swait.ge [sflag:s20], $0x1000  }
0x132: {  	[sflag:s20] =	ssyncset.done $0x0  }
0x133: {  	[sflag:s20] =	ssyncadd.s32 $0xFFFFF000  }
0x134: {  	[spmem:s2] =	stream.indirect.scatter.add.f32 [tilespmem:s17], [sflag:$0x7], $0x20, s0, s13, $0xb8;
	[tilespmem:$0xA000] =	vst v63  }
0x135: {  	_ =	swait.ge [sflag:s22], $0x1000  }
0x136: {  	[sflag:s22] =	ssyncset.done $0x0  }
0x137: {  	[sflag:s22] =	ssyncadd.s32 $0xFFFFF000  }
0x138: {  	[spmem:s2] =	stream.indirect.scatter.add.f32 [tilespmem:s19], [sflag:$0x8], $0x20, s5, s13, $0xb8;
	[tilespmem:$0xA000] =	vst v63  }
0x139: {  	_ =	swait.ge [sflag:s21], $0x1000  }
0x13a: {  	[sflag:s21] =	ssyncset.done $0x0  }
0x13b: {  	[sflag:s21] =	ssyncadd.s32 $0xFFFFF000  }
0x13c: {  	_ =	swait.ge [sflag:s23], $0x1000  }
0x13d: {  	[sflag:s23] =	ssyncset.done $0x0  }
0x13e: {  	p0 =	sne.s32 s6, $0x400;
	[sflag:s23] =	ssyncadd.s32 $0xFFFFF000  }
.Ltmp0:
0x13f: {  	_ =	swait.ge [sflag:s24], $0x1000;
	(pc) =	sbr.rel @p0 .LBB2_2-.Ltmp0, $4  }
0x140: {  	[sflag:s24] =	ssyncset.done $0x0  }
0x141: {  	[sflag:s24] =	ssyncadd.s32 $0xFFFFF000  }
0x142: {  	_ =	swait.ge [sflag:s25], $0x1000  }
0x143: {  	s6 =	sadd.s32 $0x100, s6;
	s9 =	rddreg [dreg:$0x4];
	[sflag:s25] =	ssyncset.done $0x0  }
0x144: {  	[sflag:s25] =	ssyncadd.s32 $0xFFFFF000;
	s6 =	sadd.s32 s8, s9  }
0x145: {  	[tilespmem:s11], [sflag:$0x9] =	stream.linear.gather [hbm4b:s6+s3], $0x800, $0x38;
	[tilespmem:$0xA000] =	vst v63  }
0x146: {  	_ =	swait.ge [sflag:s10], $0x800  }
0x147: {  	s7 =	rddreg [dreg:$0x3];
	[sflag:s10] =	ssyncset.done $0x0  }
0x148: {  	[sflag:s10] =	ssyncadd.s32 $0xFFFFF800;
	s6 =	sadd.s32 s8, s7  }
0x149: {  	[tilespmem:s12], [sflag:$0x9] =	stream.linear.gather [hbm4b:s6+s3], $0x800, $0x38;
	[tilespmem:$0xA000] =	vst v63  }
0x14a: {  	_ =	swait.ge [sflag:s10], $0x800  }
0x14b: {  	[sflag:s10] =	ssyncset.done $0x0  }
0x14c: {  	[sflag:s10] =	ssyncadd.s32 $0xFFFFF800  }
0x14d: {  	[tilespmem:s14], [sflag:$0x1] =	stream.indirect.gather [hbm4b:s4+s13], $0x20, s11, s13, $0xb8;
	[tilespmem:$0xA000] =	vst v63  }
0x14e: {  	s9 =	rddreg [dreg:$0x5]  }
0x14f: {  	[tilespmem:s15], [sflag:$0x2] =	stream.indirect.gather [hbm4b:s4+s13], $0x20, s9, s13, $0xb8;
	[tilespmem:$0xA000] =	vst v63  }
0x150: {  	_ =	swait.ge [sflag:s16], $0x1000  }
0x151: {  	[sflag:s16] =	ssyncset.done $0x0  }
0x152: {  	[sflag:s16] =	ssyncadd.s32 $0xFFFFF000  }
0x153: {  	[spmem:s2] =	stream.indirect.scatter.add.f32 [tilespmem:s14], [sflag:$0x5], $0x20, s12, s13, $0xb8;
	[tilespmem:$0xA000] =	vst v63  }
0x154: {  	s7 =	rddreg [dreg:$0x6]  }
0x155: {  	[tilespmem:s17], [sflag:$0x3] =	stream.indirect.gather [hbm4b:s4+s13], $0x20, s7, s13, $0xb8;
	[tilespmem:$0xA000] =	vst v63  }
0x156: {  	_ =	swait.ge [sflag:s18], $0x1000  }
0x157: {  	[sflag:s18] =	ssyncset.done $0x0  }
0x158: {  	s8 =	rddreg [dreg:$0x7];
	[sflag:s18] =	ssyncadd.s32 $0xFFFFF000  }
0x159: {  	[spmem:s2] =	stream.indirect.scatter.add.f32 [tilespmem:s15], [sflag:$0x6], $0x20, s8, s13, $0xb8;
	[tilespmem:$0xA000] =	vst v63  }
0x15a: {  	s7 =	rddreg [dreg:$0x8]  }
0x15b: {  	[tilespmem:s19], [sflag:$0x4] =	stream.indirect.gather [hbm4b:s4+s13], $0x20, s7, s13, $0xb8;
	[tilespmem:$0xA000] =	vst v63  }
0x15c: {  	_ =	swait.ge [sflag:s20], $0x1000  }
0x15d: {  	[sflag:s20] =	ssyncset.done $0x0  }
0x15e: {  	s9 =	rddreg [dreg:$0x9];
	[sflag:s20] =	ssyncadd.s32 $0xFFFFF000  }
0x15f: {  	[spmem:s2] =	stream.indirect.scatter.add.f32 [tilespmem:s17], [sflag:$0x7], $0x20, s9, s13, $0xb8;
	[tilespmem:$0xA000] =	vst v63  }
0x160: {  	_ =	swait.ge [sflag:s21], $0x1000  }
0x161: {  	[sflag:s21] =	ssyncset.done $0x0  }
0x162: {  	s7 =	rddreg [dreg:$0xa];
	[sflag:s21] =	ssyncadd.s32 $0xFFFFF000  }
0x163: {  	[tilespmem:s14], [sflag:$0x1] =	stream.indirect.gather [hbm4b:s4+s13], $0x20, s7, s13, $0xb8;
	[tilespmem:$0xA000] =	vst v63  }
0x164: {  	_ =	swait.ge [sflag:s22], $0x1000  }
0x165: {  	[sflag:s22] =	ssyncset.done $0x0  }
0x166: {  	s8 =	rddreg [dreg:$0xb];
	[sflag:s22] =	ssyncadd.s32 $0xFFFFF000  }
0x167: {  	[spmem:s2] =	stream.indirect.scatter.add.f32 [tilespmem:s19], [sflag:$0x8], $0x20, s8, s13, $0xb8;
	[tilespmem:$0xA000] =	vst v63  }
0x168: {  	_ =	swait.ge [sflag:s23], $0x1000  }
0x169: {  	[sflag:s23] =	ssyncset.done $0x0  }
0x16a: {  	s9 =	rddreg [dreg:$0xc];
	[sflag:s23] =	ssyncadd.s32 $0xFFFFF000  }
0x16b: {  	[tilespmem:s15], [sflag:$0x2] =	stream.indirect.gather [hbm4b:s4+s13], $0x20, s9, s13, $0xb8;
	[tilespmem:$0xA000] =	vst v63  }
0x16c: {  	_ =	swait.ge [sflag:s16], $0x1000  }
0x16d: {  	[sflag:s16] =	ssyncset.done $0x0  }
0x16e: {  	s7 =	rddreg [dreg:$0xd];
	[sflag:s16] =	ssyncadd.s32 $0xFFFFF000  }
0x16f: {  	[spmem:s2] =	stream.indirect.scatter.add.f32 [tilespmem:s14], [sflag:$0x5], $0x20, s7, s13, $0xb8;
	[tilespmem:$0xA000] =	vst v63  }
0x170: {  	_ =	swait.ge [sflag:s24], $0x1000  }
0x171: {  	[sflag:s24] =	ssyncset.done $0x0  }
0x172: {  	s8 =	rddreg [dreg:$0xe];
	[sflag:s24] =	ssyncadd.s32 $0xFFFFF000  }
0x173: {  	[tilespmem:s17], [sflag:$0x3] =	stream.indirect.gather [hbm4b:s4+s13], $0x20, s8, s13, $0xb8;
	[tilespmem:$0xA000] =	vst v63  }
0x174: {  	_ =	swait.ge [sflag:s18], $0x1000  }
0x175: {  	[sflag:s18] =	ssyncset.done $0x0  }
0x176: {  	s9 =	rddreg [dreg:$0xf];
	[sflag:s18] =	ssyncadd.s32 $0xFFFFF000  }
0x177: {  	[spmem:s2] =	stream.indirect.scatter.add.f32 [tilespmem:s15], [sflag:$0x6], $0x20, s9, s13, $0xb8;
	[tilespmem:$0xA000] =	vst v63  }
0x178: {  	_ =	swait.ge [sflag:s25], $0x1000  }
0x179: {  	[sflag:s25] =	ssyncset.done $0x0  }
0x17a: {  	s7 =	rddreg [dreg:$0x10];
	[sflag:s25] =	ssyncadd.s32 $0xFFFFF000  }
0x17b: {  	[tilespmem:s19], [sflag:$0x4] =	stream.indirect.gather [hbm4b:s4+s13], $0x20, s7, s13, $0xb8;
	[tilespmem:$0xA000] =	vst v63  }
0x17c: {  	_ =	swait.ge [sflag:s20], $0x1000  }
0x17d: {  	[sflag:s20] =	ssyncset.done $0x0  }
0x17e: {  	s8 =	rddreg [dreg:$0x11];
	[sflag:s20] =	ssyncadd.s32 $0xFFFFF000  }
0x17f: {  	[spmem:s2] =	stream.indirect.scatter.add.f32 [tilespmem:s17], [sflag:$0x7], $0x20, s8, s13, $0xb8;
	[tilespmem:$0xA000] =	vst v63  }
0x180: {  	_ =	swait.ge [sflag:s21], $0x1000  }
0x181: {  	[sflag:s21] =	ssyncset.done $0x0  }
0x182: {  	s9 =	rddreg [dreg:$0x12];
	[sflag:s21] =	ssyncadd.s32 $0xFFFFF000  }
0x183: {  	[tilespmem:s14], [sflag:$0x1] =	stream.indirect.gather [hbm4b:s4+s13], $0x20, s9, s13, $0xb8;
	[tilespmem:$0xA000] =	vst v63  }
0x184: {  	_ =	swait.ge [sflag:s22], $0x1000  }
0x185: {  	[sflag:s22] =	ssyncset.done $0x0  }
0x186: {  	s7 =	rddreg [dreg:$0x13];
	[sflag:s22] =	ssyncadd.s32 $0xFFFFF000  }
0x187: {  	[spmem:s2] =	stream.indirect.scatter.add.f32 [tilespmem:s19], [sflag:$0x8], $0x20, s7, s13, $0xb8;
	[tilespmem:$0xA000] =	vst v63  }
0x188: {  	_ =	swait.ge [sflag:s23], $0x1000  }
0x189: {  	[sflag:s23] =	ssyncset.done $0x0  }
0x18a: {  	s8 =	rddreg [dreg:$0x14];
	[sflag:s23] =	ssyncadd.s32 $0xFFFFF000  }
0x18b: {  	[tilespmem:s15], [sflag:$0x2] =	stream.indirect.gather [hbm4b:s4+s13], $0x20, s8, s13, $0xb8;
	[tilespmem:$0xA000] =	vst v63  }
0x18c: {  	_ =	swait.ge [sflag:s16], $0x1000  }
0x18d: {  	[sflag:s16] =	ssyncset.done $0x0  }
0x18e: {  	s9 =	rddreg [dreg:$0x15];
	[sflag:s16] =	ssyncadd.s32 $0xFFFFF000  }
0x18f: {  	[spmem:s2] =	stream.indirect.scatter.add.f32 [tilespmem:s14], [sflag:$0x5], $0x20, s9, s13, $0xb8;
	[tilespmem:$0xA000] =	vst v63  }
0x190: {  	_ =	swait.ge [sflag:s24], $0x1000  }
0x191: {  	[sflag:s24] =	ssyncset.done $0x0  }
0x192: {  	s7 =	rddreg [dreg:$0x16];
	[sflag:s24] =	ssyncadd.s32 $0xFFFFF000  }
0x193: {  	[tilespmem:s17], [sflag:$0x3] =	stream.indirect.gather [hbm4b:s4+s13], $0x20, s7, s13, $0xb8;
	[tilespmem:$0xA000] =	vst v63  }
0x194: {  	_ =	swait.ge [sflag:s18], $0x1000  }
0x195: {  	[sflag:s18] =	ssyncset.done $0x0  }
0x196: {  	s8 =	rddreg [dreg:$0x17];
	[sflag:s18] =	ssyncadd.s32 $0xFFFFF000  }
0x197: {  	[spmem:s2] =	stream.indirect.scatter.add.f32 [tilespmem:s15], [sflag:$0x6], $0x20, s8, s13, $0xb8;
	[tilespmem:$0xA000] =	vst v63  }
0x198: {  	_ =	swait.ge [sflag:s25], $0x1000  }
0x199: {  	[sflag:s25] =	ssyncset.done $0x0  }
0x19a: {  	s9 =	rddreg [dreg:$0x18];
	[sflag:s25] =	ssyncadd.s32 $0xFFFFF000  }
0x19b: {  	[tilespmem:s19], [sflag:$0x4] =	stream.indirect.gather [hbm4b:s4+s13], $0x20, s9, s13, $0xb8;
	[tilespmem:$0xA000] =	vst v63  }
0x19c: {  	_ =	swait.ge [sflag:s20], $0x1000  }
0x19d: {  	[sflag:s20] =	ssyncset.done $0x0  }
0x19e: {  	s7 =	rddreg [dreg:$0x19];
	[sflag:s20] =	ssyncadd.s32 $0xFFFFF000  }
0x19f: {  	[spmem:s2] =	stream.indirect.scatter.add.f32 [tilespmem:s17], [sflag:$0x7], $0x20, s7, s13, $0xb8;
	[tilespmem:$0xA000] =	vst v63  }
0x1a0: {  	_ =	swait.ge [sflag:s21], $0x1000  }
0x1a1: {  	[sflag:s21] =	ssyncset.done $0x0  }
0x1a2: {  	s8 =	rddreg [dreg:$0x1a];
	[sflag:s21] =	ssyncadd.s32 $0xFFFFF000  }
0x1a3: {  	[tilespmem:s14], [sflag:$0x1] =	stream.indirect.gather [hbm4b:s4+s13], $0x20, s8, s13, $0xb8;
	[tilespmem:$0xA000] =	vst v63  }
0x1a4: {  	_ =	swait.ge [sflag:s22], $0x1000  }
0x1a5: {  	[sflag:s22] =	ssyncset.done $0x0  }
0x1a6: {  	[sflag:s22] =	ssyncadd.s32 $0xFFFFF000  }
0x1a7: {  	[spmem:s2] =	stream.indirect.scatter.add.f32 [tilespmem:s19], [sflag:$0x8], $0x20, s26, s13, $0xb8;
	[tilespmem:$0xA000] =	vst v63  }
0x1a8: {  	_ =	swait.ge [sflag:s23], $0x1000  }
0x1a9: {  	[sflag:s23] =	ssyncset.done $0x0  }
0x1aa: {  	[sflag:s23] =	ssyncadd.s32 $0xFFFFF000  }
0x1ab: {  	[tilespmem:s15], [sflag:$0x2] =	stream.indirect.gather [hbm4b:s4+s13], $0x20, s28, s13, $0xb8;
	[tilespmem:$0xA000] =	vst v63  }
0x1ac: {  	_ =	swait.ge [sflag:s16], $0x1000  }
0x1ad: {  	[sflag:s16] =	ssyncset.done $0x0  }
0x1ae: {  	[sflag:s16] =	ssyncadd.s32 $0xFFFFF000  }
0x1af: {  	[spmem:s2] =	stream.indirect.scatter.add.f32 [tilespmem:s14], [sflag:$0x5], $0x20, s29, s13, $0xb8;
	[tilespmem:$0xA000] =	vst v63  }
0x1b0: {  	_ =	swait.ge [sflag:s24], $0x1000  }
0x1b1: {  	[sflag:s24] =	ssyncset.done $0x0  }
0x1b2: {  	[sflag:s24] =	ssyncadd.s32 $0xFFFFF000  }
0x1b3: {  	[tilespmem:s17], [sflag:$0x3] =	stream.indirect.gather [hbm4b:s4+s13], $0x20, s30, s13, $0xb8;
	[tilespmem:$0xA000] =	vst v63  }
0x1b4: {  	_ =	swait.ge [sflag:s18], $0x1000  }
0x1b5: {  	[sflag:s18] =	ssyncset.done $0x0  }
0x1b6: {  	[sflag:s18] =	ssyncadd.s32 $0xFFFFF000  }
0x1b7: {  	[spmem:s2] =	stream.indirect.scatter.add.f32 [tilespmem:s15], [sflag:$0x6], $0x20, s31, s13, $0xb8;
	[tilespmem:$0xA000] =	vst v63  }
0x1b8: {  	_ =	swait.ge [sflag:s25], $0x1000  }
0x1b9: {  	[sflag:s25] =	ssyncset.done $0x0  }
0x1ba: {  	[sflag:s25] =	ssyncadd.s32 $0xFFFFF000  }
0x1bb: {  	[tilespmem:s19], [sflag:$0x4] =	stream.indirect.gather [hbm4b:s4+s13], $0x20, s1, s13, $0xb8;
	[tilespmem:$0xA000] =	vst v63  }
0x1bc: {  	_ =	swait.ge [sflag:s20], $0x1000  }
0x1bd: {  	[sflag:s20] =	ssyncset.done $0x0  }
0x1be: {  	[sflag:s20] =	ssyncadd.s32 $0xFFFFF000  }
0x1bf: {  	[spmem:s2] =	stream.indirect.scatter.add.f32 [tilespmem:s17], [sflag:$0x7], $0x20, s0, s13, $0xb8;
	[tilespmem:$0xA000] =	vst v63  }
0x1c0: {  	_ =	swait.ge [sflag:s22], $0x1000  }
0x1c1: {  	[sflag:s22] =	ssyncset.done $0x0  }
0x1c2: {  	[sflag:s22] =	ssyncadd.s32 $0xFFFFF000  }
0x1c3: {  	[spmem:s2] =	stream.indirect.scatter.add.f32 [tilespmem:s19], [sflag:$0x8], $0x20, s5, s13, $0xb8;
	[tilespmem:$0xA000] =	vst v63  }
0x1c4: {  	_ =	swait.ge [sflag:s21], $0x1000  }
0x1c5: {  	[sflag:s21] =	ssyncset.done $0x0  }
0x1c6: {  	[sflag:s21] =	ssyncadd.s32 $0xFFFFF000  }
0x1c7: {  	_ =	swait.ge [sflag:s23], $0x1000  }
0x1c8: {  	[sflag:s23] =	ssyncset.done $0x0  }
0x1c9: {  	[sflag:s23] =	ssyncadd.s32 $0xFFFFF000  }
0x1ca: {  	_ =	swait.ge [sflag:s24], $0x1000  }
0x1cb: {  	[sflag:s24] =	ssyncset.done $0x0  }
0x1cc: {  	[sflag:s24] =	ssyncadd.s32 $0xFFFFF000  }
0x1cd: {  	_ =	swait.ge [sflag:s25], $0x1000  }
0x1ce: {  	[sflag:s25] =	ssyncset.done $0x0  }
0x1cf: {  	[sflag:s25] =	ssyncadd.s32 $0xFFFFF000  }
0x1d0: {  	[bflag:$0x0] =	sbarrier.arrive $0xFFFF  }
0x1d1: {  	s7 =	rddreg [dreg:$0x1c]  }
0x1d2: {  	s9 =	rddreg [dreg:$0x1d]  }
0x1d3: {  	s8 =	rddreg [dreg:$0x1f]  }
0x1d4: {  	[hbm:s9], [sflag:s7] =	dma.local [spmem:s8], $0xA00  }
0x1d5: {  	_ =	swait.ge [sflag:s10], $0xA00  }
0x1d6: {  	s6 =	sld [smem:$0x7FD];
	_ =	sdelay $0x2  }
0x1d7: {  	s9 =	sadd.s32 $0x1, s6;
	s6 =	rddreg [dreg:$0x1e]  }
0x1d8: {  	p0 =	sne.s32 s9, s6  }
.Ltmp1:
0x1d9: {  	_ = 	snop;
	(pc) =	sbr.rel @p0 .LBB2_1-.Ltmp1, $3  }
0x1da: {  	_ =	sdelay $0x1  }
0x1db: {  	[sflag:s10] =	ssyncset.done $0x0  }
0x1dc: {  	[sflag:s10] =	ssyncadd.s32 $0xFFFFF600  }
0x1dd: {  	_ =	sfence.sel $0x180000  }
0x1de: {  	[bflag:$0x0] =	sbarrier.arrive $0xFFFF  }
0x1df: {  	_ =	strace $0x9000004A  }
0x1e0: {  	s0 =	stileid.u32;
	[bflag:$0x2] =	sbarrier.arrive $0xFFFF  }
0x1e1: {  	p0 =	sne.s32 s0, $0x0;
	s0 =	rddreg [dreg:$0x2]  }
0x1e2: {  	s0 =	sadd.s32 @!p0 $0x100000, s0  }
0x1e3: {  	[sflag:s0] =	ssyncadd.tile.s32 @!p0 $0x1;
	_ =	shalt  }
.Lfunc_end2:
_tile_overlayer_lowered:
.L_overlay_start_2:
0x1e4: {  	(tag) =	ssettag $0x2  }
0x1e5: {  	s0 =	rddreg [dreg:$0x0];
	s2 =	stileid.u32  }
0x1e6: {  	s1 =	rddreg [dreg:$0x1];
	p0 =	sne.s32 s2, $0x0  }
0x1e7: {  	s3 =	rddreg [dreg:$0x2];
	[bflag:$0x3] =	sbarrier.arrive $0xFFFF;
	s2 =	simm.s32 @!p0 $0x1C09  }
0x1e8: {  	[timem:s3], [sflag:s2] =	dma.local @!p0 [hbm:s0], s1  }
0x1e9: {  	s0 =	simm.s32 @!p0 $0x9  }
0x1ea: {  	_ =	swait.ge @!p0 [sflag:s0], s1  }
0x1eb: {  	s1 =	ssub.s32 @!p0 $0x0, s1;
	[sflag:s0] =	ssyncset.done @!p0 $0x0  }
0x1ec: {  	[sflag:s0] =	ssyncadd.s32 @!p0 s1  }
0x1ed: {  	[bflag:$0x3] =	sbarrier.arrive $0xFFFF  }
0x1ee: {  	_ =	shalt  }

</sc_bundles>
